<compile_context>
chip_gen: v7x
topology: tpu7x:2x2x1
jax: 0.10.2.dev20260603
libtpu: 0.0.44.dev20260713+nightly
codegen_flags: <defaults>
</compile_context>

<pallas_src>
import functools

import jax
import jax.numpy as jnp
from jax import lax
from jax.experimental import pallas as pl
from jax.experimental.pallas import tpu as pltpu
from jax.experimental.pallas import tpu_sc as plsc

B, S, D, E = 2, 2048, 1024, 8
T = B * S
EP = 128
M = 512
MM = 512
NB = T // M
NBM = T // MM
WMAX = NBM + E - 1
SCOL = 128

NW = 32
TPW = T // NW
CS = 32
NCH = TPW // CS



def _gate_body(x_ref, wg_ref, tri_ref, tinc_ref, gs_ref, gs1_ref, eye_ref,
               gate_ref, rank_ref, selp_ref, wl_ref, loss_ref,
               run_ref, psum_ref):
    b = pl.program_id(0)

    @pl.when(b == 0)
    def _():
        run_ref[...] = jnp.zeros_like(run_ref)
        psum_ref[...] = jnp.zeros_like(psum_ref)

    xb = x_ref[...]
    wg = wg_ref[...]
    logits = jnp.dot(xb, wg, preferred_element_type=jnp.float32)
    lane = lax.broadcasted_iota(jnp.int32, (M, EP), 1)
    valid = lane < E
    neg = jnp.full_like(logits, -jnp.inf)
    logit_m = jnp.where(valid, logits, neg)
    mx = jnp.max(logit_m, axis=-1, keepdims=True)
    ex = jnp.where(valid, jnp.exp(logit_m - mx), 0.0)
    den = jnp.sum(ex, axis=-1, keepdims=True)
    probs = ex / den
    gate = jnp.argmax(logit_m, axis=-1).astype(jnp.int32)
    selp = jnp.max(probs, axis=-1)

    onehot = jnp.where(lane == gate[:, None], 1.0, 0.0)
    cum_excl = jnp.dot(tri_ref[...], onehot, preferred_element_type=jnp.float32)
    local_rank = jnp.sum(cum_excl * onehot, axis=1)
    carry = jnp.sum(run_ref[...] * onehot, axis=1)
    rank = (local_rank + carry).astype(jnp.int32)

    gate_ref[...] = gate
    rank_ref[...] = rank
    run_ref[...] = run_ref[...] + jnp.sum(onehot, axis=0, keepdims=True)
    psum_ref[...] = psum_ref[...] + jnp.sum(probs, axis=0, keepdims=True)

    lane2 = lax.broadcasted_iota(jnp.int32, (M, SCOL), 1)
    selp_ref[...] = jnp.where(lane2 == 0, selp[:, None], 0.0)

    @pl.when(b == NB - 1)
    def _():
        def exact_mm(vec, mat):
            hi = jnp.floor(vec * (1.0 / 128.0))
            lo = vec - hi * 128.0
            return (jnp.dot(hi, mat, preferred_element_type=jnp.float32)
                    * 128.0
                    + jnp.dot(lo, mat, preferred_element_type=jnp.float32))

        cnt = run_ref[...]
        psum = psum_ref[...]
        cum = exact_mm(cnt, tinc_ref[...])
        exc = cum - cnt
        pv = lax.broadcasted_iota(jnp.int32, (1, EP), 1)
        bbf = (pv >> 3).astype(jnp.float32)
        eef = (pv & 7).astype(jnp.float32)
        offe = exact_mm(exc, gs_ref[...])
        offe1 = exact_mm(exc, gs1_ref[...])
        seg_s = jnp.maximum(offe, bbf * MM)
        seg_e = jnp.minimum(offe1, bbf * MM + MM)
        act = jnp.logical_and(seg_e > seg_s, pv < NBM * E)
        actf = jnp.where(act, 1.0, 0.0)
        slot = jnp.dot(actf, tinc_ref[...],
                       preferred_element_type=jnp.float32) - 1.0
        slot_m = jnp.where(act, slot, -1.0)
        slot_t = jnp.sum(eye_ref[...] * slot_m, axis=1, keepdims=True)
        wlane = lax.broadcasted_iota(jnp.int32, (EP, EP), 1).astype(jnp.float32)
        match = jnp.where(slot_t == wlane, 1.0, 0.0)
        vals = jnp.concatenate([bbf, eef, seg_s, seg_e], axis=0)
        out4 = exact_mm(vals, match)
        cw = jnp.sum(match, axis=0, keepdims=True)
        filled = cw > 0.0
        blk_l = jnp.where(filled, out4[0:1, :], float(NBM - 1))
        eid_l = jnp.where(filled, out4[1:2, :], 0.0)
        rs_l = jnp.where(filled, out4[2:3, :], 0.0)
        re_l = jnp.where(filled, out4[3:4, :], 0.0)
        wl_ref[0:1, :] = blk_l.astype(jnp.int32)
        wl_ref[1:2, :] = eid_l.astype(jnp.int32)
        wl_ref[2:3, :] = rs_l.astype(jnp.int32)
        wl_ref[3:4, :] = re_l.astype(jnp.int32)
        wl_ref[4:5, :] = exc.astype(jnp.int32)
        wl_ref[5:6, :] = cnt.astype(jnp.int32)
        wl_ref[6:8, :] = jnp.zeros((2, EP), jnp.int32)
        ftot = cnt / jnp.float32(T)
        loss = jnp.float32(E) * jnp.sum((psum / jnp.float32(T)) * ftot)
        loss_ref[...] = jnp.full((1, EP), loss, jnp.float32)



def _pos_chunks(gate_hbm, rank_hbm, off_hbm, g_v, r_v, o_v, pos_v, base):
    pltpu.sync_copy(gate_hbm.at[pl.ds(base, TPW)], g_v)
    pltpu.sync_copy(rank_hbm.at[pl.ds(base, TPW)], r_v)
    pltpu.sync_copy(off_hbm, o_v)
    for c in range(TPW // 16):
        g16 = g_v[pl.ds(c * 16, 16)]
        off16 = plsc.load_gather(o_v, [g16])
        j, k = divmod(c * 16, CS)
        pos_v[j, pl.ds(k, 16)] = off16 + r_v[pl.ds(c * 16, 16)]


def _dispatch_body(gate_hbm, rank_hbm, off_hbm, x_hbm, sp_hbm, xs_hbm, sps_hbm,
                   g_v, r_v, o_v, pos_v, rows_v, srow_v,
                   rs0, rs1, ss0, ss1, ps0, ps1, qs0, qs1):
    wid = lax.axis_index("s") * 2 + lax.axis_index("c")
    base = wid * TPW
    rsem = (rs0, rs1)
    ssem = (ss0, ss1)
    psem = (ps0, ps1)
    qsem = (qs0, qs1)

    def read(j):
        return (pltpu.async_copy(x_hbm.at[pl.ds(base + j * CS, CS)],
                                 rows_v.at[j % 2], rsem[j % 2]),
                pltpu.async_copy(sp_hbm.at[pl.ds(base + j * CS, CS)],
                                 srow_v.at[j % 2], psem[j % 2]))

    def scat(j):
        return (pltpu.async_copy(rows_v.at[j % 2], xs_hbm.at[pos_v.at[j]],
                                 ssem[j % 2]),
                pltpu.async_copy(srow_v.at[j % 2], sps_hbm.at[pos_v.at[j]],
                                 qsem[j % 2]))

    def waitall(hs):
        for h in hs:
            h.wait()

    r0, r1 = read(0), read(1)
    _pos_chunks(gate_hbm, rank_hbm, off_hbm, g_v, r_v, o_v, pos_v, base)
    waitall(r0); s0 = scat(0)
    waitall(r1); s1 = scat(1)
    waitall(s0); r2 = read(2)
    waitall(r2); s2 = scat(2)
    waitall(s1); r3 = read(3)
    waitall(r3); s3 = scat(3)
    waitall(s2); waitall(s3)


def _combine_body(gate_hbm, rank_hbm, off_hbm, ys_hbm, out_hbm,
                  g_v, r_v, o_v, pos_v, rows_v, rs0, rs1, ss0, ss1):
    wid = lax.axis_index("s") * 2 + lax.axis_index("c")
    base = wid * TPW
    gsem = (rs0, rs1)
    wsem = (ss0, ss1)

    def gath(j):
        return pltpu.async_copy(ys_hbm.at[pos_v.at[j]], rows_v.at[j % 2],
                                gsem[j % 2])

    def write(j):
        return pltpu.async_copy(rows_v.at[j % 2],
                                out_hbm.at[pl.ds(base + j * CS, CS)],
                                wsem[j % 2])

    _pos_chunks(gate_hbm, rank_hbm, off_hbm, g_v, r_v, o_v, pos_v, base)
    g0, g1 = gath(0), gath(1)
    g0.wait(); w0 = write(0)
    g1.wait(); w1 = write(1)
    w0.wait(); g2 = gath(2)
    g2.wait(); w2 = write(2)
    w1.wait(); g3 = gath(3)
    g3.wait(); w3 = write(3)
    w2.wait(); w3.wait()


@functools.cache
def _sc_kernels():
    mesh = plsc.VectorSubcoreMesh(core_axis_name="c", subcore_axis_name="s")
    params = pltpu.CompilerParams(needs_layout_passes=False)
    dispatch = pl.kernel(
        _dispatch_body, mesh=mesh, compiler_params=params,
        out_type=(jax.ShapeDtypeStruct((T, D), jnp.float32),
                  jax.ShapeDtypeStruct((T, SCOL), jnp.float32)),
        scratch_types=[
            pltpu.VMEM((TPW,), jnp.int32),
            pltpu.VMEM((TPW,), jnp.int32),
            pltpu.VMEM((16,), jnp.int32),
            pltpu.VMEM((NCH, CS), jnp.int32),
            pltpu.VMEM((2, CS, D), jnp.float32),
            pltpu.VMEM((2, CS, SCOL), jnp.float32),
            pltpu.SemaphoreType.DMA,
            pltpu.SemaphoreType.DMA,
            pltpu.SemaphoreType.DMA,
            pltpu.SemaphoreType.DMA,
            pltpu.SemaphoreType.DMA,
            pltpu.SemaphoreType.DMA,
            pltpu.SemaphoreType.DMA,
            pltpu.SemaphoreType.DMA,
        ],
    )
    combine = pl.kernel(
        _combine_body, mesh=mesh, compiler_params=params,
        out_type=jax.ShapeDtypeStruct((T, D), jnp.float32),
        scratch_types=[
            pltpu.VMEM((TPW,), jnp.int32),
            pltpu.VMEM((TPW,), jnp.int32),
            pltpu.VMEM((16,), jnp.int32),
            pltpu.VMEM((NCH, CS), jnp.int32),
            pltpu.VMEM((2, CS, D), jnp.float32),
            pltpu.SemaphoreType.DMA,
            pltpu.SemaphoreType.DMA,
            pltpu.SemaphoreType.DMA,
            pltpu.SemaphoreType.DMA,
        ],
    )
    return dispatch, combine



def _moe_body(wl_s, xs_ref, sp_ref, w_ref, b_ref, ys_ref):
    w = pl.program_id(0)
    blk = wl_s[0, w]
    prev_blk = wl_s[0, jnp.maximum(w - 1, 0)]
    first = jnp.logical_or(w == 0, blk != prev_blk)
    xb = xs_ref[...]
    y = jnp.dot(xb, w_ref[0], preferred_element_type=jnp.float32)
    y = (y + b_ref[0, 0, :][None, :]) * sp_ref[:, 0:1]
    jg = blk * MM + lax.broadcasted_iota(jnp.int32, (MM, 1), 0)
    mask = jnp.logical_and(jg >= wl_s[2, w], jg < wl_s[3, w])
    contrib = jnp.where(mask, y, 0.0)
    ys_ref[...] = jnp.where(first, contrib, ys_ref[...] + contrib)


def kernel(x, attention_mask, W_gate, W_experts, b_experts):
    del attention_mask
    xf = x.reshape(T, D)
    wg_pad = jnp.zeros((D, EP), jnp.float32).at[:, :E].set(W_gate)
    tri = jnp.tril(jnp.ones((M, M), jnp.float32), -1)
    tinc = jnp.triu(jnp.ones((EP, EP), jnp.float32))
    jj = jnp.arange(EP, dtype=jnp.int32)[:, None]
    ppl = jnp.arange(EP, dtype=jnp.int32)[None, :]
    gs = ((jj == (ppl & 7)) & (ppl < NBM * E)).astype(jnp.float32)
    gs1 = ((jj == (ppl & 7) + 1) & (ppl < NBM * E)).astype(jnp.float32)
    eye = jnp.eye(EP, dtype=jnp.float32)

    gate, rank, selp16, wl, lossrow = pl.pallas_call(
        _gate_body,
        grid=(NB,),
        in_specs=[
            pl.BlockSpec((M, D), lambda b: (b, 0)),
            pl.BlockSpec((D, EP), lambda b: (0, 0)),
            pl.BlockSpec((M, M), lambda b: (0, 0)),
            pl.BlockSpec((EP, EP), lambda b: (0, 0)),
            pl.BlockSpec((EP, EP), lambda b: (0, 0)),
            pl.BlockSpec((EP, EP), lambda b: (0, 0)),
            pl.BlockSpec((EP, EP), lambda b: (0, 0)),
        ],
        out_specs=[
            pl.BlockSpec((M,), lambda b: (b,)),
            pl.BlockSpec((M,), lambda b: (b,)),
            pl.BlockSpec((M, SCOL), lambda b: (b, 0)),
            pl.BlockSpec((8, EP), lambda b: (0, 0)),
            pl.BlockSpec((1, EP), lambda b: (0, 0)),
        ],
        out_shape=[
            jax.ShapeDtypeStruct((T,), jnp.int32),
            jax.ShapeDtypeStruct((T,), jnp.int32),
            jax.ShapeDtypeStruct((T, SCOL), jnp.float32),
            jax.ShapeDtypeStruct((8, EP), jnp.int32),
            jax.ShapeDtypeStruct((1, EP), jnp.float32),
        ],
        scratch_shapes=[pltpu.VMEM((1, EP), jnp.float32),
                        pltpu.VMEM((1, EP), jnp.float32)],
    )(xf, wg_pad, tri, tinc, gs, gs1, eye)

    _dispatch, _combine = _sc_kernels()
    off_pad = wl[4, :16]
    xs, sps = _dispatch(gate, rank, off_pad, xf, selp16)

    grid_spec = pltpu.PrefetchScalarGridSpec(
        num_scalar_prefetch=1,
        grid=(WMAX,),
        in_specs=[
            pl.BlockSpec((MM, D), lambda w, s: (s[0, w], 0)),
            pl.BlockSpec((MM, SCOL), lambda w, s: (s[0, w], 0)),
            pl.BlockSpec((1, D, D), lambda w, s: (s[1, w], 0, 0)),
            pl.BlockSpec((1, 1, D), lambda w, s: (s[1, w], 0, 0)),
        ],
        out_specs=pl.BlockSpec((MM, D), lambda w, s: (s[0, w], 0)),
    )
    ys = pl.pallas_call(
        _moe_body,
        grid_spec=grid_spec,
        out_shape=jax.ShapeDtypeStruct((T, D), jnp.float32),
    )(wl, xs, sps, W_experts, b_experts.reshape(E, 1, D))

    out = _combine(gate, rank, off_pad, ys)

    balance_loss = lossrow[0, 0]
    gate_load = wl[5, :E]
    return out.reshape(B, S, D), balance_loss, gate_load

# --- scband reference (transcript-rebuilt; emitter-appended) ---
"""Pipeline reference for scband-mo-elayer-5652176962260 (READ-ONLY COPY).

The authoritative reference and input builder live on the scoring server;
editing this copy changes nothing except your own understanding.
"""

import jax, jax.numpy as jnp
import numpy as np

B, S, D, E = 2, 2048, 1024, 8

def setup_inputs(seed: int = 0) -> dict:
    key = jax.random.key(seed)
    k1, k2, k3, k4 = jax.random.split(key, 4)
    x = jax.random.normal(k1, (B, S, D), dtype=jnp.float32)
    attention_mask = jnp.ones((B, S), dtype=jnp.float32)
    # gate: nn.Linear(hidden_size, num_experts, bias=False)
    W_gate = jax.random.normal(k2, (D, E), dtype=jnp.float32) * 0.02
    # experts: E independent copies of Linear(D, D) (deepcopy of template expert)
    W_experts = jax.random.normal(k3, (E, D, D), dtype=jnp.float32) * 0.02
    b_experts = jax.random.normal(k4, (E, D), dtype=jnp.float32) * 0.02
    return {"x": x, "attention_mask": attention_mask, "W_gate": W_gate, "W_experts": W_experts, "b_experts": b_experts}

def reference(x, attention_mask, W_gate, W_experts, b_experts):
    # route_method == 'gate-token' -> _forward_gate_token (attention_mask unused)
    bsz, seq_len, dim = x.shape
    num_experts = W_gate.shape[1]
    xf = x.reshape(-1, dim)                                # [T, D]
    logits_gate = xf @ W_gate                              # [T, E]
    prob_gate = jax.nn.softmax(logits_gate, axis=-1)       # [T, E]
    gate = jnp.argmax(prob_gate, axis=-1)                  # [T]
    onehot = jax.nn.one_hot(gate, num_experts, dtype=xf.dtype)  # [T, E]
    num_tokens = jnp.sum(onehot > 0, axis=0)               # [E] int
    gate_load = num_tokens
    P = prob_gate.mean(axis=0)
    temp = num_tokens.astype(jnp.float32)
    f = temp / jnp.sum(temp, axis=0, keepdims=True)
    balance_loss = num_experts * jnp.sum(P * f)
    # per-token selected gate probability (prob_gate.gather(1, gate))
    sel_prob = jnp.take_along_axis(prob_gate, gate[:, None], axis=1)  # [T, 1]
    # dispatch-free equivalent of sort/split/vstack/unsort: each token is
    # processed by exactly its argmax expert (one-hot mask), then scaled by prob
    y_all = jnp.einsum('td,edf->tef', xf, W_experts) + b_experts[None, :, :]  # [T, E, D]
    out = jnp.sum(y_all * onehot[:, :, None], axis=1) * sel_prob              # [T, D]
    out = out.reshape(bsz, seq_len, dim)
    return out, balance_loss, gate_load

if __name__ == "__main__":
    import jax
    _d = setup_inputs()
    print(jax.jit(kernel)(*tuple(_d.values())))

</pallas_src>

<mosaic_0001>
#map = affine_map<(d0, d1) -> (0)>
#map1 = affine_map<(d0, d1) -> (0, 0)>
module attributes {stable_mosaic.version = 14 : i64} {
  func.func @_combine_body(%arg0: i32, %arg1: i32, %arg2: memref<4096xi32, #tpu.memory_space<hbm>>, %arg3: memref<4096xi32, #tpu.memory_space<hbm>>, %arg4: memref<16xi32, #tpu.memory_space<hbm>>, %arg5: memref<4096x1024xf32, #tpu.memory_space<hbm>>, %arg6: memref<4096x1024xf32, #tpu.memory_space<hbm>>, %arg7: memref<128xi32, #tpu.memory_space<vmem>>, %arg8: memref<128xi32, #tpu.memory_space<vmem>>, %arg9: memref<16xi32, #tpu.memory_space<vmem>>, %arg10: memref<4x32xi32, #tpu.memory_space<vmem>>, %arg11: memref<2x32x1024xf32, #tpu.memory_space<vmem>>, %arg12: memref<!tpu.dma_semaphore, #tpu.memory_space<semaphore_mem>>, %arg13: memref<!tpu.dma_semaphore, #tpu.memory_space<semaphore_mem>>, %arg14: memref<!tpu.dma_semaphore, #tpu.memory_space<semaphore_mem>>, %arg15: memref<!tpu.dma_semaphore, #tpu.memory_space<semaphore_mem>>) attributes {dimension_semantics = [#tpu.dimension_semantics<core_parallel>, #tpu.dimension_semantics<subcore_parallel>], iteration_bounds = array<i64: 2, 16>, scalar_prefetch = 0 : i64, scratch_operands = 9 : i64, tpu.core_type = #tpu.core_type<sc_vector_subcore>, window_params = [{transform_indices = #map}, {transform_indices = #map}, {transform_indices = #map}, {transform_indices = #map1}, {transform_indices = #map1}]} {
    %mul3A = arith.constant 2 : i32
    %mul3A_0 = arith.muli %arg1, %mul3A : i32
    %add3A = arith.addi %mul3A_0, %arg0 : i32
    %mul3A_1 = arith.constant 128 : i32
    %mul3A_2 = arith.muli %add3A, %mul3A_1 : i32
    "tpu.region"() ({
      %run_scoped3A = tpu.sem_alloc : memref<!tpu.dma_semaphore, #tpu.memory_space<semaphore_mem>>
      %dma_start3A_286 = tpu.memref_slice %arg2[%mul3A_2] : memref<4096xi32, #tpu.memory_space<hbm>> -> memref<128xi32, #tpu.memory_space<hbm>>
      %dma_start3A_287 = tpu.memref_slice %arg2[%mul3A_2] : memref<4096xi32, #tpu.memory_space<hbm>> -> memref<128xi32, #tpu.memory_space<hbm>>
      tpu.enqueue_dma source(%dma_start3A_287 : memref<128xi32, #tpu.memory_space<hbm>>) target(%arg7 : memref<128xi32, #tpu.memory_space<vmem>>) target_semaphore(%run_scoped3A : memref<!tpu.dma_semaphore, #tpu.memory_space<semaphore_mem>>)
      %dma_wait3A_288 = tpu.memref_slice %arg2[%mul3A_2] : memref<4096xi32, #tpu.memory_space<hbm>> -> memref<128xi32, #tpu.memory_space<hbm>>
      %dma_wait3A_289 = tpu.memref_slice %arg2[%mul3A_2] : memref<4096xi32, #tpu.memory_space<hbm>> -> memref<128xi32, #tpu.memory_space<hbm>>
      tpu.wait_dma2 semaphore(%run_scoped3A : memref<!tpu.dma_semaphore, #tpu.memory_space<semaphore_mem>>) src(%dma_wait3A_289 : memref<128xi32, #tpu.memory_space<hbm>>) dst(%arg7 : memref<128xi32, #tpu.memory_space<vmem>>)
      tpu.yield
    }) : () -> ()
    "tpu.region"() ({
      %run_scoped3A = tpu.sem_alloc : memref<!tpu.dma_semaphore, #tpu.memory_space<semaphore_mem>>
      %dma_start3A_286 = tpu.memref_slice %arg3[%mul3A_2] : memref<4096xi32, #tpu.memory_space<hbm>> -> memref<128xi32, #tpu.memory_space<hbm>>
      %dma_start3A_287 = tpu.memref_slice %arg3[%mul3A_2] : memref<4096xi32, #tpu.memory_space<hbm>> -> memref<128xi32, #tpu.memory_space<hbm>>
      tpu.enqueue_dma source(%dma_start3A_287 : memref<128xi32, #tpu.memory_space<hbm>>) target(%arg8 : memref<128xi32, #tpu.memory_space<vmem>>) target_semaphore(%run_scoped3A : memref<!tpu.dma_semaphore, #tpu.memory_space<semaphore_mem>>)
      %dma_wait3A_288 = tpu.memref_slice %arg3[%mul3A_2] : memref<4096xi32, #tpu.memory_space<hbm>> -> memref<128xi32, #tpu.memory_space<hbm>>
      %dma_wait3A_289 = tpu.memref_slice %arg3[%mul3A_2] : memref<4096xi32, #tpu.memory_space<hbm>> -> memref<128xi32, #tpu.memory_space<hbm>>
      tpu.wait_dma2 semaphore(%run_scoped3A : memref<!tpu.dma_semaphore, #tpu.memory_space<semaphore_mem>>) src(%dma_wait3A_289 : memref<128xi32, #tpu.memory_space<hbm>>) dst(%arg8 : memref<128xi32, #tpu.memory_space<vmem>>)
      tpu.yield
    }) : () -> ()
    "tpu.region"() ({
      %run_scoped3A = tpu.sem_alloc : memref<!tpu.dma_semaphore, #tpu.memory_space<semaphore_mem>>
      tpu.enqueue_dma source(%arg4 : memref<16xi32, #tpu.memory_space<hbm>>) target(%arg9 : memref<16xi32, #tpu.memory_space<vmem>>) target_semaphore(%run_scoped3A : memref<!tpu.dma_semaphore, #tpu.memory_space<semaphore_mem>>)
      tpu.wait_dma2 semaphore(%run_scoped3A : memref<!tpu.dma_semaphore, #tpu.memory_space<semaphore_mem>>) src(%arg4 : memref<16xi32, #tpu.memory_space<hbm>>) dst(%arg9 : memref<16xi32, #tpu.memory_space<vmem>>)
      tpu.yield
    }) : () -> ()
    %get3A = arith.constant 0 : index
    %get3A_3 = tpu.vector_load %arg7[%get3A] {strides = array<i32>} : memref<128xi32, #tpu.memory_space<vmem>>, vector<16xi32>,
    %gather3A = tpu.vector_load_idx %arg9[%get3A_3] : memref<16xi32, #tpu.memory_space<vmem>>[vector<16xi32>], vector<16xi32>,
    %get3A_4 = arith.constant 0 : index
    %get3A_5 = tpu.vector_load %arg8[%get3A_4] {strides = array<i32>} : memref<128xi32, #tpu.memory_space<vmem>>, vector<16xi32>,
    %add3A_6 = arith.addi %gather3A, %get3A_5 : vector<16xi32>
    %swap3A = arith.constant 0 : i32
    %swap3A_7 = arith.index_cast %swap3A : i32 to index
    %swap3A_8 = arith.constant 0 : index
    %swap3A_9 = tpu.vector_load %arg10[%swap3A_7, %swap3A_8] {strides = array<i32>} : memref<4x32xi32, #tpu.memory_space<vmem>>, vector<16xi32>,
    tpu.vector_store %arg10[%swap3A_7, %swap3A_8], %add3A_6 {strides = array<i32>} : memref<4x32xi32, #tpu.memory_space<vmem>>, vector<16xi32>,
    %get3A_10 = arith.constant 16 : index
    %get3A_11 = tpu.vector_load %arg7[%get3A_10] {strides = array<i32>} : memref<128xi32, #tpu.memory_space<vmem>>, vector<16xi32>,
    %gather3A_12 = tpu.vector_load_idx %arg9[%get3A_11] : memref<16xi32, #tpu.memory_space<vmem>>[vector<16xi32>], vector<16xi32>,
    %get3A_13 = arith.constant 16 : index
    %get3A_14 = tpu.vector_load %arg8[%get3A_13] {strides = array<i32>} : memref<128xi32, #tpu.memory_space<vmem>>, vector<16xi32>,
    %add3A_15 = arith.addi %gather3A_12, %get3A_14 : vector<16xi32>
    %swap3A_16 = arith.constant 0 : i32
    %swap3A_17 = arith.index_cast %swap3A_16 : i32 to index
    %swap3A_18 = arith.constant 16 : index
    %swap3A_19 = tpu.vector_load %arg10[%swap3A_17, %swap3A_18] {strides = array<i32>} : memref<4x32xi32, #tpu.memory_space<vmem>>, vector<16xi32>,
    tpu.vector_store %arg10[%swap3A_17, %swap3A_18], %add3A_15 {strides = array<i32>} : memref<4x32xi32, #tpu.memory_space<vmem>>, vector<16xi32>,
    %get3A_20 = arith.constant 32 : index
    %get3A_21 = tpu.vector_load %arg7[%get3A_20] {strides = array<i32>} : memref<128xi32, #tpu.memory_space<vmem>>, vector<16xi32>,
    %gather3A_22 = tpu.vector_load_idx %arg9[%get3A_21] : memref<16xi32, #tpu.memory_space<vmem>>[vector<16xi32>], vector<16xi32>,
    %get3A_23 = arith.constant 32 : index
    %get3A_24 = tpu.vector_load %arg8[%get3A_23] {strides = array<i32>} : memref<128xi32, #tpu.memory_space<vmem>>, vector<16xi32>,
    %add3A_25 = arith.addi %gather3A_22, %get3A_24 : vector<16xi32>
    %swap3A_26 = arith.constant 1 : i32
    %swap3A_27 = arith.index_cast %swap3A_26 : i32 to index
    %swap3A_28 = arith.constant 0 : index
    %swap3A_29 = tpu.vector_load %arg10[%swap3A_27, %swap3A_28] {strides = array<i32>} : memref<4x32xi32, #tpu.memory_space<vmem>>, vector<16xi32>,
    tpu.vector_store %arg10[%swap3A_27, %swap3A_28], %add3A_25 {strides = array<i32>} : memref<4x32xi32, #tpu.memory_space<vmem>>, vector<16xi32>,
    %get3A_30 = arith.constant 48 : index
    %get3A_31 = tpu.vector_load %arg7[%get3A_30] {strides = array<i32>} : memref<128xi32, #tpu.memory_space<vmem>>, vector<16xi32>,
    %gather3A_32 = tpu.vector_load_idx %arg9[%get3A_31] : memref<16xi32, #tpu.memory_space<vmem>>[vector<16xi32>], vector<16xi32>,
    %get3A_33 = arith.constant 48 : index
    %get3A_34 = tpu.vector_load %arg8[%get3A_33] {strides = array<i32>} : memref<128xi32, #tpu.memory_space<vmem>>, vector<16xi32>,
    %add3A_35 = arith.addi %gather3A_32, %get3A_34 : vector<16xi32>
    %swap3A_36 = arith.constant 1 : i32
    %swap3A_37 = arith.index_cast %swap3A_36 : i32 to index
    %swap3A_38 = arith.constant 16 : index
    %swap3A_39 = tpu.vector_load %arg10[%swap3A_37, %swap3A_38] {strides = array<i32>} : memref<4x32xi32, #tpu.memory_space<vmem>>, vector<16xi32>,
    tpu.vector_store %arg10[%swap3A_37, %swap3A_38], %add3A_35 {strides = array<i32>} : memref<4x32xi32, #tpu.memory_space<vmem>>, vector<16xi32>,
    %get3A_40 = arith.constant 64 : index
    %get3A_41 = tpu.vector_load %arg7[%get3A_40] {strides = array<i32>} : memref<128xi32, #tpu.memory_space<vmem>>, vector<16xi32>,
    %gather3A_42 = tpu.vector_load_idx %arg9[%get3A_41] : memref<16xi32, #tpu.memory_space<vmem>>[vector<16xi32>], vector<16xi32>,
    %get3A_43 = arith.constant 64 : index
    %get3A_44 = tpu.vector_load %arg8[%get3A_43] {strides = array<i32>} : memref<128xi32, #tpu.memory_space<vmem>>, vector<16xi32>,
    %add3A_45 = arith.addi %gather3A_42, %get3A_44 : vector<16xi32>
    %swap3A_46 = arith.constant 2 : i32
    %swap3A_47 = arith.index_cast %swap3A_46 : i32 to index
    %swap3A_48 = arith.constant 0 : index
    %swap3A_49 = tpu.vector_load %arg10[%swap3A_47, %swap3A_48] {strides = array<i32>} : memref<4x32xi32, #tpu.memory_space<vmem>>, vector<16xi32>,
    tpu.vector_store %arg10[%swap3A_47, %swap3A_48], %add3A_45 {strides = array<i32>} : memref<4x32xi32, #tpu.memory_space<vmem>>, vector<16xi32>,
    %get3A_50 = arith.constant 80 : index
    %get3A_51 = tpu.vector_load %arg7[%get3A_50] {strides = array<i32>} : memref<128xi32, #tpu.memory_space<vmem>>, vector<16xi32>,
    %gather3A_52 = tpu.vector_load_idx %arg9[%get3A_51] : memref<16xi32, #tpu.memory_space<vmem>>[vector<16xi32>], vector<16xi32>,
    %get3A_53 = arith.constant 80 : index
    %get3A_54 = tpu.vector_load %arg8[%get3A_53] {strides = array<i32>} : memref<128xi32, #tpu.memory_space<vmem>>, vector<16xi32>,
    %add3A_55 = arith.addi %gather3A_52, %get3A_54 : vector<16xi32>
    %swap3A_56 = arith.constant 2 : i32
    %swap3A_57 = arith.index_cast %swap3A_56 : i32 to index
    %swap3A_58 = arith.constant 16 : index
    %swap3A_59 = tpu.vector_load %arg10[%swap3A_57, %swap3A_58] {strides = array<i32>} : memref<4x32xi32, #tpu.memory_space<vmem>>, vector<16xi32>,
    tpu.vector_store %arg10[%swap3A_57, %swap3A_58], %add3A_55 {strides = array<i32>} : memref<4x32xi32, #tpu.memory_space<vmem>>, vector<16xi32>,
    %get3A_60 = arith.constant 96 : index
    %get3A_61 = tpu.vector_load %arg7[%get3A_60] {strides = array<i32>} : memref<128xi32, #tpu.memory_space<vmem>>, vector<16xi32>,
    %gather3A_62 = tpu.vector_load_idx %arg9[%get3A_61] : memref<16xi32, #tpu.memory_space<vmem>>[vector<16xi32>], vector<16xi32>,
    %get3A_63 = arith.constant 96 : index
    %get3A_64 = tpu.vector_load %arg8[%get3A_63] {strides = array<i32>} : memref<128xi32, #tpu.memory_space<vmem>>, vector<16xi32>,
    %add3A_65 = arith.addi %gather3A_62, %get3A_64 : vector<16xi32>
    %swap3A_66 = arith.constant 3 : i32
    %swap3A_67 = arith.index_cast %swap3A_66 : i32 to index
    %swap3A_68 = arith.constant 0 : index
    %swap3A_69 = tpu.vector_load %arg10[%swap3A_67, %swap3A_68] {strides = array<i32>} : memref<4x32xi32, #tpu.memory_space<vmem>>, vector<16xi32>,
    tpu.vector_store %arg10[%swap3A_67, %swap3A_68], %add3A_65 {strides = array<i32>} : memref<4x32xi32, #tpu.memory_space<vmem>>, vector<16xi32>,
    %get3A_70 = arith.constant 112 : index
    %get3A_71 = tpu.vector_load %arg7[%get3A_70] {strides = array<i32>} : memref<128xi32, #tpu.memory_space<vmem>>, vector<16xi32>,
    %gather3A_72 = tpu.vector_load_idx %arg9[%get3A_71] : memref<16xi32, #tpu.memory_space<vmem>>[vector<16xi32>], vector<16xi32>,
    %get3A_73 = arith.constant 112 : index
    %get3A_74 = tpu.vector_load %arg8[%get3A_73] {strides = array<i32>} : memref<128xi32, #tpu.memory_space<vmem>>, vector<16xi32>,
    %add3A_75 = arith.addi %gather3A_72, %get3A_74 : vector<16xi32>
    %swap3A_76 = arith.constant 3 : i32
    %swap3A_77 = arith.index_cast %swap3A_76 : i32 to index
    %swap3A_78 = arith.constant 16 : index
    %swap3A_79 = tpu.vector_load %arg10[%swap3A_77, %swap3A_78] {strides = array<i32>} : memref<4x32xi32, #tpu.memory_space<vmem>>, vector<16xi32>,
    tpu.vector_store %arg10[%swap3A_77, %swap3A_78], %add3A_75 {strides = array<i32>} : memref<4x32xi32, #tpu.memory_space<vmem>>, vector<16xi32>,
    %dma_start3A = arith.constant 0 : i32
    %dma_start3A_80 = arith.constant 0 : i32
    %dma_start3A_81 = arith.constant 0 : i32
    %dma_start3A_82 = arith.constant 0 : i32
    %dma_start3A_83 = tpu.memref_slice %arg11[%dma_start3A_80, %dma_start3A_81, %dma_start3A_82] : memref<2x32x1024xf32, #tpu.memory_space<vmem>> -> memref<1x32x1024xf32, #tpu.memory_space<vmem>>
    %dma_start3A_84 = tpu.memref_squeeze %dma_start3A_83 : memref<1x32x1024xf32, #tpu.memory_space<vmem>> -> memref<32x1024xf32, #tpu.memory_space<vmem>>
    %dma_start3A_85 = arith.constant 0 : i32
    %dma_start3A_86 = tpu.memref_slice %arg10[%dma_start3A, %dma_start3A_85] : memref<4x32xi32, #tpu.memory_space<vmem>> -> memref<1x32xi32, #tpu.memory_space<vmem>>
    %dma_start3A_87 = tpu.memref_squeeze %dma_start3A_86 : memref<1x32xi32, #tpu.memory_space<vmem>> -> memref<32xi32, #tpu.memory_space<vmem>>
    %dma_start3A_88 = arith.constant 0 : i32
    %dma_start3A_89 = arith.constant 0 : i32
    %dma_start3A_90 = tpu.memref_slice %arg5[%dma_start3A_88, %dma_start3A_89] : memref<4096x1024xf32, #tpu.memory_space<hbm>> -> memref<4096x1024xf32, #tpu.memory_space<hbm>>
    tpu.enqueue_indirect_dma source(%dma_start3A_90 : memref<4096x1024xf32, #tpu.memory_space<hbm>>) target(%dma_start3A_84 : memref<32x1024xf32, #tpu.memory_space<vmem>>) offsets(%dma_start3A_87 : memref<32xi32, #tpu.memory_space<vmem>>) semaphore(%arg12 : memref<!tpu.dma_semaphore, #tpu.memory_space<semaphore_mem>>)
    %dma_start3A_91 = arith.constant 1 : i32
    %dma_start3A_92 = arith.constant 1 : i32
    %dma_start3A_93 = arith.constant 0 : i32
    %dma_start3A_94 = arith.constant 0 : i32
    %dma_start3A_95 = tpu.memref_slice %arg11[%dma_start3A_92, %dma_start3A_93, %dma_start3A_94] : memref<2x32x1024xf32, #tpu.memory_space<vmem>> -> memref<1x32x1024xf32, #tpu.memory_space<vmem>>
    %dma_start3A_96 = tpu.memref_squeeze %dma_start3A_95 : memref<1x32x1024xf32, #tpu.memory_space<vmem>> -> memref<32x1024xf32, #tpu.memory_space<vmem>>
    %dma_start3A_97 = arith.constant 0 : i32
    %dma_start3A_98 = tpu.memref_slice %arg10[%dma_start3A_91, %dma_start3A_97] : memref<4x32xi32, #tpu.memory_space<vmem>> -> memref<1x32xi32, #tpu.memory_space<vmem>>
    %dma_start3A_99 = tpu.memref_squeeze %dma_start3A_98 : memref<1x32xi32, #tpu.memory_space<vmem>> -> memref<32xi32, #tpu.memory_space<vmem>>
    %dma_start3A_100 = arith.constant 0 : i32
    %dma_start3A_101 = arith.constant 0 : i32
    %dma_start3A_102 = tpu.memref_slice %arg5[%dma_start3A_100, %dma_start3A_101] : memref<4096x1024xf32, #tpu.memory_space<hbm>> -> memref<4096x1024xf32, #tpu.memory_space<hbm>>
    tpu.enqueue_indirect_dma source(%dma_start3A_102 : memref<4096x1024xf32, #tpu.memory_space<hbm>>) target(%dma_start3A_96 : memref<32x1024xf32, #tpu.memory_space<vmem>>) offsets(%dma_start3A_99 : memref<32xi32, #tpu.memory_space<vmem>>) semaphore(%arg13 : memref<!tpu.dma_semaphore, #tpu.memory_space<semaphore_mem>>)
    %dma_wait3A = arith.constant 0 : i32
    %dma_wait3A_103 = arith.constant 0 : i32
    %dma_wait3A_104 = arith.constant 0 : i32
    %dma_wait3A_105 = arith.constant 0 : i32
    %dma_wait3A_106 = tpu.memref_slice %arg11[%dma_wait3A_103, %dma_wait3A_104, %dma_wait3A_105] : memref<2x32x1024xf32, #tpu.memory_space<vmem>> -> memref<1x32x1024xf32, #tpu.memory_space<vmem>>
    %dma_wait3A_107 = tpu.memref_squeeze %dma_wait3A_106 : memref<1x32x1024xf32, #tpu.memory_space<vmem>> -> memref<32x1024xf32, #tpu.memory_space<vmem>>
    %dma_wait3A_108 = arith.constant 0 : i32
    %dma_wait3A_109 = tpu.memref_slice %arg10[%dma_wait3A, %dma_wait3A_108] : memref<4x32xi32, #tpu.memory_space<vmem>> -> memref<1x32xi32, #tpu.memory_space<vmem>>
    %dma_wait3A_110 = tpu.memref_squeeze %dma_wait3A_109 : memref<1x32xi32, #tpu.memory_space<vmem>> -> memref<32xi32, #tpu.memory_space<vmem>>
    %dma_wait3A_111 = arith.constant 0 : i32
    %dma_wait3A_112 = arith.constant 0 : i32
    %dma_wait3A_113 = tpu.memref_slice %arg5[%dma_wait3A_111, %dma_wait3A_112] : memref<4096x1024xf32, #tpu.memory_space<hbm>> -> memref<4096x1024xf32, #tpu.memory_space<hbm>>
    tpu.wait_indirect_dma semaphore(%arg12 : memref<!tpu.dma_semaphore, #tpu.memory_space<semaphore_mem>>) src(%dma_wait3A_113 : memref<4096x1024xf32, #tpu.memory_space<hbm>>) dst(%dma_wait3A_107 : memref<32x1024xf32, #tpu.memory_space<vmem>>)
    %add3A_114 = arith.constant 0 : i32
    %add3A_115 = arith.addi %mul3A_2, %add3A_114 : i32
    %dma_start3A_116 = arith.constant 0 : i32
    %dma_start3A_117 = arith.constant 0 : i32
    %dma_start3A_118 = arith.constant 0 : i32
    %dma_start3A_119 = tpu.memref_slice %arg11[%dma_start3A_116, %dma_start3A_117, %dma_start3A_118] : memref<2x32x1024xf32, #tpu.memory_space<vmem>> -> memref<1x32x1024xf32, #tpu.memory_space<vmem>>
    %dma_start3A_120 = tpu.memref_squeeze %dma_start3A_119 : memref<1x32x1024xf32, #tpu.memory_space<vmem>> -> memref<32x1024xf32, #tpu.memory_space<vmem>>
    %dma_start3A_121 = arith.constant 0 : i32
    %dma_start3A_122 = tpu.memref_slice %arg6[%add3A_115, %dma_start3A_121] : memref<4096x1024xf32, #tpu.memory_space<hbm>> -> memref<32x1024xf32, #tpu.memory_space<hbm>>
    %dma_start3A_123 = arith.constant 0 : i32
    %dma_start3A_124 = tpu.memref_slice %arg6[%add3A_115, %dma_start3A_123] : memref<4096x1024xf32, #tpu.memory_space<hbm>> -> memref<32x1024xf32, #tpu.memory_space<hbm>>
    %dma_start3A_125 = arith.constant 0 : i32
    %dma_start3A_126 = arith.constant 0 : i32
    %dma_start3A_127 = tpu.memref_slice %arg11[%dma_start3A_116, %dma_start3A_125, %dma_start3A_126] : memref<2x32x1024xf32, #tpu.memory_space<vmem>> -> memref<1x32x1024xf32, #tpu.memory_space<vmem>>
    %dma_start3A_128 = tpu.memref_squeeze %dma_start3A_127 : memref<1x32x1024xf32, #tpu.memory_space<vmem>> -> memref<32x1024xf32, #tpu.memory_space<vmem>>
    tpu.enqueue_dma source(%dma_start3A_128 : memref<32x1024xf32, #tpu.memory_space<vmem>>) target(%dma_start3A_124 : memref<32x1024xf32, #tpu.memory_space<hbm>>) target_semaphore(%arg14 : memref<!tpu.dma_semaphore, #tpu.memory_space<semaphore_mem>>)
    %dma_wait3A_129 = arith.constant 1 : i32
    %dma_wait3A_130 = arith.constant 1 : i32
    %dma_wait3A_131 = arith.constant 0 : i32
    %dma_wait3A_132 = arith.constant 0 : i32
    %dma_wait3A_133 = tpu.memref_slice %arg11[%dma_wait3A_130, %dma_wait3A_131, %dma_wait3A_132] : memref<2x32x1024xf32, #tpu.memory_space<vmem>> -> memref<1x32x1024xf32, #tpu.memory_space<vmem>>
    %dma_wait3A_134 = tpu.memref_squeeze %dma_wait3A_133 : memref<1x32x1024xf32, #tpu.memory_space<vmem>> -> memref<32x1024xf32, #tpu.memory_space<vmem>>
    %dma_wait3A_135 = arith.constant 0 : i32
    %dma_wait3A_136 = tpu.memref_slice %arg10[%dma_wait3A_129, %dma_wait3A_135] : memref<4x32xi32, #tpu.memory_space<vmem>> -> memref<1x32xi32, #tpu.memory_space<vmem>>
    %dma_wait3A_137 = tpu.memref_squeeze %dma_wait3A_136 : memref<1x32xi32, #tpu.memory_space<vmem>> -> memref<32xi32, #tpu.memory_space<vmem>>
    %dma_wait3A_138 = arith.constant 0 : i32
    %dma_wait3A_139 = arith.constant 0 : i32
    %dma_wait3A_140 = tpu.memref_slice %arg5[%dma_wait3A_138, %dma_wait3A_139] : memref<4096x1024xf32, #tpu.memory_space<hbm>> -> memref<4096x1024xf32, #tpu.memory_space<hbm>>
    tpu.wait_indirect_dma semaphore(%arg13 : memref<!tpu.dma_semaphore, #tpu.memory_space<semaphore_mem>>) src(%dma_wait3A_140 : memref<4096x1024xf32, #tpu.memory_space<hbm>>) dst(%dma_wait3A_134 : memref<32x1024xf32, #tpu.memory_space<vmem>>)
    %add3A_141 = arith.constant 32 : i32
    %add3A_142 = arith.addi %mul3A_2, %add3A_141 : i32
    %dma_start3A_143 = arith.constant 1 : i32
    %dma_start3A_144 = arith.constant 0 : i32
    %dma_start3A_145 = arith.constant 0 : i32
    %dma_start3A_146 = tpu.memref_slice %arg11[%dma_start3A_143, %dma_start3A_144, %dma_start3A_145] : memref<2x32x1024xf32, #tpu.memory_space<vmem>> -> memref<1x32x1024xf32, #tpu.memory_space<vmem>>
    %dma_start3A_147 = tpu.memref_squeeze %dma_start3A_146 : memref<1x32x1024xf32, #tpu.memory_space<vmem>> -> memref<32x1024xf32, #tpu.memory_space<vmem>>
    %dma_start3A_148 = arith.constant 0 : i32
    %dma_start3A_149 = tpu.memref_slice %arg6[%add3A_142, %dma_start3A_148] : memref<4096x1024xf32, #tpu.memory_space<hbm>> -> memref<32x1024xf32, #tpu.memory_space<hbm>>
    %dma_start3A_150 = arith.constant 0 : i32
    %dma_start3A_151 = tpu.memref_slice %arg6[%add3A_142, %dma_start3A_150] : memref<4096x1024xf32, #tpu.memory_space<hbm>> -> memref<32x1024xf32, #tpu.memory_space<hbm>>
    %dma_start3A_152 = arith.constant 0 : i32
    %dma_start3A_153 = arith.constant 0 : i32
    %dma_start3A_154 = tpu.memref_slice %arg11[%dma_start3A_143, %dma_start3A_152, %dma_start3A_153] : memref<2x32x1024xf32, #tpu.memory_space<vmem>> -> memref<1x32x1024xf32, #tpu.memory_space<vmem>>
    %dma_start3A_155 = tpu.memref_squeeze %dma_start3A_154 : memref<1x32x1024xf32, #tpu.memory_space<vmem>> -> memref<32x1024xf32, #tpu.memory_space<vmem>>
    tpu.enqueue_dma source(%dma_start3A_155 : memref<32x1024xf32, #tpu.memory_space<vmem>>) target(%dma_start3A_151 : memref<32x1024xf32, #tpu.memory_space<hbm>>) target_semaphore(%arg15 : memref<!tpu.dma_semaphore, #tpu.memory_space<semaphore_mem>>)
    %dma_wait3A_156 = arith.constant 0 : i32
    %dma_wait3A_157 = arith.constant 0 : i32
    %dma_wait3A_158 = arith.constant 0 : i32
    %dma_wait3A_159 = tpu.memref_slice %arg11[%dma_wait3A_156, %dma_wait3A_157, %dma_wait3A_158] : memref<2x32x1024xf32, #tpu.memory_space<vmem>> -> memref<1x32x1024xf32, #tpu.memory_space<vmem>>
    %dma_wait3A_160 = tpu.memref_squeeze %dma_wait3A_159 : memref<1x32x1024xf32, #tpu.memory_space<vmem>> -> memref<32x1024xf32, #tpu.memory_space<vmem>>
    %dma_wait3A_161 = arith.constant 0 : i32
    %dma_wait3A_162 = tpu.memref_slice %arg6[%add3A_115, %dma_wait3A_161] : memref<4096x1024xf32, #tpu.memory_space<hbm>> -> memref<32x1024xf32, #tpu.memory_space<hbm>>
    %dma_wait3A_163 = arith.constant 0 : i32
    %dma_wait3A_164 = tpu.memref_slice %arg6[%add3A_115, %dma_wait3A_163] : memref<4096x1024xf32, #tpu.memory_space<hbm>> -> memref<32x1024xf32, #tpu.memory_space<hbm>>
    %dma_wait3A_165 = arith.constant 0 : i32
    %dma_wait3A_166 = arith.constant 0 : i32
    %dma_wait3A_167 = tpu.memref_slice %arg11[%dma_wait3A_156, %dma_wait3A_165, %dma_wait3A_166] : memref<2x32x1024xf32, #tpu.memory_space<vmem>> -> memref<1x32x1024xf32, #tpu.memory_space<vmem>>
    %dma_wait3A_168 = tpu.memref_squeeze %dma_wait3A_167 : memref<1x32x1024xf32, #tpu.memory_space<vmem>> -> memref<32x1024xf32, #tpu.memory_space<vmem>>
    tpu.wait_dma2 semaphore(%arg14 : memref<!tpu.dma_semaphore, #tpu.memory_space<semaphore_mem>>) src(%dma_wait3A_168 : memref<32x1024xf32, #tpu.memory_space<vmem>>) dst(%dma_wait3A_164 : memref<32x1024xf32, #tpu.memory_space<hbm>>)
    %dma_start3A_169 = arith.constant 2 : i32
    %dma_start3A_170 = arith.constant 0 : i32
    %dma_start3A_171 = arith.constant 0 : i32
    %dma_start3A_172 = arith.constant 0 : i32
    %dma_start3A_173 = tpu.memref_slice %arg11[%dma_start3A_170, %dma_start3A_171, %dma_start3A_172] : memref<2x32x1024xf32, #tpu.memory_space<vmem>> -> memref<1x32x1024xf32, #tpu.memory_space<vmem>>
    %dma_start3A_174 = tpu.memref_squeeze %dma_start3A_173 : memref<1x32x1024xf32, #tpu.memory_space<vmem>> -> memref<32x1024xf32, #tpu.memory_space<vmem>>
    %dma_start3A_175 = arith.constant 0 : i32
    %dma_start3A_176 = tpu.memref_slice %arg10[%dma_start3A_169, %dma_start3A_175] : memref<4x32xi32, #tpu.memory_space<vmem>> -> memref<1x32xi32, #tpu.memory_space<vmem>>
    %dma_start3A_177 = tpu.memref_squeeze %dma_start3A_176 : memref<1x32xi32, #tpu.memory_space<vmem>> -> memref<32xi32, #tpu.memory_space<vmem>>
    %dma_start3A_178 = arith.constant 0 : i32
    %dma_start3A_179 = arith.constant 0 : i32
    %dma_start3A_180 = tpu.memref_slice %arg5[%dma_start3A_178, %dma_start3A_179] : memref<4096x1024xf32, #tpu.memory_space<hbm>> -> memref<4096x1024xf32, #tpu.memory_space<hbm>>
    tpu.enqueue_indirect_dma source(%dma_start3A_180 : memref<4096x1024xf32, #tpu.memory_space<hbm>>) target(%dma_start3A_174 : memref<32x1024xf32, #tpu.memory_space<vmem>>) offsets(%dma_start3A_177 : memref<32xi32, #tpu.memory_space<vmem>>) semaphore(%arg12 : memref<!tpu.dma_semaphore, #tpu.memory_space<semaphore_mem>>)
    %dma_wait3A_181 = arith.constant 2 : i32
    %dma_wait3A_182 = arith.constant 0 : i32
    %dma_wait3A_183 = arith.constant 0 : i32
    %dma_wait3A_184 = arith.constant 0 : i32
    %dma_wait3A_185 = tpu.memref_slice %arg11[%dma_wait3A_182, %dma_wait3A_183, %dma_wait3A_184] : memref<2x32x1024xf32, #tpu.memory_space<vmem>> -> memref<1x32x1024xf32, #tpu.memory_space<vmem>>
    %dma_wait3A_186 = tpu.memref_squeeze %dma_wait3A_185 : memref<1x32x1024xf32, #tpu.memory_space<vmem>> -> memref<32x1024xf32, #tpu.memory_space<vmem>>
    %dma_wait3A_187 = arith.constant 0 : i32
    %dma_wait3A_188 = tpu.memref_slice %arg10[%dma_wait3A_181, %dma_wait3A_187] : memref<4x32xi32, #tpu.memory_space<vmem>> -> memref<1x32xi32, #tpu.memory_space<vmem>>
    %dma_wait3A_189 = tpu.memref_squeeze %dma_wait3A_188 : memref<1x32xi32, #tpu.memory_space<vmem>> -> memref<32xi32, #tpu.memory_space<vmem>>
    %dma_wait3A_190 = arith.constant 0 : i32
    %dma_wait3A_191 = arith.constant 0 : i32
    %dma_wait3A_192 = tpu.memref_slice %arg5[%dma_wait3A_190, %dma_wait3A_191] : memref<4096x1024xf32, #tpu.memory_space<hbm>> -> memref<4096x1024xf32, #tpu.memory_space<hbm>>
    tpu.wait_indirect_dma semaphore(%arg12 : memref<!tpu.dma_semaphore, #tpu.memory_space<semaphore_mem>>) src(%dma_wait3A_192 : memref<4096x1024xf32, #tpu.memory_space<hbm>>) dst(%dma_wait3A_186 : memref<32x1024xf32, #tpu.memory_space<vmem>>)
    %add3A_193 = arith.constant 64 : i32
    %add3A_194 = arith.addi %mul3A_2, %add3A_193 : i32
    %dma_start3A_195 = arith.constant 0 : i32
    %dma_start3A_196 = arith.constant 0 : i32
    %dma_start3A_197 = arith.constant 0 : i32
    %dma_start3A_198 = tpu.memref_slice %arg11[%dma_start3A_195, %dma_start3A_196, %dma_start3A_197] : memref<2x32x1024xf32, #tpu.memory_space<vmem>> -> memref<1x32x1024xf32, #tpu.memory_space<vmem>>
    %dma_start3A_199 = tpu.memref_squeeze %dma_start3A_198 : memref<1x32x1024xf32, #tpu.memory_space<vmem>> -> memref<32x1024xf32, #tpu.memory_space<vmem>>
    %dma_start3A_200 = arith.constant 0 : i32
    %dma_start3A_201 = tpu.memref_slice %arg6[%add3A_194, %dma_start3A_200] : memref<4096x1024xf32, #tpu.memory_space<hbm>> -> memref<32x1024xf32, #tpu.memory_space<hbm>>
    %dma_start3A_202 = arith.constant 0 : i32
    %dma_start3A_203 = tpu.memref_slice %arg6[%add3A_194, %dma_start3A_202] : memref<4096x1024xf32, #tpu.memory_space<hbm>> -> memref<32x1024xf32, #tpu.memory_space<hbm>>
    %dma_start3A_204 = arith.constant 0 : i32
    %dma_start3A_205 = arith.constant 0 : i32
    %dma_start3A_206 = tpu.memref_slice %arg11[%dma_start3A_195, %dma_start3A_204, %dma_start3A_205] : memref<2x32x1024xf32, #tpu.memory_space<vmem>> -> memref<1x32x1024xf32, #tpu.memory_space<vmem>>
    %dma_start3A_207 = tpu.memref_squeeze %dma_start3A_206 : memref<1x32x1024xf32, #tpu.memory_space<vmem>> -> memref<32x1024xf32, #tpu.memory_space<vmem>>
    tpu.enqueue_dma source(%dma_start3A_207 : memref<32x1024xf32, #tpu.memory_space<vmem>>) target(%dma_start3A_203 : memref<32x1024xf32, #tpu.memory_space<hbm>>) target_semaphore(%arg14 : memref<!tpu.dma_semaphore, #tpu.memory_space<semaphore_mem>>)
    %dma_wait3A_208 = arith.constant 1 : i32
    %dma_wait3A_209 = arith.constant 0 : i32
    %dma_wait3A_210 = arith.constant 0 : i32
    %dma_wait3A_211 = tpu.memref_slice %arg11[%dma_wait3A_208, %dma_wait3A_209, %dma_wait3A_210] : memref<2x32x1024xf32, #tpu.memory_space<vmem>> -> memref<1x32x1024xf32, #tpu.memory_space<vmem>>
    %dma_wait3A_212 = tpu.memref_squeeze %dma_wait3A_211 : memref<1x32x1024xf32, #tpu.memory_space<vmem>> -> memref<32x1024xf32, #tpu.memory_space<vmem>>
    %dma_wait3A_213 = arith.constant 0 : i32
    %dma_wait3A_214 = tpu.memref_slice %arg6[%add3A_142, %dma_wait3A_213] : memref<4096x1024xf32, #tpu.memory_space<hbm>> -> memref<32x1024xf32, #tpu.memory_space<hbm>>
    %dma_wait3A_215 = arith.constant 0 : i32
    %dma_wait3A_216 = tpu.memref_slice %arg6[%add3A_142, %dma_wait3A_215] : memref<4096x1024xf32, #tpu.memory_space<hbm>> -> memref<32x1024xf32, #tpu.memory_space<hbm>>
    %dma_wait3A_217 = arith.constant 0 : i32
    %dma_wait3A_218 = arith.constant 0 : i32
    %dma_wait3A_219 = tpu.memref_slice %arg11[%dma_wait3A_208, %dma_wait3A_217, %dma_wait3A_218] : memref<2x32x1024xf32, #tpu.memory_space<vmem>> -> memref<1x32x1024xf32, #tpu.memory_space<vmem>>
    %dma_wait3A_220 = tpu.memref_squeeze %dma_wait3A_219 : memref<1x32x1024xf32, #tpu.memory_space<vmem>> -> memref<32x1024xf32, #tpu.memory_space<vmem>>
    tpu.wait_dma2 semaphore(%arg15 : memref<!tpu.dma_semaphore, #tpu.memory_space<semaphore_mem>>) src(%dma_wait3A_220 : memref<32x1024xf32, #tpu.memory_space<vmem>>) dst(%dma_wait3A_216 : memref<32x1024xf32, #tpu.memory_space<hbm>>)
    %dma_start3A_221 = arith.constant 3 : i32
    %dma_start3A_222 = arith.constant 1 : i32
    %dma_start3A_223 = arith.constant 0 : i32
    %dma_start3A_224 = arith.constant 0 : i32
    %dma_start3A_225 = tpu.memref_slice %arg11[%dma_start3A_222, %dma_start3A_223, %dma_start3A_224] : memref<2x32x1024xf32, #tpu.memory_space<vmem>> -> memref<1x32x1024xf32, #tpu.memory_space<vmem>>
    %dma_start3A_226 = tpu.memref_squeeze %dma_start3A_225 : memref<1x32x1024xf32, #tpu.memory_space<vmem>> -> memref<32x1024xf32, #tpu.memory_space<vmem>>
    %dma_start3A_227 = arith.constant 0 : i32
    %dma_start3A_228 = tpu.memref_slice %arg10[%dma_start3A_221, %dma_start3A_227] : memref<4x32xi32, #tpu.memory_space<vmem>> -> memref<1x32xi32, #tpu.memory_space<vmem>>
    %dma_start3A_229 = tpu.memref_squeeze %dma_start3A_228 : memref<1x32xi32, #tpu.memory_space<vmem>> -> memref<32xi32, #tpu.memory_space<vmem>>
    %dma_start3A_230 = arith.constant 0 : i32
    %dma_start3A_231 = arith.constant 0 : i32
    %dma_start3A_232 = tpu.memref_slice %arg5[%dma_start3A_230, %dma_start3A_231] : memref<4096x1024xf32, #tpu.memory_space<hbm>> -> memref<4096x1024xf32, #tpu.memory_space<hbm>>
    tpu.enqueue_indirect_dma source(%dma_start3A_232 : memref<4096x1024xf32, #tpu.memory_space<hbm>>) target(%dma_start3A_226 : memref<32x1024xf32, #tpu.memory_space<vmem>>) offsets(%dma_start3A_229 : memref<32xi32, #tpu.memory_space<vmem>>) semaphore(%arg13 : memref<!tpu.dma_semaphore, #tpu.memory_space<semaphore_mem>>)
    %dma_wait3A_233 = arith.constant 3 : i32
    %dma_wait3A_234 = arith.constant 1 : i32
    %dma_wait3A_235 = arith.constant 0 : i32
    %dma_wait3A_236 = arith.constant 0 : i32
    %dma_wait3A_237 = tpu.memref_slice %arg11[%dma_wait3A_234, %dma_wait3A_235, %dma_wait3A_236] : memref<2x32x1024xf32, #tpu.memory_space<vmem>> -> memref<1x32x1024xf32, #tpu.memory_space<vmem>>
    %dma_wait3A_238 = tpu.memref_squeeze %dma_wait3A_237 : memref<1x32x1024xf32, #tpu.memory_space<vmem>> -> memref<32x1024xf32, #tpu.memory_space<vmem>>
    %dma_wait3A_239 = arith.constant 0 : i32
    %dma_wait3A_240 = tpu.memref_slice %arg10[%dma_wait3A_233, %dma_wait3A_239] : memref<4x32xi32, #tpu.memory_space<vmem>> -> memref<1x32xi32, #tpu.memory_space<vmem>>
    %dma_wait3A_241 = tpu.memref_squeeze %dma_wait3A_240 : memref<1x32xi32, #tpu.memory_space<vmem>> -> memref<32xi32, #tpu.memory_space<vmem>>
    %dma_wait3A_242 = arith.constant 0 : i32
    %dma_wait3A_243 = arith.constant 0 : i32
    %dma_wait3A_244 = tpu.memref_slice %arg5[%dma_wait3A_242, %dma_wait3A_243] : memref<4096x1024xf32, #tpu.memory_space<hbm>> -> memref<4096x1024xf32, #tpu.memory_space<hbm>>
    tpu.wait_indirect_dma semaphore(%arg13 : memref<!tpu.dma_semaphore, #tpu.memory_space<semaphore_mem>>) src(%dma_wait3A_244 : memref<4096x1024xf32, #tpu.memory_space<hbm>>) dst(%dma_wait3A_238 : memref<32x1024xf32, #tpu.memory_space<vmem>>)
    %add3A_245 = arith.constant 96 : i32
    %add3A_246 = arith.addi %mul3A_2, %add3A_245 : i32
    %dma_start3A_247 = arith.constant 1 : i32
    %dma_start3A_248 = arith.constant 0 : i32
    %dma_start3A_249 = arith.constant 0 : i32
    %dma_start3A_250 = tpu.memref_slice %arg11[%dma_start3A_247, %dma_start3A_248, %dma_start3A_249] : memref<2x32x1024xf32, #tpu.memory_space<vmem>> -> memref<1x32x1024xf32, #tpu.memory_space<vmem>>
    %dma_start3A_251 = tpu.memref_squeeze %dma_start3A_250 : memref<1x32x1024xf32, #tpu.memory_space<vmem>> -> memref<32x1024xf32, #tpu.memory_space<vmem>>
    %dma_start3A_252 = arith.constant 0 : i32
    %dma_start3A_253 = tpu.memref_slice %arg6[%add3A_246, %dma_start3A_252] : memref<4096x1024xf32, #tpu.memory_space<hbm>> -> memref<32x1024xf32, #tpu.memory_space<hbm>>
    %dma_start3A_254 = arith.constant 0 : i32
    %dma_start3A_255 = tpu.memref_slice %arg6[%add3A_246, %dma_start3A_254] : memref<4096x1024xf32, #tpu.memory_space<hbm>> -> memref<32x1024xf32, #tpu.memory_space<hbm>>
    %dma_start3A_256 = arith.constant 0 : i32
    %dma_start3A_257 = arith.constant 0 : i32
    %dma_start3A_258 = tpu.memref_slice %arg11[%dma_start3A_247, %dma_start3A_256, %dma_start3A_257] : memref<2x32x1024xf32, #tpu.memory_space<vmem>> -> memref<1x32x1024xf32, #tpu.memory_space<vmem>>
    %dma_start3A_259 = tpu.memref_squeeze %dma_start3A_258 : memref<1x32x1024xf32, #tpu.memory_space<vmem>> -> memref<32x1024xf32, #tpu.memory_space<vmem>>
    tpu.enqueue_dma source(%dma_start3A_259 : memref<32x1024xf32, #tpu.memory_space<vmem>>) target(%dma_start3A_255 : memref<32x1024xf32, #tpu.memory_space<hbm>>) target_semaphore(%arg15 : memref<!tpu.dma_semaphore, #tpu.memory_space<semaphore_mem>>)
    %dma_wait3A_260 = arith.constant 0 : i32
    %dma_wait3A_261 = arith.constant 0 : i32
    %dma_wait3A_262 = arith.constant 0 : i32
    %dma_wait3A_263 = tpu.memref_slice %arg11[%dma_wait3A_260, %dma_wait3A_261, %dma_wait3A_262] : memref<2x32x1024xf32, #tpu.memory_space<vmem>> -> memref<1x32x1024xf32, #tpu.memory_space<vmem>>
    %dma_wait3A_264 = tpu.memref_squeeze %dma_wait3A_263 : memref<1x32x1024xf32, #tpu.memory_space<vmem>> -> memref<32x1024xf32, #tpu.memory_space<vmem>>
    %dma_wait3A_265 = arith.constant 0 : i32
    %dma_wait3A_266 = tpu.memref_slice %arg6[%add3A_194, %dma_wait3A_265] : memref<4096x1024xf32, #tpu.memory_space<hbm>> -> memref<32x1024xf32, #tpu.memory_space<hbm>>
    %dma_wait3A_267 = arith.constant 0 : i32
    %dma_wait3A_268 = tpu.memref_slice %arg6[%add3A_194, %dma_wait3A_267] : memref<4096x1024xf32, #tpu.memory_space<hbm>> -> memref<32x1024xf32, #tpu.memory_space<hbm>>
    %dma_wait3A_269 = arith.constant 0 : i32
    %dma_wait3A_270 = arith.constant 0 : i32
    %dma_wait3A_271 = tpu.memref_slice %arg11[%dma_wait3A_260, %dma_wait3A_269, %dma_wait3A_270] : memref<2x32x1024xf32, #tpu.memory_space<vmem>> -> memref<1x32x1024xf32, #tpu.memory_space<vmem>>
    %dma_wait3A_272 = tpu.memref_squeeze %dma_wait3A_271 : memref<1x32x1024xf32, #tpu.memory_space<vmem>> -> memref<32x1024xf32, #tpu.memory_space<vmem>>
    tpu.wait_dma2 semaphore(%arg14 : memref<!tpu.dma_semaphore, #tpu.memory_space<semaphore_mem>>) src(%dma_wait3A_272 : memref<32x1024xf32, #tpu.memory_space<vmem>>) dst(%dma_wait3A_268 : memref<32x1024xf32, #tpu.memory_space<hbm>>)
    %dma_wait3A_273 = arith.constant 1 : i32
    %dma_wait3A_274 = arith.constant 0 : i32
    %dma_wait3A_275 = arith.constant 0 : i32
    %dma_wait3A_276 = tpu.memref_slice %arg11[%dma_wait3A_273, %dma_wait3A_274, %dma_wait3A_275] : memref<2x32x1024xf32, #tpu.memory_space<vmem>> -> memref<1x32x1024xf32, #tpu.memory_space<vmem>>
    %dma_wait3A_277 = tpu.memref_squeeze %dma_wait3A_276 : memref<1x32x1024xf32, #tpu.memory_space<vmem>> -> memref<32x1024xf32, #tpu.memory_space<vmem>>
    %dma_wait3A_278 = arith.constant 0 : i32
    %dma_wait3A_279 = tpu.memref_slice %arg6[%add3A_246, %dma_wait3A_278] : memref<4096x1024xf32, #tpu.memory_space<hbm>> -> memref<32x1024xf32, #tpu.memory_space<hbm>>
    %dma_wait3A_280 = arith.constant 0 : i32
    %dma_wait3A_281 = tpu.memref_slice %arg6[%add3A_246, %dma_wait3A_280] : memref<4096x1024xf32, #tpu.memory_space<hbm>> -> memref<32x1024xf32, #tpu.memory_space<hbm>>
    %dma_wait3A_282 = arith.constant 0 : i32
    %dma_wait3A_283 = arith.constant 0 : i32
    %dma_wait3A_284 = tpu.memref_slice %arg11[%dma_wait3A_273, %dma_wait3A_282, %dma_wait3A_283] : memref<2x32x1024xf32, #tpu.memory_space<vmem>> -> memref<1x32x1024xf32, #tpu.memory_space<vmem>>
    %dma_wait3A_285 = tpu.memref_squeeze %dma_wait3A_284 : memref<1x32x1024xf32, #tpu.memory_space<vmem>> -> memref<32x1024xf32, #tpu.memory_space<vmem>>
    tpu.wait_dma2 semaphore(%arg15 : memref<!tpu.dma_semaphore, #tpu.memory_space<semaphore_mem>>) src(%dma_wait3A_285 : memref<32x1024xf32, #tpu.memory_space<vmem>>) dst(%dma_wait3A_281 : memref<32x1024xf32, #tpu.memory_space<hbm>>)
    return
  }
}

#map = affine_map<(d0, d1) -> (0)>
#map1 = affine_map<(d0, d1) -> (0, 0)>
module attributes {stable_mosaic.version = 14 : i64} {
  func.func @_dispatch_body(%arg0: i32, %arg1: i32, %arg2: memref<4096xi32, #tpu.memory_space<hbm>>, %arg3: memref<4096xi32, #tpu.memory_space<hbm>>, %arg4: memref<16xi32, #tpu.memory_space<hbm>>, %arg5: memref<4096x1024xf32, #tpu.memory_space<hbm>>, %arg6: memref<4096x128xf32, #tpu.memory_space<hbm>>, %arg7: memref<4096x1024xf32, #tpu.memory_space<hbm>>, %arg8: memref<4096x128xf32, #tpu.memory_space<hbm>>, %arg9: memref<128xi32, #tpu.memory_space<vmem>>, %arg10: memref<128xi32, #tpu.memory_space<vmem>>, %arg11: memref<16xi32, #tpu.memory_space<vmem>>, %arg12: memref<4x32xi32, #tpu.memory_space<vmem>>, %arg13: memref<2x32x1024xf32, #tpu.memory_space<vmem>>, %arg14: memref<2x32x128xf32, #tpu.memory_space<vmem>>, %arg15: memref<!tpu.dma_semaphore, #tpu.memory_space<semaphore_mem>>, %arg16: memref<!tpu.dma_semaphore, #tpu.memory_space<semaphore_mem>>, %arg17: memref<!tpu.dma_semaphore, #tpu.memory_space<semaphore_mem>>, %arg18: memref<!tpu.dma_semaphore, #tpu.memory_space<semaphore_mem>>, %arg19: memref<!tpu.dma_semaphore, #tpu.memory_space<semaphore_mem>>, %arg20: memref<!tpu.dma_semaphore, #tpu.memory_space<semaphore_mem>>, %arg21: memref<!tpu.dma_semaphore, #tpu.memory_space<semaphore_mem>>, %arg22: memref<!tpu.dma_semaphore, #tpu.memory_space<semaphore_mem>>) attributes {dimension_semantics = [#tpu.dimension_semantics<core_parallel>, #tpu.dimension_semantics<subcore_parallel>], iteration_bounds = array<i64: 2, 16>, scalar_prefetch = 0 : i64, scratch_operands = 14 : i64, tpu.core_type = #tpu.core_type<sc_vector_subcore>, window_params = [{transform_indices = #map}, {transform_indices = #map}, {transform_indices = #map}, {transform_indices = #map1}, {transform_indices = #map1}, {transform_indices = #map1}, {transform_indices = #map1}]} {
    %mul3A = arith.constant 2 : i32
    %mul3A_0 = arith.muli %arg1, %mul3A : i32
    %add3A = arith.addi %mul3A_0, %arg0 : i32
    %mul3A_1 = arith.constant 128 : i32
    %mul3A_2 = arith.muli %add3A, %mul3A_1 : i32
    %add3A_3 = arith.constant 0 : i32
    %add3A_4 = arith.addi %mul3A_2, %add3A_3 : i32
    %dma_start3A = arith.constant 0 : i32
    %dma_start3A_5 = arith.constant 0 : i32
    %dma_start3A_6 = arith.constant 0 : i32
    %dma_start3A_7 = tpu.memref_slice %arg13[%dma_start3A, %dma_start3A_5, %dma_start3A_6] : memref<2x32x1024xf32, #tpu.memory_space<vmem>> -> memref<1x32x1024xf32, #tpu.memory_space<vmem>>
    %dma_start3A_8 = tpu.memref_squeeze %dma_start3A_7 : memref<1x32x1024xf32, #tpu.memory_space<vmem>> -> memref<32x1024xf32, #tpu.memory_space<vmem>>
    %dma_start3A_9 = arith.constant 0 : i32
    %dma_start3A_10 = tpu.memref_slice %arg5[%add3A_4, %dma_start3A_9] : memref<4096x1024xf32, #tpu.memory_space<hbm>> -> memref<32x1024xf32, #tpu.memory_space<hbm>>
    %dma_start3A_11 = arith.constant 0 : i32
    %dma_start3A_12 = arith.constant 0 : i32
    %dma_start3A_13 = tpu.memref_slice %arg13[%dma_start3A, %dma_start3A_11, %dma_start3A_12] : memref<2x32x1024xf32, #tpu.memory_space<vmem>> -> memref<1x32x1024xf32, #tpu.memory_space<vmem>>
    %dma_start3A_14 = tpu.memref_squeeze %dma_start3A_13 : memref<1x32x1024xf32, #tpu.memory_space<vmem>> -> memref<32x1024xf32, #tpu.memory_space<vmem>>
    %dma_start3A_15 = arith.constant 0 : i32
    %dma_start3A_16 = tpu.memref_slice %arg5[%add3A_4, %dma_start3A_15] : memref<4096x1024xf32, #tpu.memory_space<hbm>> -> memref<32x1024xf32, #tpu.memory_space<hbm>>
    tpu.enqueue_dma source(%dma_start3A_16 : memref<32x1024xf32, #tpu.memory_space<hbm>>) target(%dma_start3A_14 : memref<32x1024xf32, #tpu.memory_space<vmem>>) target_semaphore(%arg15 : memref<!tpu.dma_semaphore, #tpu.memory_space<semaphore_mem>>)
    %add3A_17 = arith.constant 0 : i32
    %add3A_18 = arith.addi %mul3A_2, %add3A_17 : i32
    %dma_start3A_19 = arith.constant 0 : i32
    %dma_start3A_20 = arith.constant 0 : i32
    %dma_start3A_21 = arith.constant 0 : i32
    %dma_start3A_22 = tpu.memref_slice %arg14[%dma_start3A_19, %dma_start3A_20, %dma_start3A_21] : memref<2x32x128xf32, #tpu.memory_space<vmem>> -> memref<1x32x128xf32, #tpu.memory_space<vmem>>
    %dma_start3A_23 = tpu.memref_squeeze %dma_start3A_22 : memref<1x32x128xf32, #tpu.memory_space<vmem>> -> memref<32x128xf32, #tpu.memory_space<vmem>>
    %dma_start3A_24 = arith.constant 0 : i32
    %dma_start3A_25 = tpu.memref_slice %arg6[%add3A_18, %dma_start3A_24] : memref<4096x128xf32, #tpu.memory_space<hbm>> -> memref<32x128xf32, #tpu.memory_space<hbm>>
    %dma_start3A_26 = arith.constant 0 : i32
    %dma_start3A_27 = arith.constant 0 : i32
    %dma_start3A_28 = tpu.memref_slice %arg14[%dma_start3A_19, %dma_start3A_26, %dma_start3A_27] : memref<2x32x128xf32, #tpu.memory_space<vmem>> -> memref<1x32x128xf32, #tpu.memory_space<vmem>>
    %dma_start3A_29 = tpu.memref_squeeze %dma_start3A_28 : memref<1x32x128xf32, #tpu.memory_space<vmem>> -> memref<32x128xf32, #tpu.memory_space<vmem>>
    %dma_start3A_30 = arith.constant 0 : i32
    %dma_start3A_31 = tpu.memref_slice %arg6[%add3A_18, %dma_start3A_30] : memref<4096x128xf32, #tpu.memory_space<hbm>> -> memref<32x128xf32, #tpu.memory_space<hbm>>
    tpu.enqueue_dma source(%dma_start3A_31 : memref<32x128xf32, #tpu.memory_space<hbm>>) target(%dma_start3A_29 : memref<32x128xf32, #tpu.memory_space<vmem>>) target_semaphore(%arg19 : memref<!tpu.dma_semaphore, #tpu.memory_space<semaphore_mem>>)
    %add3A_32 = arith.constant 32 : i32
    %add3A_33 = arith.addi %mul3A_2, %add3A_32 : i32
    %dma_start3A_34 = arith.constant 1 : i32
    %dma_start3A_35 = arith.constant 0 : i32
    %dma_start3A_36 = arith.constant 0 : i32
    %dma_start3A_37 = tpu.memref_slice %arg13[%dma_start3A_34, %dma_start3A_35, %dma_start3A_36] : memref<2x32x1024xf32, #tpu.memory_space<vmem>> -> memref<1x32x1024xf32, #tpu.memory_space<vmem>>
    %dma_start3A_38 = tpu.memref_squeeze %dma_start3A_37 : memref<1x32x1024xf32, #tpu.memory_space<vmem>> -> memref<32x1024xf32, #tpu.memory_space<vmem>>
    %dma_start3A_39 = arith.constant 0 : i32
    %dma_start3A_40 = tpu.memref_slice %arg5[%add3A_33, %dma_start3A_39] : memref<4096x1024xf32, #tpu.memory_space<hbm>> -> memref<32x1024xf32, #tpu.memory_space<hbm>>
    %dma_start3A_41 = arith.constant 0 : i32
    %dma_start3A_42 = arith.constant 0 : i32
    %dma_start3A_43 = tpu.memref_slice %arg13[%dma_start3A_34, %dma_start3A_41, %dma_start3A_42] : memref<2x32x1024xf32, #tpu.memory_space<vmem>> -> memref<1x32x1024xf32, #tpu.memory_space<vmem>>
    %dma_start3A_44 = tpu.memref_squeeze %dma_start3A_43 : memref<1x32x1024xf32, #tpu.memory_space<vmem>> -> memref<32x1024xf32, #tpu.memory_space<vmem>>
    %dma_start3A_45 = arith.constant 0 : i32
    %dma_start3A_46 = tpu.memref_slice %arg5[%add3A_33, %dma_start3A_45] : memref<4096x1024xf32, #tpu.memory_space<hbm>> -> memref<32x1024xf32, #tpu.memory_space<hbm>>
    tpu.enqueue_dma source(%dma_start3A_46 : memref<32x1024xf32, #tpu.memory_space<hbm>>) target(%dma_start3A_44 : memref<32x1024xf32, #tpu.memory_space<vmem>>) target_semaphore(%arg16 : memref<!tpu.dma_semaphore, #tpu.memory_space<semaphore_mem>>)
    %add3A_47 = arith.constant 32 : i32
    %add3A_48 = arith.addi %mul3A_2, %add3A_47 : i32
    %dma_start3A_49 = arith.constant 1 : i32
    %dma_start3A_50 = arith.constant 0 : i32
    %dma_start3A_51 = arith.constant 0 : i32
    %dma_start3A_52 = tpu.memref_slice %arg14[%dma_start3A_49, %dma_start3A_50, %dma_start3A_51] : memref<2x32x128xf32, #tpu.memory_space<vmem>> -> memref<1x32x128xf32, #tpu.memory_space<vmem>>
    %dma_start3A_53 = tpu.memref_squeeze %dma_start3A_52 : memref<1x32x128xf32, #tpu.memory_space<vmem>> -> memref<32x128xf32, #tpu.memory_space<vmem>>
    %dma_start3A_54 = arith.constant 0 : i32
    %dma_start3A_55 = tpu.memref_slice %arg6[%add3A_48, %dma_start3A_54] : memref<4096x128xf32, #tpu.memory_space<hbm>> -> memref<32x128xf32, #tpu.memory_space<hbm>>
    %dma_start3A_56 = arith.constant 0 : i32
    %dma_start3A_57 = arith.constant 0 : i32
    %dma_start3A_58 = tpu.memref_slice %arg14[%dma_start3A_49, %dma_start3A_56, %dma_start3A_57] : memref<2x32x128xf32, #tpu.memory_space<vmem>> -> memref<1x32x128xf32, #tpu.memory_space<vmem>>
    %dma_start3A_59 = tpu.memref_squeeze %dma_start3A_58 : memref<1x32x128xf32, #tpu.memory_space<vmem>> -> memref<32x128xf32, #tpu.memory_space<vmem>>
    %dma_start3A_60 = arith.constant 0 : i32
    %dma_start3A_61 = tpu.memref_slice %arg6[%add3A_48, %dma_start3A_60] : memref<4096x128xf32, #tpu.memory_space<hbm>> -> memref<32x128xf32, #tpu.memory_space<hbm>>
    tpu.enqueue_dma source(%dma_start3A_61 : memref<32x128xf32, #tpu.memory_space<hbm>>) target(%dma_start3A_59 : memref<32x128xf32, #tpu.memory_space<vmem>>) target_semaphore(%arg20 : memref<!tpu.dma_semaphore, #tpu.memory_space<semaphore_mem>>)
    "tpu.region"() ({
      %run_scoped3A = tpu.sem_alloc : memref<!tpu.dma_semaphore, #tpu.memory_space<semaphore_mem>>
      %dma_start3A_494 = tpu.memref_slice %arg2[%mul3A_2] : memref<4096xi32, #tpu.memory_space<hbm>> -> memref<128xi32, #tpu.memory_space<hbm>>
      %dma_start3A_495 = tpu.memref_slice %arg2[%mul3A_2] : memref<4096xi32, #tpu.memory_space<hbm>> -> memref<128xi32, #tpu.memory_space<hbm>>
      tpu.enqueue_dma source(%dma_start3A_495 : memref<128xi32, #tpu.memory_space<hbm>>) target(%arg9 : memref<128xi32, #tpu.memory_space<vmem>>) target_semaphore(%run_scoped3A : memref<!tpu.dma_semaphore, #tpu.memory_space<semaphore_mem>>)
      %dma_wait3A_496 = tpu.memref_slice %arg2[%mul3A_2] : memref<4096xi32, #tpu.memory_space<hbm>> -> memref<128xi32, #tpu.memory_space<hbm>>
      %dma_wait3A_497 = tpu.memref_slice %arg2[%mul3A_2] : memref<4096xi32, #tpu.memory_space<hbm>> -> memref<128xi32, #tpu.memory_space<hbm>>
      tpu.wait_dma2 semaphore(%run_scoped3A : memref<!tpu.dma_semaphore, #tpu.memory_space<semaphore_mem>>) src(%dma_wait3A_497 : memref<128xi32, #tpu.memory_space<hbm>>) dst(%arg9 : memref<128xi32, #tpu.memory_space<vmem>>)
      tpu.yield
    }) : () -> ()
    "tpu.region"() ({
      %run_scoped3A = tpu.sem_alloc : memref<!tpu.dma_semaphore, #tpu.memory_space<semaphore_mem>>
      %dma_start3A_494 = tpu.memref_slice %arg3[%mul3A_2] : memref<4096xi32, #tpu.memory_space<hbm>> -> memref<128xi32, #tpu.memory_space<hbm>>
      %dma_start3A_495 = tpu.memref_slice %arg3[%mul3A_2] : memref<4096xi32, #tpu.memory_space<hbm>> -> memref<128xi32, #tpu.memory_space<hbm>>
      tpu.enqueue_dma source(%dma_start3A_495 : memref<128xi32, #tpu.memory_space<hbm>>) target(%arg10 : memref<128xi32, #tpu.memory_space<vmem>>) target_semaphore(%run_scoped3A : memref<!tpu.dma_semaphore, #tpu.memory_space<semaphore_mem>>)
      %dma_wait3A_496 = tpu.memref_slice %arg3[%mul3A_2] : memref<4096xi32, #tpu.memory_space<hbm>> -> memref<128xi32, #tpu.memory_space<hbm>>
      %dma_wait3A_497 = tpu.memref_slice %arg3[%mul3A_2] : memref<4096xi32, #tpu.memory_space<hbm>> -> memref<128xi32, #tpu.memory_space<hbm>>
      tpu.wait_dma2 semaphore(%run_scoped3A : memref<!tpu.dma_semaphore, #tpu.memory_space<semaphore_mem>>) src(%dma_wait3A_497 : memref<128xi32, #tpu.memory_space<hbm>>) dst(%arg10 : memref<128xi32, #tpu.memory_space<vmem>>)
      tpu.yield
    }) : () -> ()
    "tpu.region"() ({
      %run_scoped3A = tpu.sem_alloc : memref<!tpu.dma_semaphore, #tpu.memory_space<semaphore_mem>>
      tpu.enqueue_dma source(%arg4 : memref<16xi32, #tpu.memory_space<hbm>>) target(%arg11 : memref<16xi32, #tpu.memory_space<vmem>>) target_semaphore(%run_scoped3A : memref<!tpu.dma_semaphore, #tpu.memory_space<semaphore_mem>>)
      tpu.wait_dma2 semaphore(%run_scoped3A : memref<!tpu.dma_semaphore, #tpu.memory_space<semaphore_mem>>) src(%arg4 : memref<16xi32, #tpu.memory_space<hbm>>) dst(%arg11 : memref<16xi32, #tpu.memory_space<vmem>>)
      tpu.yield
    }) : () -> ()
    %get3A = arith.constant 0 : index
    %get3A_62 = tpu.vector_load %arg9[%get3A] {strides = array<i32>} : memref<128xi32, #tpu.memory_space<vmem>>, vector<16xi32>,
    %gather3A = tpu.vector_load_idx %arg11[%get3A_62] : memref<16xi32, #tpu.memory_space<vmem>>[vector<16xi32>], vector<16xi32>,
    %get3A_63 = arith.constant 0 : index
    %get3A_64 = tpu.vector_load %arg10[%get3A_63] {strides = array<i32>} : memref<128xi32, #tpu.memory_space<vmem>>, vector<16xi32>,
    %add3A_65 = arith.addi %gather3A, %get3A_64 : vector<16xi32>
    %swap3A = arith.constant 0 : i32
    %swap3A_66 = arith.index_cast %swap3A : i32 to index
    %swap3A_67 = arith.constant 0 : index
    %swap3A_68 = tpu.vector_load %arg12[%swap3A_66, %swap3A_67] {strides = array<i32>} : memref<4x32xi32, #tpu.memory_space<vmem>>, vector<16xi32>,
    tpu.vector_store %arg12[%swap3A_66, %swap3A_67], %add3A_65 {strides = array<i32>} : memref<4x32xi32, #tpu.memory_space<vmem>>, vector<16xi32>,
    %get3A_69 = arith.constant 16 : index
    %get3A_70 = tpu.vector_load %arg9[%get3A_69] {strides = array<i32>} : memref<128xi32, #tpu.memory_space<vmem>>, vector<16xi32>,
    %gather3A_71 = tpu.vector_load_idx %arg11[%get3A_70] : memref<16xi32, #tpu.memory_space<vmem>>[vector<16xi32>], vector<16xi32>,
    %get3A_72 = arith.constant 16 : index
    %get3A_73 = tpu.vector_load %arg10[%get3A_72] {strides = array<i32>} : memref<128xi32, #tpu.memory_space<vmem>>, vector<16xi32>,
    %add3A_74 = arith.addi %gather3A_71, %get3A_73 : vector<16xi32>
    %swap3A_75 = arith.constant 0 : i32
    %swap3A_76 = arith.index_cast %swap3A_75 : i32 to index
    %swap3A_77 = arith.constant 16 : index
    %swap3A_78 = tpu.vector_load %arg12[%swap3A_76, %swap3A_77] {strides = array<i32>} : memref<4x32xi32, #tpu.memory_space<vmem>>, vector<16xi32>,
    tpu.vector_store %arg12[%swap3A_76, %swap3A_77], %add3A_74 {strides = array<i32>} : memref<4x32xi32, #tpu.memory_space<vmem>>, vector<16xi32>,
    %get3A_79 = arith.constant 32 : index
    %get3A_80 = tpu.vector_load %arg9[%get3A_79] {strides = array<i32>} : memref<128xi32, #tpu.memory_space<vmem>>, vector<16xi32>,
    %gather3A_81 = tpu.vector_load_idx %arg11[%get3A_80] : memref<16xi32, #tpu.memory_space<vmem>>[vector<16xi32>], vector<16xi32>,
    %get3A_82 = arith.constant 32 : index
    %get3A_83 = tpu.vector_load %arg10[%get3A_82] {strides = array<i32>} : memref<128xi32, #tpu.memory_space<vmem>>, vector<16xi32>,
    %add3A_84 = arith.addi %gather3A_81, %get3A_83 : vector<16xi32>
    %swap3A_85 = arith.constant 1 : i32
    %swap3A_86 = arith.index_cast %swap3A_85 : i32 to index
    %swap3A_87 = arith.constant 0 : index
    %swap3A_88 = tpu.vector_load %arg12[%swap3A_86, %swap3A_87] {strides = array<i32>} : memref<4x32xi32, #tpu.memory_space<vmem>>, vector<16xi32>,
    tpu.vector_store %arg12[%swap3A_86, %swap3A_87], %add3A_84 {strides = array<i32>} : memref<4x32xi32, #tpu.memory_space<vmem>>, vector<16xi32>,
    %get3A_89 = arith.constant 48 : index
    %get3A_90 = tpu.vector_load %arg9[%get3A_89] {strides = array<i32>} : memref<128xi32, #tpu.memory_space<vmem>>, vector<16xi32>,
    %gather3A_91 = tpu.vector_load_idx %arg11[%get3A_90] : memref<16xi32, #tpu.memory_space<vmem>>[vector<16xi32>], vector<16xi32>,
    %get3A_92 = arith.constant 48 : index
    %get3A_93 = tpu.vector_load %arg10[%get3A_92] {strides = array<i32>} : memref<128xi32, #tpu.memory_space<vmem>>, vector<16xi32>,
    %add3A_94 = arith.addi %gather3A_91, %get3A_93 : vector<16xi32>
    %swap3A_95 = arith.constant 1 : i32
    %swap3A_96 = arith.index_cast %swap3A_95 : i32 to index
    %swap3A_97 = arith.constant 16 : index
    %swap3A_98 = tpu.vector_load %arg12[%swap3A_96, %swap3A_97] {strides = array<i32>} : memref<4x32xi32, #tpu.memory_space<vmem>>, vector<16xi32>,
    tpu.vector_store %arg12[%swap3A_96, %swap3A_97], %add3A_94 {strides = array<i32>} : memref<4x32xi32, #tpu.memory_space<vmem>>, vector<16xi32>,
    %get3A_99 = arith.constant 64 : index
    %get3A_100 = tpu.vector_load %arg9[%get3A_99] {strides = array<i32>} : memref<128xi32, #tpu.memory_space<vmem>>, vector<16xi32>,
    %gather3A_101 = tpu.vector_load_idx %arg11[%get3A_100] : memref<16xi32, #tpu.memory_space<vmem>>[vector<16xi32>], vector<16xi32>,
    %get3A_102 = arith.constant 64 : index
    %get3A_103 = tpu.vector_load %arg10[%get3A_102] {strides = array<i32>} : memref<128xi32, #tpu.memory_space<vmem>>, vector<16xi32>,
    %add3A_104 = arith.addi %gather3A_101, %get3A_103 : vector<16xi32>
    %swap3A_105 = arith.constant 2 : i32
    %swap3A_106 = arith.index_cast %swap3A_105 : i32 to index
    %swap3A_107 = arith.constant 0 : index
    %swap3A_108 = tpu.vector_load %arg12[%swap3A_106, %swap3A_107] {strides = array<i32>} : memref<4x32xi32, #tpu.memory_space<vmem>>, vector<16xi32>,
    tpu.vector_store %arg12[%swap3A_106, %swap3A_107], %add3A_104 {strides = array<i32>} : memref<4x32xi32, #tpu.memory_space<vmem>>, vector<16xi32>,
    %get3A_109 = arith.constant 80 : index
    %get3A_110 = tpu.vector_load %arg9[%get3A_109] {strides = array<i32>} : memref<128xi32, #tpu.memory_space<vmem>>, vector<16xi32>,
    %gather3A_111 = tpu.vector_load_idx %arg11[%get3A_110] : memref<16xi32, #tpu.memory_space<vmem>>[vector<16xi32>], vector<16xi32>,
    %get3A_112 = arith.constant 80 : index
    %get3A_113 = tpu.vector_load %arg10[%get3A_112] {strides = array<i32>} : memref<128xi32, #tpu.memory_space<vmem>>, vector<16xi32>,
    %add3A_114 = arith.addi %gather3A_111, %get3A_113 : vector<16xi32>
    %swap3A_115 = arith.constant 2 : i32
    %swap3A_116 = arith.index_cast %swap3A_115 : i32 to index
    %swap3A_117 = arith.constant 16 : index
    %swap3A_118 = tpu.vector_load %arg12[%swap3A_116, %swap3A_117] {strides = array<i32>} : memref<4x32xi32, #tpu.memory_space<vmem>>, vector<16xi32>,
    tpu.vector_store %arg12[%swap3A_116, %swap3A_117], %add3A_114 {strides = array<i32>} : memref<4x32xi32, #tpu.memory_space<vmem>>, vector<16xi32>,
    %get3A_119 = arith.constant 96 : index
    %get3A_120 = tpu.vector_load %arg9[%get3A_119] {strides = array<i32>} : memref<128xi32, #tpu.memory_space<vmem>>, vector<16xi32>,
    %gather3A_121 = tpu.vector_load_idx %arg11[%get3A_120] : memref<16xi32, #tpu.memory_space<vmem>>[vector<16xi32>], vector<16xi32>,
    %get3A_122 = arith.constant 96 : index
    %get3A_123 = tpu.vector_load %arg10[%get3A_122] {strides = array<i32>} : memref<128xi32, #tpu.memory_space<vmem>>, vector<16xi32>,
    %add3A_124 = arith.addi %gather3A_121, %get3A_123 : vector<16xi32>
    %swap3A_125 = arith.constant 3 : i32
    %swap3A_126 = arith.index_cast %swap3A_125 : i32 to index
    %swap3A_127 = arith.constant 0 : index
    %swap3A_128 = tpu.vector_load %arg12[%swap3A_126, %swap3A_127] {strides = array<i32>} : memref<4x32xi32, #tpu.memory_space<vmem>>, vector<16xi32>,
    tpu.vector_store %arg12[%swap3A_126, %swap3A_127], %add3A_124 {strides = array<i32>} : memref<4x32xi32, #tpu.memory_space<vmem>>, vector<16xi32>,
    %get3A_129 = arith.constant 112 : index
    %get3A_130 = tpu.vector_load %arg9[%get3A_129] {strides = array<i32>} : memref<128xi32, #tpu.memory_space<vmem>>, vector<16xi32>,
    %gather3A_131 = tpu.vector_load_idx %arg11[%get3A_130] : memref<16xi32, #tpu.memory_space<vmem>>[vector<16xi32>], vector<16xi32>,
    %get3A_132 = arith.constant 112 : index
    %get3A_133 = tpu.vector_load %arg10[%get3A_132] {strides = array<i32>} : memref<128xi32, #tpu.memory_space<vmem>>, vector<16xi32>,
    %add3A_134 = arith.addi %gather3A_131, %get3A_133 : vector<16xi32>
    %swap3A_135 = arith.constant 3 : i32
    %swap3A_136 = arith.index_cast %swap3A_135 : i32 to index
    %swap3A_137 = arith.constant 16 : index
    %swap3A_138 = tpu.vector_load %arg12[%swap3A_136, %swap3A_137] {strides = array<i32>} : memref<4x32xi32, #tpu.memory_space<vmem>>, vector<16xi32>,
    tpu.vector_store %arg12[%swap3A_136, %swap3A_137], %add3A_134 {strides = array<i32>} : memref<4x32xi32, #tpu.memory_space<vmem>>, vector<16xi32>,
    %dma_wait3A = arith.constant 0 : i32
    %dma_wait3A_139 = arith.constant 0 : i32
    %dma_wait3A_140 = arith.constant 0 : i32
    %dma_wait3A_141 = tpu.memref_slice %arg13[%dma_wait3A, %dma_wait3A_139, %dma_wait3A_140] : memref<2x32x1024xf32, #tpu.memory_space<vmem>> -> memref<1x32x1024xf32, #tpu.memory_space<vmem>>
    %dma_wait3A_142 = tpu.memref_squeeze %dma_wait3A_141 : memref<1x32x1024xf32, #tpu.memory_space<vmem>> -> memref<32x1024xf32, #tpu.memory_space<vmem>>
    %dma_wait3A_143 = arith.constant 0 : i32
    %dma_wait3A_144 = tpu.memref_slice %arg5[%add3A_4, %dma_wait3A_143] : memref<4096x1024xf32, #tpu.memory_space<hbm>> -> memref<32x1024xf32, #tpu.memory_space<hbm>>
    %dma_wait3A_145 = arith.constant 0 : i32
    %dma_wait3A_146 = arith.constant 0 : i32
    %dma_wait3A_147 = tpu.memref_slice %arg13[%dma_wait3A, %dma_wait3A_145, %dma_wait3A_146] : memref<2x32x1024xf32, #tpu.memory_space<vmem>> -> memref<1x32x1024xf32, #tpu.memory_space<vmem>>
    %dma_wait3A_148 = tpu.memref_squeeze %dma_wait3A_147 : memref<1x32x1024xf32, #tpu.memory_space<vmem>> -> memref<32x1024xf32, #tpu.memory_space<vmem>>
    %dma_wait3A_149 = arith.constant 0 : i32
    %dma_wait3A_150 = tpu.memref_slice %arg5[%add3A_4, %dma_wait3A_149] : memref<4096x1024xf32, #tpu.memory_space<hbm>> -> memref<32x1024xf32, #tpu.memory_space<hbm>>
    tpu.wait_dma2 semaphore(%arg15 : memref<!tpu.dma_semaphore, #tpu.memory_space<semaphore_mem>>) src(%dma_wait3A_150 : memref<32x1024xf32, #tpu.memory_space<hbm>>) dst(%dma_wait3A_148 : memref<32x1024xf32, #tpu.memory_space<vmem>>)
    %dma_wait3A_151 = arith.constant 0 : i32
    %dma_wait3A_152 = arith.constant 0 : i32
    %dma_wait3A_153 = arith.constant 0 : i32
    %dma_wait3A_154 = tpu.memref_slice %arg14[%dma_wait3A_151, %dma_wait3A_152, %dma_wait3A_153] : memref<2x32x128xf32, #tpu.memory_space<vmem>> -> memref<1x32x128xf32, #tpu.memory_space<vmem>>
    %dma_wait3A_155 = tpu.memref_squeeze %dma_wait3A_154 : memref<1x32x128xf32, #tpu.memory_space<vmem>> -> memref<32x128xf32, #tpu.memory_space<vmem>>
    %dma_wait3A_156 = arith.constant 0 : i32
    %dma_wait3A_157 = tpu.memref_slice %arg6[%add3A_18, %dma_wait3A_156] : memref<4096x128xf32, #tpu.memory_space<hbm>> -> memref<32x128xf32, #tpu.memory_space<hbm>>
    %dma_wait3A_158 = arith.constant 0 : i32
    %dma_wait3A_159 = arith.constant 0 : i32
    %dma_wait3A_160 = tpu.memref_slice %arg14[%dma_wait3A_151, %dma_wait3A_158, %dma_wait3A_159] : memref<2x32x128xf32, #tpu.memory_space<vmem>> -> memref<1x32x128xf32, #tpu.memory_space<vmem>>
    %dma_wait3A_161 = tpu.memref_squeeze %dma_wait3A_160 : memref<1x32x128xf32, #tpu.memory_space<vmem>> -> memref<32x128xf32, #tpu.memory_space<vmem>>
    %dma_wait3A_162 = arith.constant 0 : i32
    %dma_wait3A_163 = tpu.memref_slice %arg6[%add3A_18, %dma_wait3A_162] : memref<4096x128xf32, #tpu.memory_space<hbm>> -> memref<32x128xf32, #tpu.memory_space<hbm>>
    tpu.wait_dma2 semaphore(%arg19 : memref<!tpu.dma_semaphore, #tpu.memory_space<semaphore_mem>>) src(%dma_wait3A_163 : memref<32x128xf32, #tpu.memory_space<hbm>>) dst(%dma_wait3A_161 : memref<32x128xf32, #tpu.memory_space<vmem>>)
    %dma_start3A_164 = arith.constant 0 : i32
    %dma_start3A_165 = arith.constant 0 : i32
    %dma_start3A_166 = arith.constant 0 : i32
    %dma_start3A_167 = arith.constant 0 : i32
    %dma_start3A_168 = tpu.memref_slice %arg13[%dma_start3A_164, %dma_start3A_166, %dma_start3A_167] : memref<2x32x1024xf32, #tpu.memory_space<vmem>> -> memref<1x32x1024xf32, #tpu.memory_space<vmem>>
    %dma_start3A_169 = tpu.memref_squeeze %dma_start3A_168 : memref<1x32x1024xf32, #tpu.memory_space<vmem>> -> memref<32x1024xf32, #tpu.memory_space<vmem>>
    %dma_start3A_170 = arith.constant 0 : i32
    %dma_start3A_171 = tpu.memref_slice %arg12[%dma_start3A_165, %dma_start3A_170] : memref<4x32xi32, #tpu.memory_space<vmem>> -> memref<1x32xi32, #tpu.memory_space<vmem>>
    %dma_start3A_172 = tpu.memref_squeeze %dma_start3A_171 : memref<1x32xi32, #tpu.memory_space<vmem>> -> memref<32xi32, #tpu.memory_space<vmem>>
    %dma_start3A_173 = arith.constant 0 : i32
    %dma_start3A_174 = arith.constant 0 : i32
    %dma_start3A_175 = tpu.memref_slice %arg7[%dma_start3A_173, %dma_start3A_174] : memref<4096x1024xf32, #tpu.memory_space<hbm>> -> memref<4096x1024xf32, #tpu.memory_space<hbm>>
    tpu.enqueue_indirect_dma source(%dma_start3A_169 : memref<32x1024xf32, #tpu.memory_space<vmem>>) target(%dma_start3A_175 : memref<4096x1024xf32, #tpu.memory_space<hbm>>) offsets(%dma_start3A_172 : memref<32xi32, #tpu.memory_space<vmem>>) semaphore(%arg17 : memref<!tpu.dma_semaphore, #tpu.memory_space<semaphore_mem>>)
    %dma_start3A_176 = arith.constant 0 : i32
    %dma_start3A_177 = arith.constant 0 : i32
    %dma_start3A_178 = arith.constant 0 : i32
    %dma_start3A_179 = arith.constant 0 : i32
    %dma_start3A_180 = tpu.memref_slice %arg14[%dma_start3A_176, %dma_start3A_178, %dma_start3A_179] : memref<2x32x128xf32, #tpu.memory_space<vmem>> -> memref<1x32x128xf32, #tpu.memory_space<vmem>>
    %dma_start3A_181 = tpu.memref_squeeze %dma_start3A_180 : memref<1x32x128xf32, #tpu.memory_space<vmem>> -> memref<32x128xf32, #tpu.memory_space<vmem>>
    %dma_start3A_182 = arith.constant 0 : i32
    %dma_start3A_183 = tpu.memref_slice %arg12[%dma_start3A_177, %dma_start3A_182] : memref<4x32xi32, #tpu.memory_space<vmem>> -> memref<1x32xi32, #tpu.memory_space<vmem>>
    %dma_start3A_184 = tpu.memref_squeeze %dma_start3A_183 : memref<1x32xi32, #tpu.memory_space<vmem>> -> memref<32xi32, #tpu.memory_space<vmem>>
    %dma_start3A_185 = arith.constant 0 : i32
    %dma_start3A_186 = arith.constant 0 : i32
    %dma_start3A_187 = tpu.memref_slice %arg8[%dma_start3A_185, %dma_start3A_186] : memref<4096x128xf32, #tpu.memory_space<hbm>> -> memref<4096x128xf32, #tpu.memory_space<hbm>>
    tpu.enqueue_indirect_dma source(%dma_start3A_181 : memref<32x128xf32, #tpu.memory_space<vmem>>) target(%dma_start3A_187 : memref<4096x128xf32, #tpu.memory_space<hbm>>) offsets(%dma_start3A_184 : memref<32xi32, #tpu.memory_space<vmem>>) semaphore(%arg21 : memref<!tpu.dma_semaphore, #tpu.memory_space<semaphore_mem>>)
    %dma_wait3A_188 = arith.constant 1 : i32
    %dma_wait3A_189 = arith.constant 0 : i32
    %dma_wait3A_190 = arith.constant 0 : i32
    %dma_wait3A_191 = tpu.memref_slice %arg13[%dma_wait3A_188, %dma_wait3A_189, %dma_wait3A_190] : memref<2x32x1024xf32, #tpu.memory_space<vmem>> -> memref<1x32x1024xf32, #tpu.memory_space<vmem>>
    %dma_wait3A_192 = tpu.memref_squeeze %dma_wait3A_191 : memref<1x32x1024xf32, #tpu.memory_space<vmem>> -> memref<32x1024xf32, #tpu.memory_space<vmem>>
    %dma_wait3A_193 = arith.constant 0 : i32
    %dma_wait3A_194 = tpu.memref_slice %arg5[%add3A_33, %dma_wait3A_193] : memref<4096x1024xf32, #tpu.memory_space<hbm>> -> memref<32x1024xf32, #tpu.memory_space<hbm>>
    %dma_wait3A_195 = arith.constant 0 : i32
    %dma_wait3A_196 = arith.constant 0 : i32
    %dma_wait3A_197 = tpu.memref_slice %arg13[%dma_wait3A_188, %dma_wait3A_195, %dma_wait3A_196] : memref<2x32x1024xf32, #tpu.memory_space<vmem>> -> memref<1x32x1024xf32, #tpu.memory_space<vmem>>
    %dma_wait3A_198 = tpu.memref_squeeze %dma_wait3A_197 : memref<1x32x1024xf32, #tpu.memory_space<vmem>> -> memref<32x1024xf32, #tpu.memory_space<vmem>>
    %dma_wait3A_199 = arith.constant 0 : i32
    %dma_wait3A_200 = tpu.memref_slice %arg5[%add3A_33, %dma_wait3A_199] : memref<4096x1024xf32, #tpu.memory_space<hbm>> -> memref<32x1024xf32, #tpu.memory_space<hbm>>
    tpu.wait_dma2 semaphore(%arg16 : memref<!tpu.dma_semaphore, #tpu.memory_space<semaphore_mem>>) src(%dma_wait3A_200 : memref<32x1024xf32, #tpu.memory_space<hbm>>) dst(%dma_wait3A_198 : memref<32x1024xf32, #tpu.memory_space<vmem>>)
    %dma_wait3A_201 = arith.constant 1 : i32
    %dma_wait3A_202 = arith.constant 0 : i32
    %dma_wait3A_203 = arith.constant 0 : i32
    %dma_wait3A_204 = tpu.memref_slice %arg14[%dma_wait3A_201, %dma_wait3A_202, %dma_wait3A_203] : memref<2x32x128xf32, #tpu.memory_space<vmem>> -> memref<1x32x128xf32, #tpu.memory_space<vmem>>
    %dma_wait3A_205 = tpu.memref_squeeze %dma_wait3A_204 : memref<1x32x128xf32, #tpu.memory_space<vmem>> -> memref<32x128xf32, #tpu.memory_space<vmem>>
    %dma_wait3A_206 = arith.constant 0 : i32
    %dma_wait3A_207 = tpu.memref_slice %arg6[%add3A_48, %dma_wait3A_206] : memref<4096x128xf32, #tpu.memory_space<hbm>> -> memref<32x128xf32, #tpu.memory_space<hbm>>
    %dma_wait3A_208 = arith.constant 0 : i32
    %dma_wait3A_209 = arith.constant 0 : i32
    %dma_wait3A_210 = tpu.memref_slice %arg14[%dma_wait3A_201, %dma_wait3A_208, %dma_wait3A_209] : memref<2x32x128xf32, #tpu.memory_space<vmem>> -> memref<1x32x128xf32, #tpu.memory_space<vmem>>
    %dma_wait3A_211 = tpu.memref_squeeze %dma_wait3A_210 : memref<1x32x128xf32, #tpu.memory_space<vmem>> -> memref<32x128xf32, #tpu.memory_space<vmem>>
    %dma_wait3A_212 = arith.constant 0 : i32
    %dma_wait3A_213 = tpu.memref_slice %arg6[%add3A_48, %dma_wait3A_212] : memref<4096x128xf32, #tpu.memory_space<hbm>> -> memref<32x128xf32, #tpu.memory_space<hbm>>
    tpu.wait_dma2 semaphore(%arg20 : memref<!tpu.dma_semaphore, #tpu.memory_space<semaphore_mem>>) src(%dma_wait3A_213 : memref<32x128xf32, #tpu.memory_space<hbm>>) dst(%dma_wait3A_211 : memref<32x128xf32, #tpu.memory_space<vmem>>)
    %dma_start3A_214 = arith.constant 1 : i32
    %dma_start3A_215 = arith.constant 1 : i32
    %dma_start3A_216 = arith.constant 0 : i32
    %dma_start3A_217 = arith.constant 0 : i32
    %dma_start3A_218 = tpu.memref_slice %arg13[%dma_start3A_214, %dma_start3A_216, %dma_start3A_217] : memref<2x32x1024xf32, #tpu.memory_space<vmem>> -> memref<1x32x1024xf32, #tpu.memory_space<vmem>>
    %dma_start3A_219 = tpu.memref_squeeze %dma_start3A_218 : memref<1x32x1024xf32, #tpu.memory_space<vmem>> -> memref<32x1024xf32, #tpu.memory_space<vmem>>
    %dma_start3A_220 = arith.constant 0 : i32
    %dma_start3A_221 = tpu.memref_slice %arg12[%dma_start3A_215, %dma_start3A_220] : memref<4x32xi32, #tpu.memory_space<vmem>> -> memref<1x32xi32, #tpu.memory_space<vmem>>
    %dma_start3A_222 = tpu.memref_squeeze %dma_start3A_221 : memref<1x32xi32, #tpu.memory_space<vmem>> -> memref<32xi32, #tpu.memory_space<vmem>>
    %dma_start3A_223 = arith.constant 0 : i32
    %dma_start3A_224 = arith.constant 0 : i32
    %dma_start3A_225 = tpu.memref_slice %arg7[%dma_start3A_223, %dma_start3A_224] : memref<4096x1024xf32, #tpu.memory_space<hbm>> -> memref<4096x1024xf32, #tpu.memory_space<hbm>>
    tpu.enqueue_indirect_dma source(%dma_start3A_219 : memref<32x1024xf32, #tpu.memory_space<vmem>>) target(%dma_start3A_225 : memref<4096x1024xf32, #tpu.memory_space<hbm>>) offsets(%dma_start3A_222 : memref<32xi32, #tpu.memory_space<vmem>>) semaphore(%arg18 : memref<!tpu.dma_semaphore, #tpu.memory_space<semaphore_mem>>)
    %dma_start3A_226 = arith.constant 1 : i32
    %dma_start3A_227 = arith.constant 1 : i32
    %dma_start3A_228 = arith.constant 0 : i32
    %dma_start3A_229 = arith.constant 0 : i32
    %dma_start3A_230 = tpu.memref_slice %arg14[%dma_start3A_226, %dma_start3A_228, %dma_start3A_229] : memref<2x32x128xf32, #tpu.memory_space<vmem>> -> memref<1x32x128xf32, #tpu.memory_space<vmem>>
    %dma_start3A_231 = tpu.memref_squeeze %dma_start3A_230 : memref<1x32x128xf32, #tpu.memory_space<vmem>> -> memref<32x128xf32, #tpu.memory_space<vmem>>
    %dma_start3A_232 = arith.constant 0 : i32
    %dma_start3A_233 = tpu.memref_slice %arg12[%dma_start3A_227, %dma_start3A_232] : memref<4x32xi32, #tpu.memory_space<vmem>> -> memref<1x32xi32, #tpu.memory_space<vmem>>
    %dma_start3A_234 = tpu.memref_squeeze %dma_start3A_233 : memref<1x32xi32, #tpu.memory_space<vmem>> -> memref<32xi32, #tpu.memory_space<vmem>>
    %dma_start3A_235 = arith.constant 0 : i32
    %dma_start3A_236 = arith.constant 0 : i32
    %dma_start3A_237 = tpu.memref_slice %arg8[%dma_start3A_235, %dma_start3A_236] : memref<4096x128xf32, #tpu.memory_space<hbm>> -> memref<4096x128xf32, #tpu.memory_space<hbm>>
    tpu.enqueue_indirect_dma source(%dma_start3A_231 : memref<32x128xf32, #tpu.memory_space<vmem>>) target(%dma_start3A_237 : memref<4096x128xf32, #tpu.memory_space<hbm>>) offsets(%dma_start3A_234 : memref<32xi32, #tpu.memory_space<vmem>>) semaphore(%arg22 : memref<!tpu.dma_semaphore, #tpu.memory_space<semaphore_mem>>)
    %dma_wait3A_238 = arith.constant 0 : i32
    %dma_wait3A_239 = arith.constant 0 : i32
    %dma_wait3A_240 = arith.constant 0 : i32
    %dma_wait3A_241 = arith.constant 0 : i32
    %dma_wait3A_242 = tpu.memref_slice %arg13[%dma_wait3A_238, %dma_wait3A_240, %dma_wait3A_241] : memref<2x32x1024xf32, #tpu.memory_space<vmem>> -> memref<1x32x1024xf32, #tpu.memory_space<vmem>>
    %dma_wait3A_243 = tpu.memref_squeeze %dma_wait3A_242 : memref<1x32x1024xf32, #tpu.memory_space<vmem>> -> memref<32x1024xf32, #tpu.memory_space<vmem>>
    %dma_wait3A_244 = arith.constant 0 : i32
    %dma_wait3A_245 = tpu.memref_slice %arg12[%dma_wait3A_239, %dma_wait3A_244] : memref<4x32xi32, #tpu.memory_space<vmem>> -> memref<1x32xi32, #tpu.memory_space<vmem>>
    %dma_wait3A_246 = tpu.memref_squeeze %dma_wait3A_245 : memref<1x32xi32, #tpu.memory_space<vmem>> -> memref<32xi32, #tpu.memory_space<vmem>>
    %dma_wait3A_247 = arith.constant 0 : i32
    %dma_wait3A_248 = arith.constant 0 : i32
    %dma_wait3A_249 = tpu.memref_slice %arg7[%dma_wait3A_247, %dma_wait3A_248] : memref<4096x1024xf32, #tpu.memory_space<hbm>> -> memref<4096x1024xf32, #tpu.memory_space<hbm>>
    tpu.wait_indirect_dma semaphore(%arg17 : memref<!tpu.dma_semaphore, #tpu.memory_space<semaphore_mem>>) src(%dma_wait3A_243 : memref<32x1024xf32, #tpu.memory_space<vmem>>) dst(%dma_wait3A_249 : memref<4096x1024xf32, #tpu.memory_space<hbm>>)
    %dma_wait3A_250 = arith.constant 0 : i32
    %dma_wait3A_251 = arith.constant 0 : i32
    %dma_wait3A_252 = arith.constant 0 : i32
    %dma_wait3A_253 = arith.constant 0 : i32
    %dma_wait3A_254 = tpu.memref_slice %arg14[%dma_wait3A_250, %dma_wait3A_252, %dma_wait3A_253] : memref<2x32x128xf32, #tpu.memory_space<vmem>> -> memref<1x32x128xf32, #tpu.memory_space<vmem>>
    %dma_wait3A_255 = tpu.memref_squeeze %dma_wait3A_254 : memref<1x32x128xf32, #tpu.memory_space<vmem>> -> memref<32x128xf32, #tpu.memory_space<vmem>>
    %dma_wait3A_256 = arith.constant 0 : i32
    %dma_wait3A_257 = tpu.memref_slice %arg12[%dma_wait3A_251, %dma_wait3A_256] : memref<4x32xi32, #tpu.memory_space<vmem>> -> memref<1x32xi32, #tpu.memory_space<vmem>>
    %dma_wait3A_258 = tpu.memref_squeeze %dma_wait3A_257 : memref<1x32xi32, #tpu.memory_space<vmem>> -> memref<32xi32, #tpu.memory_space<vmem>>
    %dma_wait3A_259 = arith.constant 0 : i32
    %dma_wait3A_260 = arith.constant 0 : i32
    %dma_wait3A_261 = tpu.memref_slice %arg8[%dma_wait3A_259, %dma_wait3A_260] : memref<4096x128xf32, #tpu.memory_space<hbm>> -> memref<4096x128xf32, #tpu.memory_space<hbm>>
    tpu.wait_indirect_dma semaphore(%arg21 : memref<!tpu.dma_semaphore, #tpu.memory_space<semaphore_mem>>) src(%dma_wait3A_255 : memref<32x128xf32, #tpu.memory_space<vmem>>) dst(%dma_wait3A_261 : memref<4096x128xf32, #tpu.memory_space<hbm>>)
    %add3A_262 = arith.constant 64 : i32
    %add3A_263 = arith.addi %mul3A_2, %add3A_262 : i32
    %dma_start3A_264 = arith.constant 0 : i32
    %dma_start3A_265 = arith.constant 0 : i32
    %dma_start3A_266 = arith.constant 0 : i32
    %dma_start3A_267 = tpu.memref_slice %arg13[%dma_start3A_264, %dma_start3A_265, %dma_start3A_266] : memref<2x32x1024xf32, #tpu.memory_space<vmem>> -> memref<1x32x1024xf32, #tpu.memory_space<vmem>>
    %dma_start3A_268 = tpu.memref_squeeze %dma_start3A_267 : memref<1x32x1024xf32, #tpu.memory_space<vmem>> -> memref<32x1024xf32, #tpu.memory_space<vmem>>
    %dma_start3A_269 = arith.constant 0 : i32
    %dma_start3A_270 = tpu.memref_slice %arg5[%add3A_263, %dma_start3A_269] : memref<4096x1024xf32, #tpu.memory_space<hbm>> -> memref<32x1024xf32, #tpu.memory_space<hbm>>
    %dma_start3A_271 = arith.constant 0 : i32
    %dma_start3A_272 = arith.constant 0 : i32
    %dma_start3A_273 = tpu.memref_slice %arg13[%dma_start3A_264, %dma_start3A_271, %dma_start3A_272] : memref<2x32x1024xf32, #tpu.memory_space<vmem>> -> memref<1x32x1024xf32, #tpu.memory_space<vmem>>
    %dma_start3A_274 = tpu.memref_squeeze %dma_start3A_273 : memref<1x32x1024xf32, #tpu.memory_space<vmem>> -> memref<32x1024xf32, #tpu.memory_space<vmem>>
    %dma_start3A_275 = arith.constant 0 : i32
    %dma_start3A_276 = tpu.memref_slice %arg5[%add3A_263, %dma_start3A_275] : memref<4096x1024xf32, #tpu.memory_space<hbm>> -> memref<32x1024xf32, #tpu.memory_space<hbm>>
    tpu.enqueue_dma source(%dma_start3A_276 : memref<32x1024xf32, #tpu.memory_space<hbm>>) target(%dma_start3A_274 : memref<32x1024xf32, #tpu.memory_space<vmem>>) target_semaphore(%arg15 : memref<!tpu.dma_semaphore, #tpu.memory_space<semaphore_mem>>)
    %add3A_277 = arith.constant 64 : i32
    %add3A_278 = arith.addi %mul3A_2, %add3A_277 : i32
    %dma_start3A_279 = arith.constant 0 : i32
    %dma_start3A_280 = arith.constant 0 : i32
    %dma_start3A_281 = arith.constant 0 : i32
    %dma_start3A_282 = tpu.memref_slice %arg14[%dma_start3A_279, %dma_start3A_280, %dma_start3A_281] : memref<2x32x128xf32, #tpu.memory_space<vmem>> -> memref<1x32x128xf32, #tpu.memory_space<vmem>>
    %dma_start3A_283 = tpu.memref_squeeze %dma_start3A_282 : memref<1x32x128xf32, #tpu.memory_space<vmem>> -> memref<32x128xf32, #tpu.memory_space<vmem>>
    %dma_start3A_284 = arith.constant 0 : i32
    %dma_start3A_285 = tpu.memref_slice %arg6[%add3A_278, %dma_start3A_284] : memref<4096x128xf32, #tpu.memory_space<hbm>> -> memref<32x128xf32, #tpu.memory_space<hbm>>
    %dma_start3A_286 = arith.constant 0 : i32
    %dma_start3A_287 = arith.constant 0 : i32
    %dma_start3A_288 = tpu.memref_slice %arg14[%dma_start3A_279, %dma_start3A_286, %dma_start3A_287] : memref<2x32x128xf32, #tpu.memory_space<vmem>> -> memref<1x32x128xf32, #tpu.memory_space<vmem>>
    %dma_start3A_289 = tpu.memref_squeeze %dma_start3A_288 : memref<1x32x128xf32, #tpu.memory_space<vmem>> -> memref<32x128xf32, #tpu.memory_space<vmem>>
    %dma_start3A_290 = arith.constant 0 : i32
    %dma_start3A_291 = tpu.memref_slice %arg6[%add3A_278, %dma_start3A_290] : memref<4096x128xf32, #tpu.memory_space<hbm>> -> memref<32x128xf32, #tpu.memory_space<hbm>>
    tpu.enqueue_dma source(%dma_start3A_291 : memref<32x128xf32, #tpu.memory_space<hbm>>) target(%dma_start3A_289 : memref<32x128xf32, #tpu.memory_space<vmem>>) target_semaphore(%arg19 : memref<!tpu.dma_semaphore, #tpu.memory_space<semaphore_mem>>)
    %dma_wait3A_292 = arith.constant 0 : i32
    %dma_wait3A_293 = arith.constant 0 : i32
    %dma_wait3A_294 = arith.constant 0 : i32
    %dma_wait3A_295 = tpu.memref_slice %arg13[%dma_wait3A_292, %dma_wait3A_293, %dma_wait3A_294] : memref<2x32x1024xf32, #tpu.memory_space<vmem>> -> memref<1x32x1024xf32, #tpu.memory_space<vmem>>
    %dma_wait3A_296 = tpu.memref_squeeze %dma_wait3A_295 : memref<1x32x1024xf32, #tpu.memory_space<vmem>> -> memref<32x1024xf32, #tpu.memory_space<vmem>>
    %dma_wait3A_297 = arith.constant 0 : i32
    %dma_wait3A_298 = tpu.memref_slice %arg5[%add3A_263, %dma_wait3A_297] : memref<4096x1024xf32, #tpu.memory_space<hbm>> -> memref<32x1024xf32, #tpu.memory_space<hbm>>
    %dma_wait3A_299 = arith.constant 0 : i32
    %dma_wait3A_300 = arith.constant 0 : i32
    %dma_wait3A_301 = tpu.memref_slice %arg13[%dma_wait3A_292, %dma_wait3A_299, %dma_wait3A_300] : memref<2x32x1024xf32, #tpu.memory_space<vmem>> -> memref<1x32x1024xf32, #tpu.memory_space<vmem>>
    %dma_wait3A_302 = tpu.memref_squeeze %dma_wait3A_301 : memref<1x32x1024xf32, #tpu.memory_space<vmem>> -> memref<32x1024xf32, #tpu.memory_space<vmem>>
    %dma_wait3A_303 = arith.constant 0 : i32
    %dma_wait3A_304 = tpu.memref_slice %arg5[%add3A_263, %dma_wait3A_303] : memref<4096x1024xf32, #tpu.memory_space<hbm>> -> memref<32x1024xf32, #tpu.memory_space<hbm>>
    tpu.wait_dma2 semaphore(%arg15 : memref<!tpu.dma_semaphore, #tpu.memory_space<semaphore_mem>>) src(%dma_wait3A_304 : memref<32x1024xf32, #tpu.memory_space<hbm>>) dst(%dma_wait3A_302 : memref<32x1024xf32, #tpu.memory_space<vmem>>)
    %dma_wait3A_305 = arith.constant 0 : i32
    %dma_wait3A_306 = arith.constant 0 : i32
    %dma_wait3A_307 = arith.constant 0 : i32
    %dma_wait3A_308 = tpu.memref_slice %arg14[%dma_wait3A_305, %dma_wait3A_306, %dma_wait3A_307] : memref<2x32x128xf32, #tpu.memory_space<vmem>> -> memref<1x32x128xf32, #tpu.memory_space<vmem>>
    %dma_wait3A_309 = tpu.memref_squeeze %dma_wait3A_308 : memref<1x32x128xf32, #tpu.memory_space<vmem>> -> memref<32x128xf32, #tpu.memory_space<vmem>>
    %dma_wait3A_310 = arith.constant 0 : i32
    %dma_wait3A_311 = tpu.memref_slice %arg6[%add3A_278, %dma_wait3A_310] : memref<4096x128xf32, #tpu.memory_space<hbm>> -> memref<32x128xf32, #tpu.memory_space<hbm>>
    %dma_wait3A_312 = arith.constant 0 : i32
    %dma_wait3A_313 = arith.constant 0 : i32
    %dma_wait3A_314 = tpu.memref_slice %arg14[%dma_wait3A_305, %dma_wait3A_312, %dma_wait3A_313] : memref<2x32x128xf32, #tpu.memory_space<vmem>> -> memref<1x32x128xf32, #tpu.memory_space<vmem>>
    %dma_wait3A_315 = tpu.memref_squeeze %dma_wait3A_314 : memref<1x32x128xf32, #tpu.memory_space<vmem>> -> memref<32x128xf32, #tpu.memory_space<vmem>>
    %dma_wait3A_316 = arith.constant 0 : i32
    %dma_wait3A_317 = tpu.memref_slice %arg6[%add3A_278, %dma_wait3A_316] : memref<4096x128xf32, #tpu.memory_space<hbm>> -> memref<32x128xf32, #tpu.memory_space<hbm>>
    tpu.wait_dma2 semaphore(%arg19 : memref<!tpu.dma_semaphore, #tpu.memory_space<semaphore_mem>>) src(%dma_wait3A_317 : memref<32x128xf32, #tpu.memory_space<hbm>>) dst(%dma_wait3A_315 : memref<32x128xf32, #tpu.memory_space<vmem>>)
    %dma_start3A_318 = arith.constant 0 : i32
    %dma_start3A_319 = arith.constant 2 : i32
    %dma_start3A_320 = arith.constant 0 : i32
    %dma_start3A_321 = arith.constant 0 : i32
    %dma_start3A_322 = tpu.memref_slice %arg13[%dma_start3A_318, %dma_start3A_320, %dma_start3A_321] : memref<2x32x1024xf32, #tpu.memory_space<vmem>> -> memref<1x32x1024xf32, #tpu.memory_space<vmem>>
    %dma_start3A_323 = tpu.memref_squeeze %dma_start3A_322 : memref<1x32x1024xf32, #tpu.memory_space<vmem>> -> memref<32x1024xf32, #tpu.memory_space<vmem>>
    %dma_start3A_324 = arith.constant 0 : i32
    %dma_start3A_325 = tpu.memref_slice %arg12[%dma_start3A_319, %dma_start3A_324] : memref<4x32xi32, #tpu.memory_space<vmem>> -> memref<1x32xi32, #tpu.memory_space<vmem>>
    %dma_start3A_326 = tpu.memref_squeeze %dma_start3A_325 : memref<1x32xi32, #tpu.memory_space<vmem>> -> memref<32xi32, #tpu.memory_space<vmem>>
    %dma_start3A_327 = arith.constant 0 : i32
    %dma_start3A_328 = arith.constant 0 : i32
    %dma_start3A_329 = tpu.memref_slice %arg7[%dma_start3A_327, %dma_start3A_328] : memref<4096x1024xf32, #tpu.memory_space<hbm>> -> memref<4096x1024xf32, #tpu.memory_space<hbm>>
    tpu.enqueue_indirect_dma source(%dma_start3A_323 : memref<32x1024xf32, #tpu.memory_space<vmem>>) target(%dma_start3A_329 : memref<4096x1024xf32, #tpu.memory_space<hbm>>) offsets(%dma_start3A_326 : memref<32xi32, #tpu.memory_space<vmem>>) semaphore(%arg17 : memref<!tpu.dma_semaphore, #tpu.memory_space<semaphore_mem>>)
    %dma_start3A_330 = arith.constant 0 : i32
    %dma_start3A_331 = arith.constant 2 : i32
    %dma_start3A_332 = arith.constant 0 : i32
    %dma_start3A_333 = arith.constant 0 : i32
    %dma_start3A_334 = tpu.memref_slice %arg14[%dma_start3A_330, %dma_start3A_332, %dma_start3A_333] : memref<2x32x128xf32, #tpu.memory_space<vmem>> -> memref<1x32x128xf32, #tpu.memory_space<vmem>>
    %dma_start3A_335 = tpu.memref_squeeze %dma_start3A_334 : memref<1x32x128xf32, #tpu.memory_space<vmem>> -> memref<32x128xf32, #tpu.memory_space<vmem>>
    %dma_start3A_336 = arith.constant 0 : i32
    %dma_start3A_337 = tpu.memref_slice %arg12[%dma_start3A_331, %dma_start3A_336] : memref<4x32xi32, #tpu.memory_space<vmem>> -> memref<1x32xi32, #tpu.memory_space<vmem>>
    %dma_start3A_338 = tpu.memref_squeeze %dma_start3A_337 : memref<1x32xi32, #tpu.memory_space<vmem>> -> memref<32xi32, #tpu.memory_space<vmem>>
    %dma_start3A_339 = arith.constant 0 : i32
    %dma_start3A_340 = arith.constant 0 : i32
    %dma_start3A_341 = tpu.memref_slice %arg8[%dma_start3A_339, %dma_start3A_340] : memref<4096x128xf32, #tpu.memory_space<hbm>> -> memref<4096x128xf32, #tpu.memory_space<hbm>>
    tpu.enqueue_indirect_dma source(%dma_start3A_335 : memref<32x128xf32, #tpu.memory_space<vmem>>) target(%dma_start3A_341 : memref<4096x128xf32, #tpu.memory_space<hbm>>) offsets(%dma_start3A_338 : memref<32xi32, #tpu.memory_space<vmem>>) semaphore(%arg21 : memref<!tpu.dma_semaphore, #tpu.memory_space<semaphore_mem>>)
    %dma_wait3A_342 = arith.constant 1 : i32
    %dma_wait3A_343 = arith.constant 1 : i32
    %dma_wait3A_344 = arith.constant 0 : i32
    %dma_wait3A_345 = arith.constant 0 : i32
    %dma_wait3A_346 = tpu.memref_slice %arg13[%dma_wait3A_342, %dma_wait3A_344, %dma_wait3A_345] : memref<2x32x1024xf32, #tpu.memory_space<vmem>> -> memref<1x32x1024xf32, #tpu.memory_space<vmem>>
    %dma_wait3A_347 = tpu.memref_squeeze %dma_wait3A_346 : memref<1x32x1024xf32, #tpu.memory_space<vmem>> -> memref<32x1024xf32, #tpu.memory_space<vmem>>
    %dma_wait3A_348 = arith.constant 0 : i32
    %dma_wait3A_349 = tpu.memref_slice %arg12[%dma_wait3A_343, %dma_wait3A_348] : memref<4x32xi32, #tpu.memory_space<vmem>> -> memref<1x32xi32, #tpu.memory_space<vmem>>
    %dma_wait3A_350 = tpu.memref_squeeze %dma_wait3A_349 : memref<1x32xi32, #tpu.memory_space<vmem>> -> memref<32xi32, #tpu.memory_space<vmem>>
    %dma_wait3A_351 = arith.constant 0 : i32
    %dma_wait3A_352 = arith.constant 0 : i32
    %dma_wait3A_353 = tpu.memref_slice %arg7[%dma_wait3A_351, %dma_wait3A_352] : memref<4096x1024xf32, #tpu.memory_space<hbm>> -> memref<4096x1024xf32, #tpu.memory_space<hbm>>
    tpu.wait_indirect_dma semaphore(%arg18 : memref<!tpu.dma_semaphore, #tpu.memory_space<semaphore_mem>>) src(%dma_wait3A_347 : memref<32x1024xf32, #tpu.memory_space<vmem>>) dst(%dma_wait3A_353 : memref<4096x1024xf32, #tpu.memory_space<hbm>>)
    %dma_wait3A_354 = arith.constant 1 : i32
    %dma_wait3A_355 = arith.constant 1 : i32
    %dma_wait3A_356 = arith.constant 0 : i32
    %dma_wait3A_357 = arith.constant 0 : i32
    %dma_wait3A_358 = tpu.memref_slice %arg14[%dma_wait3A_354, %dma_wait3A_356, %dma_wait3A_357] : memref<2x32x128xf32, #tpu.memory_space<vmem>> -> memref<1x32x128xf32, #tpu.memory_space<vmem>>
    %dma_wait3A_359 = tpu.memref_squeeze %dma_wait3A_358 : memref<1x32x128xf32, #tpu.memory_space<vmem>> -> memref<32x128xf32, #tpu.memory_space<vmem>>
    %dma_wait3A_360 = arith.constant 0 : i32
    %dma_wait3A_361 = tpu.memref_slice %arg12[%dma_wait3A_355, %dma_wait3A_360] : memref<4x32xi32, #tpu.memory_space<vmem>> -> memref<1x32xi32, #tpu.memory_space<vmem>>
    %dma_wait3A_362 = tpu.memref_squeeze %dma_wait3A_361 : memref<1x32xi32, #tpu.memory_space<vmem>> -> memref<32xi32, #tpu.memory_space<vmem>>
    %dma_wait3A_363 = arith.constant 0 : i32
    %dma_wait3A_364 = arith.constant 0 : i32
    %dma_wait3A_365 = tpu.memref_slice %arg8[%dma_wait3A_363, %dma_wait3A_364] : memref<4096x128xf32, #tpu.memory_space<hbm>> -> memref<4096x128xf32, #tpu.memory_space<hbm>>
    tpu.wait_indirect_dma semaphore(%arg22 : memref<!tpu.dma_semaphore, #tpu.memory_space<semaphore_mem>>) src(%dma_wait3A_359 : memref<32x128xf32, #tpu.memory_space<vmem>>) dst(%dma_wait3A_365 : memref<4096x128xf32, #tpu.memory_space<hbm>>)
    %add3A_366 = arith.constant 96 : i32
    %add3A_367 = arith.addi %mul3A_2, %add3A_366 : i32
    %dma_start3A_368 = arith.constant 1 : i32
    %dma_start3A_369 = arith.constant 0 : i32
    %dma_start3A_370 = arith.constant 0 : i32
    %dma_start3A_371 = tpu.memref_slice %arg13[%dma_start3A_368, %dma_start3A_369, %dma_start3A_370] : memref<2x32x1024xf32, #tpu.memory_space<vmem>> -> memref<1x32x1024xf32, #tpu.memory_space<vmem>>
    %dma_start3A_372 = tpu.memref_squeeze %dma_start3A_371 : memref<1x32x1024xf32, #tpu.memory_space<vmem>> -> memref<32x1024xf32, #tpu.memory_space<vmem>>
    %dma_start3A_373 = arith.constant 0 : i32
    %dma_start3A_374 = tpu.memref_slice %arg5[%add3A_367, %dma_start3A_373] : memref<4096x1024xf32, #tpu.memory_space<hbm>> -> memref<32x1024xf32, #tpu.memory_space<hbm>>
    %dma_start3A_375 = arith.constant 0 : i32
    %dma_start3A_376 = arith.constant 0 : i32
    %dma_start3A_377 = tpu.memref_slice %arg13[%dma_start3A_368, %dma_start3A_375, %dma_start3A_376] : memref<2x32x1024xf32, #tpu.memory_space<vmem>> -> memref<1x32x1024xf32, #tpu.memory_space<vmem>>
    %dma_start3A_378 = tpu.memref_squeeze %dma_start3A_377 : memref<1x32x1024xf32, #tpu.memory_space<vmem>> -> memref<32x1024xf32, #tpu.memory_space<vmem>>
    %dma_start3A_379 = arith.constant 0 : i32
    %dma_start3A_380 = tpu.memref_slice %arg5[%add3A_367, %dma_start3A_379] : memref<4096x1024xf32, #tpu.memory_space<hbm>> -> memref<32x1024xf32, #tpu.memory_space<hbm>>
    tpu.enqueue_dma source(%dma_start3A_380 : memref<32x1024xf32, #tpu.memory_space<hbm>>) target(%dma_start3A_378 : memref<32x1024xf32, #tpu.memory_space<vmem>>) target_semaphore(%arg16 : memref<!tpu.dma_semaphore, #tpu.memory_space<semaphore_mem>>)
    %add3A_381 = arith.constant 96 : i32
    %add3A_382 = arith.addi %mul3A_2, %add3A_381 : i32
    %dma_start3A_383 = arith.constant 1 : i32
    %dma_start3A_384 = arith.constant 0 : i32
    %dma_start3A_385 = arith.constant 0 : i32
    %dma_start3A_386 = tpu.memref_slice %arg14[%dma_start3A_383, %dma_start3A_384, %dma_start3A_385] : memref<2x32x128xf32, #tpu.memory_space<vmem>> -> memref<1x32x128xf32, #tpu.memory_space<vmem>>
    %dma_start3A_387 = tpu.memref_squeeze %dma_start3A_386 : memref<1x32x128xf32, #tpu.memory_space<vmem>> -> memref<32x128xf32, #tpu.memory_space<vmem>>
    %dma_start3A_388 = arith.constant 0 : i32
    %dma_start3A_389 = tpu.memref_slice %arg6[%add3A_382, %dma_start3A_388] : memref<4096x128xf32, #tpu.memory_space<hbm>> -> memref<32x128xf32, #tpu.memory_space<hbm>>
    %dma_start3A_390 = arith.constant 0 : i32
    %dma_start3A_391 = arith.constant 0 : i32
    %dma_start3A_392 = tpu.memref_slice %arg14[%dma_start3A_383, %dma_start3A_390, %dma_start3A_391] : memref<2x32x128xf32, #tpu.memory_space<vmem>> -> memref<1x32x128xf32, #tpu.memory_space<vmem>>
    %dma_start3A_393 = tpu.memref_squeeze %dma_start3A_392 : memref<1x32x128xf32, #tpu.memory_space<vmem>> -> memref<32x128xf32, #tpu.memory_space<vmem>>
    %dma_start3A_394 = arith.constant 0 : i32
    %dma_start3A_395 = tpu.memref_slice %arg6[%add3A_382, %dma_start3A_394] : memref<4096x128xf32, #tpu.memory_space<hbm>> -> memref<32x128xf32, #tpu.memory_space<hbm>>
    tpu.enqueue_dma source(%dma_start3A_395 : memref<32x128xf32, #tpu.memory_space<hbm>>) target(%dma_start3A_393 : memref<32x128xf32, #tpu.memory_space<vmem>>) target_semaphore(%arg20 : memref<!tpu.dma_semaphore, #tpu.memory_space<semaphore_mem>>)
    %dma_wait3A_396 = arith.constant 1 : i32
    %dma_wait3A_397 = arith.constant 0 : i32
    %dma_wait3A_398 = arith.constant 0 : i32
    %dma_wait3A_399 = tpu.memref_slice %arg13[%dma_wait3A_396, %dma_wait3A_397, %dma_wait3A_398] : memref<2x32x1024xf32, #tpu.memory_space<vmem>> -> memref<1x32x1024xf32, #tpu.memory_space<vmem>>
    %dma_wait3A_400 = tpu.memref_squeeze %dma_wait3A_399 : memref<1x32x1024xf32, #tpu.memory_space<vmem>> -> memref<32x1024xf32, #tpu.memory_space<vmem>>
    %dma_wait3A_401 = arith.constant 0 : i32
    %dma_wait3A_402 = tpu.memref_slice %arg5[%add3A_367, %dma_wait3A_401] : memref<4096x1024xf32, #tpu.memory_space<hbm>> -> memref<32x1024xf32, #tpu.memory_space<hbm>>
    %dma_wait3A_403 = arith.constant 0 : i32
    %dma_wait3A_404 = arith.constant 0 : i32
    %dma_wait3A_405 = tpu.memref_slice %arg13[%dma_wait3A_396, %dma_wait3A_403, %dma_wait3A_404] : memref<2x32x1024xf32, #tpu.memory_space<vmem>> -> memref<1x32x1024xf32, #tpu.memory_space<vmem>>
    %dma_wait3A_406 = tpu.memref_squeeze %dma_wait3A_405 : memref<1x32x1024xf32, #tpu.memory_space<vmem>> -> memref<32x1024xf32, #tpu.memory_space<vmem>>
    %dma_wait3A_407 = arith.constant 0 : i32
    %dma_wait3A_408 = tpu.memref_slice %arg5[%add3A_367, %dma_wait3A_407] : memref<4096x1024xf32, #tpu.memory_space<hbm>> -> memref<32x1024xf32, #tpu.memory_space<hbm>>
    tpu.wait_dma2 semaphore(%arg16 : memref<!tpu.dma_semaphore, #tpu.memory_space<semaphore_mem>>) src(%dma_wait3A_408 : memref<32x1024xf32, #tpu.memory_space<hbm>>) dst(%dma_wait3A_406 : memref<32x1024xf32, #tpu.memory_space<vmem>>)
    %dma_wait3A_409 = arith.constant 1 : i32
    %dma_wait3A_410 = arith.constant 0 : i32
    %dma_wait3A_411 = arith.constant 0 : i32
    %dma_wait3A_412 = tpu.memref_slice %arg14[%dma_wait3A_409, %dma_wait3A_410, %dma_wait3A_411] : memref<2x32x128xf32, #tpu.memory_space<vmem>> -> memref<1x32x128xf32, #tpu.memory_space<vmem>>
    %dma_wait3A_413 = tpu.memref_squeeze %dma_wait3A_412 : memref<1x32x128xf32, #tpu.memory_space<vmem>> -> memref<32x128xf32, #tpu.memory_space<vmem>>
    %dma_wait3A_414 = arith.constant 0 : i32
    %dma_wait3A_415 = tpu.memref_slice %arg6[%add3A_382, %dma_wait3A_414] : memref<4096x128xf32, #tpu.memory_space<hbm>> -> memref<32x128xf32, #tpu.memory_space<hbm>>
    %dma_wait3A_416 = arith.constant 0 : i32
    %dma_wait3A_417 = arith.constant 0 : i32
    %dma_wait3A_418 = tpu.memref_slice %arg14[%dma_wait3A_409, %dma_wait3A_416, %dma_wait3A_417] : memref<2x32x128xf32, #tpu.memory_space<vmem>> -> memref<1x32x128xf32, #tpu.memory_space<vmem>>
    %dma_wait3A_419 = tpu.memref_squeeze %dma_wait3A_418 : memref<1x32x128xf32, #tpu.memory_space<vmem>> -> memref<32x128xf32, #tpu.memory_space<vmem>>
    %dma_wait3A_420 = arith.constant 0 : i32
    %dma_wait3A_421 = tpu.memref_slice %arg6[%add3A_382, %dma_wait3A_420] : memref<4096x128xf32, #tpu.memory_space<hbm>> -> memref<32x128xf32, #tpu.memory_space<hbm>>
    tpu.wait_dma2 semaphore(%arg20 : memref<!tpu.dma_semaphore, #tpu.memory_space<semaphore_mem>>) src(%dma_wait3A_421 : memref<32x128xf32, #tpu.memory_space<hbm>>) dst(%dma_wait3A_419 : memref<32x128xf32, #tpu.memory_space<vmem>>)
    %dma_start3A_422 = arith.constant 1 : i32
    %dma_start3A_423 = arith.constant 3 : i32
    %dma_start3A_424 = arith.constant 0 : i32
    %dma_start3A_425 = arith.constant 0 : i32
    %dma_start3A_426 = tpu.memref_slice %arg13[%dma_start3A_422, %dma_start3A_424, %dma_start3A_425] : memref<2x32x1024xf32, #tpu.memory_space<vmem>> -> memref<1x32x1024xf32, #tpu.memory_space<vmem>>
    %dma_start3A_427 = tpu.memref_squeeze %dma_start3A_426 : memref<1x32x1024xf32, #tpu.memory_space<vmem>> -> memref<32x1024xf32, #tpu.memory_space<vmem>>
    %dma_start3A_428 = arith.constant 0 : i32
    %dma_start3A_429 = tpu.memref_slice %arg12[%dma_start3A_423, %dma_start3A_428] : memref<4x32xi32, #tpu.memory_space<vmem>> -> memref<1x32xi32, #tpu.memory_space<vmem>>
    %dma_start3A_430 = tpu.memref_squeeze %dma_start3A_429 : memref<1x32xi32, #tpu.memory_space<vmem>> -> memref<32xi32, #tpu.memory_space<vmem>>
    %dma_start3A_431 = arith.constant 0 : i32
    %dma_start3A_432 = arith.constant 0 : i32
    %dma_start3A_433 = tpu.memref_slice %arg7[%dma_start3A_431, %dma_start3A_432] : memref<4096x1024xf32, #tpu.memory_space<hbm>> -> memref<4096x1024xf32, #tpu.memory_space<hbm>>
    tpu.enqueue_indirect_dma source(%dma_start3A_427 : memref<32x1024xf32, #tpu.memory_space<vmem>>) target(%dma_start3A_433 : memref<4096x1024xf32, #tpu.memory_space<hbm>>) offsets(%dma_start3A_430 : memref<32xi32, #tpu.memory_space<vmem>>) semaphore(%arg18 : memref<!tpu.dma_semaphore, #tpu.memory_space<semaphore_mem>>)
    %dma_start3A_434 = arith.constant 1 : i32
    %dma_start3A_435 = arith.constant 3 : i32
    %dma_start3A_436 = arith.constant 0 : i32
    %dma_start3A_437 = arith.constant 0 : i32
    %dma_start3A_438 = tpu.memref_slice %arg14[%dma_start3A_434, %dma_start3A_436, %dma_start3A_437] : memref<2x32x128xf32, #tpu.memory_space<vmem>> -> memref<1x32x128xf32, #tpu.memory_space<vmem>>
    %dma_start3A_439 = tpu.memref_squeeze %dma_start3A_438 : memref<1x32x128xf32, #tpu.memory_space<vmem>> -> memref<32x128xf32, #tpu.memory_space<vmem>>
    %dma_start3A_440 = arith.constant 0 : i32
    %dma_start3A_441 = tpu.memref_slice %arg12[%dma_start3A_435, %dma_start3A_440] : memref<4x32xi32, #tpu.memory_space<vmem>> -> memref<1x32xi32, #tpu.memory_space<vmem>>
    %dma_start3A_442 = tpu.memref_squeeze %dma_start3A_441 : memref<1x32xi32, #tpu.memory_space<vmem>> -> memref<32xi32, #tpu.memory_space<vmem>>
    %dma_start3A_443 = arith.constant 0 : i32
    %dma_start3A_444 = arith.constant 0 : i32
    %dma_start3A_445 = tpu.memref_slice %arg8[%dma_start3A_443, %dma_start3A_444] : memref<4096x128xf32, #tpu.memory_space<hbm>> -> memref<4096x128xf32, #tpu.memory_space<hbm>>
    tpu.enqueue_indirect_dma source(%dma_start3A_439 : memref<32x128xf32, #tpu.memory_space<vmem>>) target(%dma_start3A_445 : memref<4096x128xf32, #tpu.memory_space<hbm>>) offsets(%dma_start3A_442 : memref<32xi32, #tpu.memory_space<vmem>>) semaphore(%arg22 : memref<!tpu.dma_semaphore, #tpu.memory_space<semaphore_mem>>)
    %dma_wait3A_446 = arith.constant 0 : i32
    %dma_wait3A_447 = arith.constant 2 : i32
    %dma_wait3A_448 = arith.constant 0 : i32
    %dma_wait3A_449 = arith.constant 0 : i32
    %dma_wait3A_450 = tpu.memref_slice %arg13[%dma_wait3A_446, %dma_wait3A_448, %dma_wait3A_449] : memref<2x32x1024xf32, #tpu.memory_space<vmem>> -> memref<1x32x1024xf32, #tpu.memory_space<vmem>>
    %dma_wait3A_451 = tpu.memref_squeeze %dma_wait3A_450 : memref<1x32x1024xf32, #tpu.memory_space<vmem>> -> memref<32x1024xf32, #tpu.memory_space<vmem>>
    %dma_wait3A_452 = arith.constant 0 : i32
    %dma_wait3A_453 = tpu.memref_slice %arg12[%dma_wait3A_447, %dma_wait3A_452] : memref<4x32xi32, #tpu.memory_space<vmem>> -> memref<1x32xi32, #tpu.memory_space<vmem>>
    %dma_wait3A_454 = tpu.memref_squeeze %dma_wait3A_453 : memref<1x32xi32, #tpu.memory_space<vmem>> -> memref<32xi32, #tpu.memory_space<vmem>>
    %dma_wait3A_455 = arith.constant 0 : i32
    %dma_wait3A_456 = arith.constant 0 : i32
    %dma_wait3A_457 = tpu.memref_slice %arg7[%dma_wait3A_455, %dma_wait3A_456] : memref<4096x1024xf32, #tpu.memory_space<hbm>> -> memref<4096x1024xf32, #tpu.memory_space<hbm>>
    tpu.wait_indirect_dma semaphore(%arg17 : memref<!tpu.dma_semaphore, #tpu.memory_space<semaphore_mem>>) src(%dma_wait3A_451 : memref<32x1024xf32, #tpu.memory_space<vmem>>) dst(%dma_wait3A_457 : memref<4096x1024xf32, #tpu.memory_space<hbm>>)
    %dma_wait3A_458 = arith.constant 0 : i32
    %dma_wait3A_459 = arith.constant 2 : i32
    %dma_wait3A_460 = arith.constant 0 : i32
    %dma_wait3A_461 = arith.constant 0 : i32
    %dma_wait3A_462 = tpu.memref_slice %arg14[%dma_wait3A_458, %dma_wait3A_460, %dma_wait3A_461] : memref<2x32x128xf32, #tpu.memory_space<vmem>> -> memref<1x32x128xf32, #tpu.memory_space<vmem>>
    %dma_wait3A_463 = tpu.memref_squeeze %dma_wait3A_462 : memref<1x32x128xf32, #tpu.memory_space<vmem>> -> memref<32x128xf32, #tpu.memory_space<vmem>>
    %dma_wait3A_464 = arith.constant 0 : i32
    %dma_wait3A_465 = tpu.memref_slice %arg12[%dma_wait3A_459, %dma_wait3A_464] : memref<4x32xi32, #tpu.memory_space<vmem>> -> memref<1x32xi32, #tpu.memory_space<vmem>>
    %dma_wait3A_466 = tpu.memref_squeeze %dma_wait3A_465 : memref<1x32xi32, #tpu.memory_space<vmem>> -> memref<32xi32, #tpu.memory_space<vmem>>
    %dma_wait3A_467 = arith.constant 0 : i32
    %dma_wait3A_468 = arith.constant 0 : i32
    %dma_wait3A_469 = tpu.memref_slice %arg8[%dma_wait3A_467, %dma_wait3A_468] : memref<4096x128xf32, #tpu.memory_space<hbm>> -> memref<4096x128xf32, #tpu.memory_space<hbm>>
    tpu.wait_indirect_dma semaphore(%arg21 : memref<!tpu.dma_semaphore, #tpu.memory_space<semaphore_mem>>) src(%dma_wait3A_463 : memref<32x128xf32, #tpu.memory_space<vmem>>) dst(%dma_wait3A_469 : memref<4096x128xf32, #tpu.memory_space<hbm>>)
    %dma_wait3A_470 = arith.constant 1 : i32
    %dma_wait3A_471 = arith.constant 3 : i32
    %dma_wait3A_472 = arith.constant 0 : i32
    %dma_wait3A_473 = arith.constant 0 : i32
    %dma_wait3A_474 = tpu.memref_slice %arg13[%dma_wait3A_470, %dma_wait3A_472, %dma_wait3A_473] : memref<2x32x1024xf32, #tpu.memory_space<vmem>> -> memref<1x32x1024xf32, #tpu.memory_space<vmem>>
    %dma_wait3A_475 = tpu.memref_squeeze %dma_wait3A_474 : memref<1x32x1024xf32, #tpu.memory_space<vmem>> -> memref<32x1024xf32, #tpu.memory_space<vmem>>
    %dma_wait3A_476 = arith.constant 0 : i32
    %dma_wait3A_477 = tpu.memref_slice %arg12[%dma_wait3A_471, %dma_wait3A_476] : memref<4x32xi32, #tpu.memory_space<vmem>> -> memref<1x32xi32, #tpu.memory_space<vmem>>
    %dma_wait3A_478 = tpu.memref_squeeze %dma_wait3A_477 : memref<1x32xi32, #tpu.memory_space<vmem>> -> memref<32xi32, #tpu.memory_space<vmem>>
    %dma_wait3A_479 = arith.constant 0 : i32
    %dma_wait3A_480 = arith.constant 0 : i32
    %dma_wait3A_481 = tpu.memref_slice %arg7[%dma_wait3A_479, %dma_wait3A_480] : memref<4096x1024xf32, #tpu.memory_space<hbm>> -> memref<4096x1024xf32, #tpu.memory_space<hbm>>
    tpu.wait_indirect_dma semaphore(%arg18 : memref<!tpu.dma_semaphore, #tpu.memory_space<semaphore_mem>>) src(%dma_wait3A_475 : memref<32x1024xf32, #tpu.memory_space<vmem>>) dst(%dma_wait3A_481 : memref<4096x1024xf32, #tpu.memory_space<hbm>>)
    %dma_wait3A_482 = arith.constant 1 : i32
    %dma_wait3A_483 = arith.constant 3 : i32
    %dma_wait3A_484 = arith.constant 0 : i32
    %dma_wait3A_485 = arith.constant 0 : i32
    %dma_wait3A_486 = tpu.memref_slice %arg14[%dma_wait3A_482, %dma_wait3A_484, %dma_wait3A_485] : memref<2x32x128xf32, #tpu.memory_space<vmem>> -> memref<1x32x128xf32, #tpu.memory_space<vmem>>
    %dma_wait3A_487 = tpu.memref_squeeze %dma_wait3A_486 : memref<1x32x128xf32, #tpu.memory_space<vmem>> -> memref<32x128xf32, #tpu.memory_space<vmem>>
    %dma_wait3A_488 = arith.constant 0 : i32
    %dma_wait3A_489 = tpu.memref_slice %arg12[%dma_wait3A_483, %dma_wait3A_488] : memref<4x32xi32, #tpu.memory_space<vmem>> -> memref<1x32xi32, #tpu.memory_space<vmem>>
    %dma_wait3A_490 = tpu.memref_squeeze %dma_wait3A_489 : memref<1x32xi32, #tpu.memory_space<vmem>> -> memref<32xi32, #tpu.memory_space<vmem>>
    %dma_wait3A_491 = arith.constant 0 : i32
    %dma_wait3A_492 = arith.constant 0 : i32
    %dma_wait3A_493 = tpu.memref_slice %arg8[%dma_wait3A_491, %dma_wait3A_492] : memref<4096x128xf32, #tpu.memory_space<hbm>> -> memref<4096x128xf32, #tpu.memory_space<hbm>>
    tpu.wait_indirect_dma semaphore(%arg22 : memref<!tpu.dma_semaphore, #tpu.memory_space<semaphore_mem>>) src(%dma_wait3A_487 : memref<32x128xf32, #tpu.memory_space<vmem>>) dst(%dma_wait3A_493 : memref<4096x128xf32, #tpu.memory_space<hbm>>)
    return
  }
}

module attributes {stable_mosaic.version = 14 : i64} {
  func.func @_moe_body(%arg0: i32, %arg1: memref<8x128xi32, #tpu.memory_space<smem>>, %arg2: memref<512x1024xf32, #tpu.memory_space<vmem>>, %arg3: memref<512x128xf32, #tpu.memory_space<vmem>>, %arg4: memref<1x1024x1024xf32, #tpu.memory_space<vmem>>, %arg5: memref<1x1x1024xf32, #tpu.memory_space<vmem>>, %arg6: memref<512x1024xf32, #tpu.memory_space<vmem>>) attributes {dimension_semantics = [#tpu.dimension_semantics<arbitrary>], iteration_bounds = array<i64: 15>, scalar_prefetch = 1 : i64, scratch_operands = 0 : i64, tpu.core_type = #tpu.core_type<tc>, window_params = [{transform_indices = @transform_0, window_bounds = array<i64: 512, 1024>}, {transform_indices = @transform_1, window_bounds = array<i64: 512, 128>}, {transform_indices = @transform_2, window_bounds = array<i64: 1, 1024, 1024>}, {transform_indices = @transform_3, window_bounds = array<i64: 1, 1, 1024>}, {transform_indices = @transform_4, window_bounds = array<i64: 512, 1024>}]} {
    %get3A = arith.constant 0 : index
    %get3A_0 = arith.index_cast %arg0 : i32 to index
    %get3A_1 = memref.load %arg1[%get3A, %get3A_0] : memref<8x128xi32, #tpu.memory_space<smem>>
    %sub3A = arith.constant 1 : i32
    %sub3A_2 = arith.subi %arg0, %sub3A : i32
    %max3A = arith.constant 0 : i32
    %max3A_3 = arith.maxsi %sub3A_2, %max3A : i32
    %get3A_4 = arith.constant 0 : index
    %get3A_5 = arith.index_cast %max3A_3 : i32 to index
    %get3A_6 = memref.load %arg1[%get3A_4, %get3A_5] : memref<8x128xi32, #tpu.memory_space<smem>>
    %eq3A = arith.constant 0 : i32
    %eq3A_7 = arith.cmpi eq, %arg0, %eq3A : i32
    %ne3A = arith.cmpi ne, %get3A_1, %get3A_6 : i32
    %or3A = arith.ori %eq3A_7, %ne3A : i1
    %get3A_8 = arith.constant 0 : index
    %get3A_9 = arith.constant 0 : index
    %get3A_10 = vector.load %arg2[%get3A_8, %get3A_9] : memref<512x1024xf32, #tpu.memory_space<vmem>>, vector<512x1024xf32>
    %get3A_11 = arith.constant 0 : index
    %get3A_12 = arith.constant 0 : index
    %get3A_13 = arith.constant 0 : index
    %get3A_14 = vector.load %arg4[%get3A_11, %get3A_12, %get3A_13] : memref<1x1024x1024xf32, #tpu.memory_space<vmem>>, vector<1x1024x1024xf32>
    %get3A_15 = vector.shape_cast %get3A_14 : vector<1x1024x1024xf32> to vector<1024x1024xf32>
    %dot_general3A = arith.constant dense<0.000000e+00> : vector<512x1024xf32>
    %dot_general3A_16 = tpu.matmul %get3A_10, %get3A_15, %dot_general3A {dimension_numbers = #tpu.dot_dimension_numbers<[1], [0], [0], [1], [0, 0, 1, 1], [], []>, transpose_lhs_hint = false} : vector<512x1024xf32>, vector<1024x1024xf32>, vector<512x1024xf32> -> vector<512x1024xf32>
    %get3A_17 = arith.constant 0 : index
    %get3A_18 = arith.constant 0 : index
    %get3A_19 = arith.constant 0 : index
    %get3A_20 = vector.load %arg5[%get3A_17, %get3A_18, %get3A_19] : memref<1x1x1024xf32, #tpu.memory_space<vmem>>, vector<1x1x1024xf32>
    %get3A_21 = vector.shape_cast %get3A_20 : vector<1x1x1024xf32> to vector<1024xf32>
    %broadcast_in_dim3A = vector.shape_cast %get3A_21 : vector<1024xf32> to vector<1x1024xf32>
    %add3A = vector.broadcast %broadcast_in_dim3A : vector<1x1024xf32> to vector<512x1024xf32>
    %add3A_22 = arith.addf %dot_general3A_16, %add3A : vector<512x1024xf32>
    %get3A_23 = arith.constant 0 : index
    %get3A_24 = arith.constant 0 : index
    %get3A_25 = vector.load %arg3[%get3A_23, %get3A_24] : memref<512x128xf32, #tpu.memory_space<vmem>>, vector<512x1xf32>
    %mul3A = vector.broadcast %get3A_25 : vector<512x1xf32> to vector<512x1024xf32>
    %mul3A_26 = arith.mulf %add3A_22, %mul3A : vector<512x1024xf32>
    %mul3A_27 = arith.constant 512 : i32
    %mul3A_28 = arith.muli %get3A_1, %mul3A_27 : i32
    %iota3A = tpu.iota {dimensions = array<i32: 0>} : vector<512x1xi32>
    %add3A_29 = vector.broadcast %mul3A_28 : i32 to vector<512x1xi32>
    %add3A_30 = arith.addi %add3A_29, %iota3A : vector<512x1xi32>
    %get3A_31 = arith.constant 2 : index
    %get3A_32 = arith.index_cast %arg0 : i32 to index
    %get3A_33 = memref.load %arg1[%get3A_31, %get3A_32] : memref<8x128xi32, #tpu.memory_space<smem>>
    %ge3A = vector.broadcast %get3A_33 : i32 to vector<512x1xi32>
    %ge3A_34 = arith.cmpi sge, %add3A_30, %ge3A : vector<512x1xi32>
    %get3A_35 = arith.constant 3 : index
    %get3A_36 = arith.index_cast %arg0 : i32 to index
    %get3A_37 = memref.load %arg1[%get3A_35, %get3A_36] : memref<8x128xi32, #tpu.memory_space<smem>>
    %lt3A = vector.broadcast %get3A_37 : i32 to vector<512x1xi32>
    %lt3A_38 = arith.cmpi slt, %add3A_30, %lt3A : vector<512x1xi32>
    %and3A = arith.andi %ge3A_34, %lt3A_38 : vector<512x1xi1>
    %jit3A = arith.constant 0.000000e+00 : f32
    %broadcast_in_dim3A_39 = vector.shape_cast %and3A : vector<512x1xi1> to vector<512x1xi1>
    %broadcast_in_dim3A_40 = vector.broadcast %broadcast_in_dim3A_39 : vector<512x1xi1> to vector<512x1024xi1>
    %broadcast_in_dim3A_41 = vector.broadcast %jit3A : f32 to vector<512x1024xf32>
    %select_n3A = arith.select %broadcast_in_dim3A_40, %mul3A_26, %broadcast_in_dim3A_41 : vector<512x1024xi1>, vector<512x1024xf32>
    %get3A_42 = arith.constant 0 : index
    %get3A_43 = arith.constant 0 : index
    %get3A_44 = vector.load %arg6[%get3A_42, %get3A_43] : memref<512x1024xf32, #tpu.memory_space<vmem>>, vector<512x1024xf32>
    %add3A_45 = arith.addf %get3A_44, %select_n3A : vector<512x1024xf32>
    %select_n3A_46 = arith.select %or3A, %select_n3A, %add3A_45 : vector<512x1024xf32>
    %swap3A = arith.constant 0 : index
    %swap3A_47 = arith.constant 0 : index
    %swap3A_48 = vector.load %arg6[%swap3A, %swap3A_47] : memref<512x1024xf32, #tpu.memory_space<vmem>>, vector<512x1024xf32>
    tpu.vector_store %arg6[%swap3A, %swap3A_47], %select_n3A_46 {strides = array<i32>} : memref<512x1024xf32, #tpu.memory_space<vmem>>, vector<512x1024xf32>,
    return
  }
  func.func @transform_0(%arg0: i32, %arg1: memref<8x128xi32, #tpu.memory_space<smem>>) -> (i32, i32) {
    %get3A = arith.constant 0 : index
    %get3A_0 = arith.index_cast %arg0 : i32 to index
    %get3A_1 = memref.load %arg1[%get3A, %get3A_0] : memref<8x128xi32, #tpu.memory_space<smem>>
    %c0_i32 = arith.constant 0 : i32
    %c0_i32_2 = arith.constant 0 : i32
    return %get3A_1, %c0_i32 : i32, i32
  }
  func.func @transform_1(%arg0: i32, %arg1: memref<8x128xi32, #tpu.memory_space<smem>>) -> (i32, i32) {
    %get3A = arith.constant 0 : index
    %get3A_0 = arith.index_cast %arg0 : i32 to index
    %get3A_1 = memref.load %arg1[%get3A, %get3A_0] : memref<8x128xi32, #tpu.memory_space<smem>>
    %c0_i32 = arith.constant 0 : i32
    %c0_i32_2 = arith.constant 0 : i32
    return %get3A_1, %c0_i32 : i32, i32
  }
  func.func @transform_2(%arg0: i32, %arg1: memref<8x128xi32, #tpu.memory_space<smem>>) -> (i32, i32, i32) {
    %get3A = arith.constant 1 : index
    %get3A_0 = arith.index_cast %arg0 : i32 to index
    %get3A_1 = memref.load %arg1[%get3A, %get3A_0] : memref<8x128xi32, #tpu.memory_space<smem>>
    %c0_i32 = arith.constant 0 : i32
    %c0_i32_2 = arith.constant 0 : i32
    %c0_i32_3 = arith.constant 0 : i32
    return %get3A_1, %c0_i32, %c0_i32_2 : i32, i32, i32
  }
  func.func @transform_3(%arg0: i32, %arg1: memref<8x128xi32, #tpu.memory_space<smem>>) -> (i32, i32, i32) {
    %get3A = arith.constant 1 : index
    %get3A_0 = arith.index_cast %arg0 : i32 to index
    %get3A_1 = memref.load %arg1[%get3A, %get3A_0] : memref<8x128xi32, #tpu.memory_space<smem>>
    %c0_i32 = arith.constant 0 : i32
    %c0_i32_2 = arith.constant 0 : i32
    %c0_i32_3 = arith.constant 0 : i32
    return %get3A_1, %c0_i32, %c0_i32_2 : i32, i32, i32
  }
  func.func @transform_4(%arg0: i32, %arg1: memref<8x128xi32, #tpu.memory_space<smem>>) -> (i32, i32) {
    %get3A = arith.constant 0 : index
    %get3A_0 = arith.index_cast %arg0 : i32 to index
    %get3A_1 = memref.load %arg1[%get3A, %get3A_0] : memref<8x128xi32, #tpu.memory_space<smem>>
    %c0_i32 = arith.constant 0 : i32
    %c0_i32_2 = arith.constant 0 : i32
    return %get3A_1, %c0_i32 : i32, i32
  }
}

module attributes {stable_mosaic.version = 14 : i64} {
  func.func @_gate_body(%arg0: i32, %arg1: memref<512x1024xf32, #tpu.memory_space<vmem>>, %arg2: memref<1024x128xf32, #tpu.memory_space<vmem>>, %arg3: memref<512x512xf32, #tpu.memory_space<vmem>>, %arg4: memref<128x128xf32, #tpu.memory_space<vmem>>, %arg5: memref<128x128xf32, #tpu.memory_space<vmem>>, %arg6: memref<128x128xf32, #tpu.memory_space<vmem>>, %arg7: memref<128x128xf32, #tpu.memory_space<vmem>>, %arg8: memref<512xi32, #tpu.memory_space<vmem>>, %arg9: memref<512xi32, #tpu.memory_space<vmem>>, %arg10: memref<512x128xf32, #tpu.memory_space<vmem>>, %arg11: memref<8x128xi32, #tpu.memory_space<vmem>>, %arg12: memref<1x128xf32, #tpu.memory_space<vmem>>, %arg13: memref<1x128xf32, #tpu.memory_space<vmem>>, %arg14: memref<1x128xf32, #tpu.memory_space<vmem>>) attributes {dimension_semantics = [#tpu.dimension_semantics<arbitrary>], iteration_bounds = array<i64: 8>, scalar_prefetch = 0 : i64, scratch_operands = 2 : i64, tpu.core_type = #tpu.core_type<tc>, window_params = [{transform_indices = @transform_0, window_bounds = array<i64: 512, 1024>}, {pipeline_mode = #tpu.pipeline_mode<synchronous>, transform_indices = @transform_1, window_bounds = array<i64: 1024, 128>}, {pipeline_mode = #tpu.pipeline_mode<synchronous>, transform_indices = @transform_2, window_bounds = array<i64: 512, 512>}, {pipeline_mode = #tpu.pipeline_mode<synchronous>, transform_indices = @transform_3, window_bounds = array<i64: 128, 128>}, {pipeline_mode = #tpu.pipeline_mode<synchronous>, transform_indices = @transform_4, window_bounds = array<i64: 128, 128>}, {pipeline_mode = #tpu.pipeline_mode<synchronous>, transform_indices = @transform_5, window_bounds = array<i64: 128, 128>}, {pipeline_mode = #tpu.pipeline_mode<synchronous>, transform_indices = @transform_6, window_bounds = array<i64: 128, 128>}, {transform_indices = @transform_7, window_bounds = array<i64: 512>}, {transform_indices = @transform_8, window_bounds = array<i64: 512>}, {transform_indices = @transform_9, window_bounds = array<i64: 512, 128>}, {pipeline_mode = #tpu.pipeline_mode<synchronous>, transform_indices = @transform_10, window_bounds = array<i64: 8, 128>}, {pipeline_mode = #tpu.pipeline_mode<synchronous>, transform_indices = @transform_11, window_bounds = array<i64: 1, 128>}]} {
    %eq3A = arith.constant 0 : i32
    %eq3A_0 = arith.cmpi eq, %arg0, %eq3A : i32
    %convert_element_type3A = arith.extui %eq3A_0 : i1 to i32
    %cond3A = arith.constant 0 : i32
    %cond3A_1 = arith.cmpi ne, %convert_element_type3A, %cond3A : i32
    scf.if %cond3A_1 {
      %broadcast_in_dim3A_85 = arith.constant 0.000000e+00 : f32
      %broadcast_in_dim3A_86 = vector.broadcast %broadcast_in_dim3A_85 : f32 to vector<1x128xf32>
      %swap3A_87 = arith.constant 0 : index
      %swap3A_88 = arith.constant 0 : index
      %swap3A_89 = vector.load %arg13[%swap3A_87, %swap3A_88] : memref<1x128xf32, #tpu.memory_space<vmem>>, vector<1x128xf32>
      tpu.vector_store %arg13[%swap3A_87, %swap3A_88], %broadcast_in_dim3A_86 {strides = array<i32>} : memref<1x128xf32, #tpu.memory_space<vmem>>, vector<1x128xf32>,
      %broadcast_in_dim3A_90 = arith.constant 0.000000e+00 : f32
      %broadcast_in_dim3A_91 = vector.broadcast %broadcast_in_dim3A_90 : f32 to vector<1x128xf32>
      %swap3A_92 = arith.constant 0 : index
      %swap3A_93 = arith.constant 0 : index
      %swap3A_94 = vector.load %arg14[%swap3A_92, %swap3A_93] : memref<1x128xf32, #tpu.memory_space<vmem>>, vector<1x128xf32>
      tpu.vector_store %arg14[%swap3A_92, %swap3A_93], %broadcast_in_dim3A_91 {strides = array<i32>} : memref<1x128xf32, #tpu.memory_space<vmem>>, vector<1x128xf32>,
    } else {
    }
    %get3A = arith.constant 0 : index
    %get3A_2 = arith.constant 0 : index
    %get3A_3 = vector.load %arg1[%get3A, %get3A_2] : memref<512x1024xf32, #tpu.memory_space<vmem>>, vector<512x1024xf32>
    %get3A_4 = arith.constant 0 : index
    %get3A_5 = arith.constant 0 : index
    %get3A_6 = vector.load %arg2[%get3A_4, %get3A_5] : memref<1024x128xf32, #tpu.memory_space<vmem>>, vector<1024x128xf32>
    %dot_general3A = arith.constant dense<0.000000e+00> : vector<512x128xf32>
    %dot_general3A_7 = tpu.matmul %get3A_3, %get3A_6, %dot_general3A {dimension_numbers = #tpu.dot_dimension_numbers<[1], [0], [0], [1], [0, 0, 1, 1], [], []>, transpose_lhs_hint = false} : vector<512x1024xf32>, vector<1024x128xf32>, vector<512x128xf32> -> vector<512x128xf32>
    %iota3A = tpu.iota {dimensions = array<i32: 1>} : vector<512x128xi32>
    %lt3A = arith.constant 8 : i32
    %lt3A_8 = vector.broadcast %lt3A : i32 to vector<512x128xi32>
    %lt3A_9 = arith.cmpi slt, %iota3A, %lt3A_8 : vector<512x128xi32>
    %broadcast_in_dim3A = arith.constant 0xFF800000 : f32
    %broadcast_in_dim3A_10 = vector.broadcast %broadcast_in_dim3A : f32 to vector<512x128xf32>
    %select_n3A = arith.select %lt3A_9, %dot_general3A_7, %broadcast_in_dim3A_10 : vector<512x128xi1>, vector<512x128xf32>
    %reduce_max3A = arith.constant dense<0xFF800000> : vector<512xf32>
    %reduce_max3A_11 = vector.multi_reduction <maximumf>, %select_n3A, %reduce_max3A [1] : vector<512x128xf32> to vector<512xf32>
    %broadcast_in_dim3A_12 = vector.shape_cast %reduce_max3A_11 : vector<512xf32> to vector<512x1xf32>
    %sub3A = vector.broadcast %broadcast_in_dim3A_12 : vector<512x1xf32> to vector<512x128xf32>
    %sub3A_13 = arith.subf %select_n3A, %sub3A : vector<512x128xf32>
    %exp3A = math.exp %sub3A_13 : vector<512x128xf32>
    %jit3A = arith.constant 0.000000e+00 : f32
    %broadcast_in_dim3A_14 = vector.broadcast %jit3A : f32 to vector<512x128xf32>
    %select_n3A_15 = arith.select %lt3A_9, %exp3A, %broadcast_in_dim3A_14 : vector<512x128xi1>, vector<512x128xf32>
    %reduce_sum3A = arith.constant dense<0.000000e+00> : vector<512xf32>
    %reduce_sum3A_16 = vector.multi_reduction <add>, %select_n3A_15, %reduce_sum3A [1] : vector<512x128xf32> to vector<512xf32>
    %broadcast_in_dim3A_17 = vector.shape_cast %reduce_sum3A_16 : vector<512xf32> to vector<512x1xf32>
    %div3A = vector.broadcast %broadcast_in_dim3A_17 : vector<512x1xf32> to vector<512x128xf32>
    %div3A_18 = arith.divf %select_n3A_15, %div3A : vector<512x128xf32>
    %argmax3A = tpu.reduce_index %select_n3A {axis = 1 : i32, kind = #tpu.reduction_kind<arg_max>} : vector<512x128xf32> -> vector<512xi32>
    %reduce_max3A_19 = arith.constant dense<0xFF800000> : vector<512xf32>
    %reduce_max3A_20 = vector.multi_reduction <maximumf>, %div3A_18, %reduce_max3A_19 [1] : vector<512x128xf32> to vector<512xf32>
    %broadcast_in_dim3A_21 = vector.shape_cast %argmax3A : vector<512xi32> to vector<512x1xi32>
    %eq3A_22 = vector.broadcast %broadcast_in_dim3A_21 : vector<512x1xi32> to vector<512x128xi32>
    %eq3A_23 = arith.cmpi eq, %iota3A, %eq3A_22 : vector<512x128xi32>
    %jit3A_24 = arith.constant 1.000000e+00 : f32
    %jit3A_25 = arith.constant 0.000000e+00 : f32
    %broadcast_in_dim3A_26 = vector.broadcast %jit3A_24 : f32 to vector<512x128xf32>
    %broadcast_in_dim3A_27 = vector.broadcast %jit3A_25 : f32 to vector<512x128xf32>
    %select_n3A_28 = arith.select %eq3A_23, %broadcast_in_dim3A_26, %broadcast_in_dim3A_27 : vector<512x128xi1>, vector<512x128xf32>
    %get3A_29 = arith.constant 0 : index
    %get3A_30 = arith.constant 0 : index
    %get3A_31 = vector.load %arg3[%get3A_29, %get3A_30] : memref<512x512xf32, #tpu.memory_space<vmem>>, vector<512x512xf32>
    %dot_general3A_32 = arith.constant dense<0.000000e+00> : vector<512x128xf32>
    %dot_general3A_33 = tpu.matmul %get3A_31, %select_n3A_28, %dot_general3A_32 {dimension_numbers = #tpu.dot_dimension_numbers<[1], [0], [0], [1], [0, 0, 1, 1], [], []>, transpose_lhs_hint = false} : vector<512x512xf32>, vector<512x128xf32>, vector<512x128xf32> -> vector<512x128xf32>
    %mul3A = arith.mulf %dot_general3A_33, %select_n3A_28 : vector<512x128xf32>
    %reduce_sum3A_34 = arith.constant dense<0.000000e+00> : vector<512xf32>
    %reduce_sum3A_35 = vector.multi_reduction <add>, %mul3A, %reduce_sum3A_34 [1] : vector<512x128xf32> to vector<512xf32>
    %get3A_36 = arith.constant 0 : index
    %get3A_37 = arith.constant 0 : index
    %get3A_38 = vector.load %arg13[%get3A_36, %get3A_37] : memref<1x128xf32, #tpu.memory_space<vmem>>, vector<1x128xf32>
    %mul3A_39 = vector.broadcast %get3A_38 : vector<1x128xf32> to vector<512x128xf32>
    %mul3A_40 = arith.mulf %mul3A_39, %select_n3A_28 : vector<512x128xf32>
    %reduce_sum3A_41 = arith.constant dense<0.000000e+00> : vector<512xf32>
    %reduce_sum3A_42 = vector.multi_reduction <add>, %mul3A_40, %reduce_sum3A_41 [1] : vector<512x128xf32> to vector<512xf32>
    %add3A = arith.addf %reduce_sum3A_35, %reduce_sum3A_42 : vector<512xf32>
    %convert_element_type3A_43 = arith.fptosi %add3A : vector<512xf32> to vector<512xi32>
    %swap3A = arith.constant 0 : index
    %swap3A_44 = vector.load %arg8[%swap3A] : memref<512xi32, #tpu.memory_space<vmem>>, vector<512xi32>
    tpu.vector_store %arg8[%swap3A], %argmax3A {strides = array<i32>} : memref<512xi32, #tpu.memory_space<vmem>>, vector<512xi32>,
    %swap3A_45 = arith.constant 0 : index
    %swap3A_46 = vector.load %arg9[%swap3A_45] : memref<512xi32, #tpu.memory_space<vmem>>, vector<512xi32>
    tpu.vector_store %arg9[%swap3A_45], %convert_element_type3A_43 {strides = array<i32>} : memref<512xi32, #tpu.memory_space<vmem>>, vector<512xi32>,
    %get3A_47 = arith.constant 0 : index
    %get3A_48 = arith.constant 0 : index
    %get3A_49 = vector.load %arg13[%get3A_47, %get3A_48] : memref<1x128xf32, #tpu.memory_space<vmem>>, vector<1x128xf32>
    %reduce_sum3A_50 = arith.constant dense<0.000000e+00> : vector<128xf32>
    %reduce_sum3A_51 = vector.multi_reduction <add>, %select_n3A_28, %reduce_sum3A_50 [0] : vector<512x128xf32> to vector<128xf32>
    %broadcast_in_dim3A_52 = vector.shape_cast %reduce_sum3A_51 : vector<128xf32> to vector<1x128xf32>
    %add3A_53 = arith.addf %get3A_49, %broadcast_in_dim3A_52 : vector<1x128xf32>
    %swap3A_54 = arith.constant 0 : index
    %swap3A_55 = arith.constant 0 : index
    %swap3A_56 = vector.load %arg13[%swap3A_54, %swap3A_55] : memref<1x128xf32, #tpu.memory_space<vmem>>, vector<1x128xf32>
    tpu.vector_store %arg13[%swap3A_54, %swap3A_55], %add3A_53 {strides = array<i32>} : memref<1x128xf32, #tpu.memory_space<vmem>>, vector<1x128xf32>,
    %get3A_57 = arith.constant 0 : index
    %get3A_58 = arith.constant 0 : index
    %get3A_59 = vector.load %arg14[%get3A_57, %get3A_58] : memref<1x128xf32, #tpu.memory_space<vmem>>, vector<1x128xf32>
    %reduce_sum3A_60 = arith.constant dense<0.000000e+00> : vector<128xf32>
    %reduce_sum3A_61 = vector.multi_reduction <add>, %div3A_18, %reduce_sum3A_60 [0] : vector<512x128xf32> to vector<128xf32>
    %broadcast_in_dim3A_62 = vector.shape_cast %reduce_sum3A_61 : vector<128xf32> to vector<1x128xf32>
    %add3A_63 = arith.addf %get3A_59, %broadcast_in_dim3A_62 : vector<1x128xf32>
    %swap3A_64 = arith.constant 0 : index
    %swap3A_65 = arith.constant 0 : index
    %swap3A_66 = vector.load %arg14[%swap3A_64, %swap3A_65] : memref<1x128xf32, #tpu.memory_space<vmem>>, vector<1x128xf32>
    tpu.vector_store %arg14[%swap3A_64, %swap3A_65], %add3A_63 {strides = array<i32>} : memref<1x128xf32, #tpu.memory_space<vmem>>, vector<1x128xf32>,
    %iota3A_67 = tpu.iota {dimensions = array<i32: 1>} : vector<512x128xi32>
    %eq3A_68 = arith.constant 0 : i32
    %eq3A_69 = vector.broadcast %eq3A_68 : i32 to vector<512x128xi32>
    %eq3A_70 = arith.cmpi eq, %iota3A_67, %eq3A_69 : vector<512x128xi32>
    %broadcast_in_dim3A_71 = vector.shape_cast %reduce_max3A_20 : vector<512xf32> to vector<512x1xf32>
    %jit3A_72 = arith.constant 0.000000e+00 : f32
    %broadcast_in_dim3A_73 = vector.shape_cast %broadcast_in_dim3A_71 : vector<512x1xf32> to vector<512x1xf32>
    %broadcast_in_dim3A_74 = vector.broadcast %broadcast_in_dim3A_73 : vector<512x1xf32> to vector<512x128xf32>
    %broadcast_in_dim3A_75 = vector.broadcast %jit3A_72 : f32 to vector<512x128xf32>
    %select_n3A_76 = arith.select %eq3A_70, %broadcast_in_dim3A_74, %broadcast_in_dim3A_75 : vector<512x128xi1>, vector<512x128xf32>
    %swap3A_77 = arith.constant 0 : index
    %swap3A_78 = arith.constant 0 : index
    %swap3A_79 = vector.load %arg10[%swap3A_77, %swap3A_78] : memref<512x128xf32, #tpu.memory_space<vmem>>, vector<512x128xf32>
    tpu.vector_store %arg10[%swap3A_77, %swap3A_78], %select_n3A_76 {strides = array<i32>} : memref<512x128xf32, #tpu.memory_space<vmem>>, vector<512x128xf32>,
    %eq3A_80 = arith.constant 7 : i32
    %eq3A_81 = arith.cmpi eq, %arg0, %eq3A_80 : i32
    %convert_element_type3A_82 = arith.extui %eq3A_81 : i1 to i32
    %cond3A_83 = arith.constant 0 : i32
    %cond3A_84 = arith.cmpi ne, %convert_element_type3A_82, %cond3A_83 : i32
    scf.if %cond3A_84 {
      %get3A_85 = arith.constant 0 : index
      %get3A_86 = arith.constant 0 : index
      %get3A_87 = vector.load %arg13[%get3A_85, %get3A_86] : memref<1x128xf32, #tpu.memory_space<vmem>>, vector<1x128xf32>
      %get3A_88 = arith.constant 0 : index
      %get3A_89 = arith.constant 0 : index
      %get3A_90 = vector.load %arg14[%get3A_88, %get3A_89] : memref<1x128xf32, #tpu.memory_space<vmem>>, vector<1x128xf32>
      %get3A_91 = arith.constant 0 : index
      %get3A_92 = arith.constant 0 : index
      %get3A_93 = vector.load %arg4[%get3A_91, %get3A_92] : memref<128x128xf32, #tpu.memory_space<vmem>>, vector<128x128xf32>
      %mul3A_94 = arith.constant 7.812500e-03 : f32
      %mul3A_95 = vector.broadcast %mul3A_94 : f32 to vector<1x128xf32>
      %mul3A_96 = arith.mulf %get3A_87, %mul3A_95 : vector<1x128xf32>
      %floor3A = math.floor %mul3A_96 : vector<1x128xf32>
      %mul3A_97 = arith.constant 1.280000e+02 : f32
      %mul3A_98 = vector.broadcast %mul3A_97 : f32 to vector<1x128xf32>
      %mul3A_99 = arith.mulf %floor3A, %mul3A_98 : vector<1x128xf32>
      %sub3A_100 = arith.subf %get3A_87, %mul3A_99 : vector<1x128xf32>
      %dot_general3A_101 = arith.constant dense<0.000000e+00> : vector<1x128xf32>
      %dot_general3A_102 = tpu.matmul %floor3A, %get3A_93, %dot_general3A_101 {dimension_numbers = #tpu.dot_dimension_numbers<[1], [0], [0], [1], [0, 0, 1, 1], [], []>, transpose_lhs_hint = false} : vector<1x128xf32>, vector<128x128xf32>, vector<1x128xf32> -> vector<1x128xf32>
      %mul3A_103 = arith.constant 1.280000e+02 : f32
      %mul3A_104 = vector.broadcast %mul3A_103 : f32 to vector<1x128xf32>
      %mul3A_105 = arith.mulf %dot_general3A_102, %mul3A_104 : vector<1x128xf32>
      %dot_general3A_106 = arith.constant dense<0.000000e+00> : vector<1x128xf32>
      %dot_general3A_107 = tpu.matmul %sub3A_100, %get3A_93, %dot_general3A_106 {dimension_numbers = #tpu.dot_dimension_numbers<[1], [0], [0], [1], [0, 0, 1, 1], [], []>, transpose_lhs_hint = false} : vector<1x128xf32>, vector<128x128xf32>, vector<1x128xf32> -> vector<1x128xf32>
      %add3A_108 = arith.addf %mul3A_105, %dot_general3A_107 : vector<1x128xf32>
      %sub3A_109 = arith.subf %add3A_108, %get3A_87 : vector<1x128xf32>
      %iota3A_110 = tpu.iota {dimensions = array<i32: 1>} : vector<1x128xi32>
      %shift_right_arithmetic3A = arith.constant 3 : i32
      %shift_right_arithmetic3A_111 = vector.broadcast %shift_right_arithmetic3A : i32 to vector<1x128xi32>
      %shift_right_arithmetic3A_112 = arith.shrsi %iota3A_110, %shift_right_arithmetic3A_111 : vector<1x128xi32>
      %convert_element_type3A_113 = arith.sitofp %shift_right_arithmetic3A_112 : vector<1x128xi32> to vector<1x128xf32>
      %and3A = arith.constant 7 : i32
      %and3A_114 = vector.broadcast %and3A : i32 to vector<1x128xi32>
      %and3A_115 = arith.andi %iota3A_110, %and3A_114 : vector<1x128xi32>
      %convert_element_type3A_116 = arith.sitofp %and3A_115 : vector<1x128xi32> to vector<1x128xf32>
      %get3A_117 = arith.constant 0 : index
      %get3A_118 = arith.constant 0 : index
      %get3A_119 = vector.load %arg5[%get3A_117, %get3A_118] : memref<128x128xf32, #tpu.memory_space<vmem>>, vector<128x128xf32>
      %mul3A_120 = arith.constant 7.812500e-03 : f32
      %mul3A_121 = vector.broadcast %mul3A_120 : f32 to vector<1x128xf32>
      %mul3A_122 = arith.mulf %sub3A_109, %mul3A_121 : vector<1x128xf32>
      %floor3A_123 = math.floor %mul3A_122 : vector<1x128xf32>
      %mul3A_124 = arith.constant 1.280000e+02 : f32
      %mul3A_125 = vector.broadcast %mul3A_124 : f32 to vector<1x128xf32>
      %mul3A_126 = arith.mulf %floor3A_123, %mul3A_125 : vector<1x128xf32>
      %sub3A_127 = arith.subf %sub3A_109, %mul3A_126 : vector<1x128xf32>
      %dot_general3A_128 = arith.constant dense<0.000000e+00> : vector<1x128xf32>
      %dot_general3A_129 = tpu.matmul %floor3A_123, %get3A_119, %dot_general3A_128 {dimension_numbers = #tpu.dot_dimension_numbers<[1], [0], [0], [1], [0, 0, 1, 1], [], []>, transpose_lhs_hint = false} : vector<1x128xf32>, vector<128x128xf32>, vector<1x128xf32> -> vector<1x128xf32>
      %mul3A_130 = arith.constant 1.280000e+02 : f32
      %mul3A_131 = vector.broadcast %mul3A_130 : f32 to vector<1x128xf32>
      %mul3A_132 = arith.mulf %dot_general3A_129, %mul3A_131 : vector<1x128xf32>
      %dot_general3A_133 = arith.constant dense<0.000000e+00> : vector<1x128xf32>
      %dot_general3A_134 = tpu.matmul %sub3A_127, %get3A_119, %dot_general3A_133 {dimension_numbers = #tpu.dot_dimension_numbers<[1], [0], [0], [1], [0, 0, 1, 1], [], []>, transpose_lhs_hint = false} : vector<1x128xf32>, vector<128x128xf32>, vector<1x128xf32> -> vector<1x128xf32>
      %add3A_135 = arith.addf %mul3A_132, %dot_general3A_134 : vector<1x128xf32>
      %get3A_136 = arith.constant 0 : index
      %get3A_137 = arith.constant 0 : index
      %get3A_138 = vector.load %arg6[%get3A_136, %get3A_137] : memref<128x128xf32, #tpu.memory_space<vmem>>, vector<128x128xf32>
      %mul3A_139 = arith.constant 7.812500e-03 : f32
      %mul3A_140 = vector.broadcast %mul3A_139 : f32 to vector<1x128xf32>
      %mul3A_141 = arith.mulf %sub3A_109, %mul3A_140 : vector<1x128xf32>
      %floor3A_142 = math.floor %mul3A_141 : vector<1x128xf32>
      %mul3A_143 = arith.constant 1.280000e+02 : f32
      %mul3A_144 = vector.broadcast %mul3A_143 : f32 to vector<1x128xf32>
      %mul3A_145 = arith.mulf %floor3A_142, %mul3A_144 : vector<1x128xf32>
      %sub3A_146 = arith.subf %sub3A_109, %mul3A_145 : vector<1x128xf32>
      %dot_general3A_147 = arith.constant dense<0.000000e+00> : vector<1x128xf32>
      %dot_general3A_148 = tpu.matmul %floor3A_142, %get3A_138, %dot_general3A_147 {dimension_numbers = #tpu.dot_dimension_numbers<[1], [0], [0], [1], [0, 0, 1, 1], [], []>, transpose_lhs_hint = false} : vector<1x128xf32>, vector<128x128xf32>, vector<1x128xf32> -> vector<1x128xf32>
      %mul3A_149 = arith.constant 1.280000e+02 : f32
      %mul3A_150 = vector.broadcast %mul3A_149 : f32 to vector<1x128xf32>
      %mul3A_151 = arith.mulf %dot_general3A_148, %mul3A_150 : vector<1x128xf32>
      %dot_general3A_152 = arith.constant dense<0.000000e+00> : vector<1x128xf32>
      %dot_general3A_153 = tpu.matmul %sub3A_146, %get3A_138, %dot_general3A_152 {dimension_numbers = #tpu.dot_dimension_numbers<[1], [0], [0], [1], [0, 0, 1, 1], [], []>, transpose_lhs_hint = false} : vector<1x128xf32>, vector<128x128xf32>, vector<1x128xf32> -> vector<1x128xf32>
      %add3A_154 = arith.addf %mul3A_151, %dot_general3A_153 : vector<1x128xf32>
      %mul3A_155 = arith.constant 5.120000e+02 : f32
      %mul3A_156 = vector.broadcast %mul3A_155 : f32 to vector<1x128xf32>
      %mul3A_157 = arith.mulf %convert_element_type3A_113, %mul3A_156 : vector<1x128xf32>
      %max3A = arith.maximumf %add3A_135, %mul3A_157 : vector<1x128xf32>
      %mul3A_158 = arith.constant 5.120000e+02 : f32
      %mul3A_159 = vector.broadcast %mul3A_158 : f32 to vector<1x128xf32>
      %mul3A_160 = arith.mulf %convert_element_type3A_113, %mul3A_159 : vector<1x128xf32>
      %add3A_161 = arith.constant 5.120000e+02 : f32
      %add3A_162 = vector.broadcast %add3A_161 : f32 to vector<1x128xf32>
      %add3A_163 = arith.addf %mul3A_160, %add3A_162 : vector<1x128xf32>
      %min3A = arith.minimumf %add3A_154, %add3A_163 : vector<1x128xf32>
      %gt3A = arith.cmpf ogt, %min3A, %max3A : vector<1x128xf32>
      %lt3A_164 = arith.constant 64 : i32
      %lt3A_165 = vector.broadcast %lt3A_164 : i32 to vector<1x128xi32>
      %lt3A_166 = arith.cmpi slt, %iota3A_110, %lt3A_165 : vector<1x128xi32>
      %and3A_167 = arith.andi %gt3A, %lt3A_166 : vector<1x128xi1>
      %jit3A_168 = arith.constant 1.000000e+00 : f32
      %jit3A_169 = arith.constant 0.000000e+00 : f32
      %broadcast_in_dim3A_170 = vector.broadcast %jit3A_168 : f32 to vector<1x128xf32>
      %broadcast_in_dim3A_171 = vector.broadcast %jit3A_169 : f32 to vector<1x128xf32>
      %select_n3A_172 = arith.select %and3A_167, %broadcast_in_dim3A_170, %broadcast_in_dim3A_171 : vector<1x128xi1>, vector<1x128xf32>
      %get3A_173 = arith.constant 0 : index
      %get3A_174 = arith.constant 0 : index
      %get3A_175 = vector.load %arg4[%get3A_173, %get3A_174] : memref<128x128xf32, #tpu.memory_space<vmem>>, vector<128x128xf32>
      %dot_general3A_176 = arith.constant dense<0.000000e+00> : vector<1x128xf32>
      %dot_general3A_177 = tpu.matmul %select_n3A_172, %get3A_175, %dot_general3A_176 {dimension_numbers = #tpu.dot_dimension_numbers<[1], [0], [0], [1], [0, 0, 1, 1], [], []>, transpose_lhs_hint = false} : vector<1x128xf32>, vector<128x128xf32>, vector<1x128xf32> -> vector<1x128xf32>
      %sub3A_178 = arith.constant 1.000000e+00 : f32
      %sub3A_179 = vector.broadcast %sub3A_178 : f32 to vector<1x128xf32>
      %sub3A_180 = arith.subf %dot_general3A_177, %sub3A_179 : vector<1x128xf32>
      %jit3A_181 = arith.constant -1.000000e+00 : f32
      %broadcast_in_dim3A_182 = vector.broadcast %jit3A_181 : f32 to vector<1x128xf32>
      %select_n3A_183 = arith.select %and3A_167, %sub3A_180, %broadcast_in_dim3A_182 : vector<1x128xi1>, vector<1x128xf32>
      %get3A_184 = arith.constant 0 : index
      %get3A_185 = arith.constant 0 : index
      %get3A_186 = vector.load %arg7[%get3A_184, %get3A_185] : memref<128x128xf32, #tpu.memory_space<vmem>>, vector<128x128xf32>
      %mul3A_187 = vector.broadcast %select_n3A_183 : vector<1x128xf32> to vector<128x128xf32>
      %mul3A_188 = arith.mulf %get3A_186, %mul3A_187 : vector<128x128xf32>
      %reduce_sum3A_189 = arith.constant dense<0.000000e+00> : vector<128xf32>
      %reduce_sum3A_190 = vector.multi_reduction <add>, %mul3A_188, %reduce_sum3A_189 [1] : vector<128x128xf32> to vector<128xf32>
      %broadcast_in_dim3A_191 = vector.shape_cast %reduce_sum3A_190 : vector<128xf32> to vector<128x1xf32>
      %iota3A_192 = tpu.iota {dimensions = array<i32: 1>} : vector<128x128xi32>
      %convert_element_type3A_193 = arith.sitofp %iota3A_192 : vector<128x128xi32> to vector<128x128xf32>
      %eq3A_194 = vector.broadcast %broadcast_in_dim3A_191 : vector<128x1xf32> to vector<128x128xf32>
      %eq3A_195 = arith.cmpf oeq, %eq3A_194, %convert_element_type3A_193 : vector<128x128xf32>
      %jit3A_196 = arith.constant 1.000000e+00 : f32
      %jit3A_197 = arith.constant 0.000000e+00 : f32
      %broadcast_in_dim3A_198 = vector.broadcast %jit3A_196 : f32 to vector<128x128xf32>
      %broadcast_in_dim3A_199 = vector.broadcast %jit3A_197 : f32 to vector<128x128xf32>
      %select_n3A_200 = arith.select %eq3A_195, %broadcast_in_dim3A_198, %broadcast_in_dim3A_199 : vector<128x128xi1>, vector<128x128xf32>
      %concatenate3A = tpu.concatenate %convert_element_type3A_113, %convert_element_type3A_116, %max3A, %min3A in 0 : vector<1x128xf32>, vector<1x128xf32>, vector<1x128xf32>, vector<1x128xf32> -> vector<4x128xf32>
      %mul3A_201 = arith.constant 7.812500e-03 : f32
      %mul3A_202 = vector.broadcast %mul3A_201 : f32 to vector<4x128xf32>
      %mul3A_203 = arith.mulf %concatenate3A, %mul3A_202 : vector<4x128xf32>
      %floor3A_204 = math.floor %mul3A_203 : vector<4x128xf32>
      %mul3A_205 = arith.constant 1.280000e+02 : f32
      %mul3A_206 = vector.broadcast %mul3A_205 : f32 to vector<4x128xf32>
      %mul3A_207 = arith.mulf %floor3A_204, %mul3A_206 : vector<4x128xf32>
      %sub3A_208 = arith.subf %concatenate3A, %mul3A_207 : vector<4x128xf32>
      %dot_general3A_209 = arith.constant dense<0.000000e+00> : vector<4x128xf32>
      %dot_general3A_210 = tpu.matmul %floor3A_204, %select_n3A_200, %dot_general3A_209 {dimension_numbers = #tpu.dot_dimension_numbers<[1], [0], [0], [1], [0, 0, 1, 1], [], []>, transpose_lhs_hint = false} : vector<4x128xf32>, vector<128x128xf32>, vector<4x128xf32> -> vector<4x128xf32>
      %mul3A_211 = arith.constant 1.280000e+02 : f32
      %mul3A_212 = vector.broadcast %mul3A_211 : f32 to vector<4x128xf32>
      %mul3A_213 = arith.mulf %dot_general3A_210, %mul3A_212 : vector<4x128xf32>
      %dot_general3A_214 = arith.constant dense<0.000000e+00> : vector<4x128xf32>
      %dot_general3A_215 = tpu.matmul %sub3A_208, %select_n3A_200, %dot_general3A_214 {dimension_numbers = #tpu.dot_dimension_numbers<[1], [0], [0], [1], [0, 0, 1, 1], [], []>, transpose_lhs_hint = false} : vector<4x128xf32>, vector<128x128xf32>, vector<4x128xf32> -> vector<4x128xf32>
      %add3A_216 = arith.addf %mul3A_213, %dot_general3A_215 : vector<4x128xf32>
      %reduce_sum3A_217 = arith.constant dense<0.000000e+00> : vector<128xf32>
      %reduce_sum3A_218 = vector.multi_reduction <add>, %select_n3A_200, %reduce_sum3A_217 [0] : vector<128x128xf32> to vector<128xf32>
      %broadcast_in_dim3A_219 = vector.shape_cast %reduce_sum3A_218 : vector<128xf32> to vector<1x128xf32>
      %gt3A_220 = arith.constant 0.000000e+00 : f32
      %gt3A_221 = vector.broadcast %gt3A_220 : f32 to vector<1x128xf32>
      %gt3A_222 = arith.cmpf ogt, %broadcast_in_dim3A_219, %gt3A_221 : vector<1x128xf32>
      %slice3A = vector.extract_strided_slice %add3A_216 {offsets = [0, 0], sizes = [1, 128], strides = [1, 1]} : vector<4x128xf32> to vector<1x128xf32>
      %jit3A_223 = arith.constant 7.000000e+00 : f32
      %broadcast_in_dim3A_224 = vector.broadcast %jit3A_223 : f32 to vector<1x128xf32>
      %select_n3A_225 = arith.select %gt3A_222, %slice3A, %broadcast_in_dim3A_224 : vector<1x128xi1>, vector<1x128xf32>
      %slice3A_226 = vector.extract_strided_slice %add3A_216 {offsets = [1, 0], sizes = [1, 128], strides = [1, 1]} : vector<4x128xf32> to vector<1x128xf32>
      %jit3A_227 = arith.constant 0.000000e+00 : f32
      %broadcast_in_dim3A_228 = vector.broadcast %jit3A_227 : f32 to vector<1x128xf32>
      %select_n3A_229 = arith.select %gt3A_222, %slice3A_226, %broadcast_in_dim3A_228 : vector<1x128xi1>, vector<1x128xf32>
      %slice3A_230 = vector.extract_strided_slice %add3A_216 {offsets = [2, 0], sizes = [1, 128], strides = [1, 1]} : vector<4x128xf32> to vector<1x128xf32>
      %jit3A_231 = arith.constant 0.000000e+00 : f32
      %broadcast_in_dim3A_232 = vector.broadcast %jit3A_231 : f32 to vector<1x128xf32>
      %select_n3A_233 = arith.select %gt3A_222, %slice3A_230, %broadcast_in_dim3A_232 : vector<1x128xi1>, vector<1x128xf32>
      %slice3A_234 = vector.extract_strided_slice %add3A_216 {offsets = [3, 0], sizes = [1, 128], strides = [1, 1]} : vector<4x128xf32> to vector<1x128xf32>
      %jit3A_235 = arith.constant 0.000000e+00 : f32
      %broadcast_in_dim3A_236 = vector.broadcast %jit3A_235 : f32 to vector<1x128xf32>
      %select_n3A_237 = arith.select %gt3A_222, %slice3A_234, %broadcast_in_dim3A_236 : vector<1x128xi1>, vector<1x128xf32>
      %convert_element_type3A_238 = arith.fptosi %select_n3A_225 : vector<1x128xf32> to vector<1x128xi32>
      %swap3A_239 = arith.constant 0 : index
      %swap3A_240 = arith.constant 0 : index
      %swap3A_241 = vector.load %arg11[%swap3A_239, %swap3A_240] : memref<8x128xi32, #tpu.memory_space<vmem>>, vector<1x128xi32>
      tpu.vector_store %arg11[%swap3A_239, %swap3A_240], %convert_element_type3A_238 {strides = array<i32>} : memref<8x128xi32, #tpu.memory_space<vmem>>, vector<1x128xi32>,
      %convert_element_type3A_242 = arith.fptosi %select_n3A_229 : vector<1x128xf32> to vector<1x128xi32>
      %swap3A_243 = arith.constant 1 : index
      %swap3A_244 = arith.constant 0 : index
      %swap3A_245 = vector.load %arg11[%swap3A_243, %swap3A_244] : memref<8x128xi32, #tpu.memory_space<vmem>>, vector<1x128xi32>
      tpu.vector_store %arg11[%swap3A_243, %swap3A_244], %convert_element_type3A_242 {strides = array<i32>} : memref<8x128xi32, #tpu.memory_space<vmem>>, vector<1x128xi32>,
      %convert_element_type3A_246 = arith.fptosi %select_n3A_233 : vector<1x128xf32> to vector<1x128xi32>
      %swap3A_247 = arith.constant 2 : index
      %swap3A_248 = arith.constant 0 : index
      %swap3A_249 = vector.load %arg11[%swap3A_247, %swap3A_248] : memref<8x128xi32, #tpu.memory_space<vmem>>, vector<1x128xi32>
      tpu.vector_store %arg11[%swap3A_247, %swap3A_248], %convert_element_type3A_246 {strides = array<i32>} : memref<8x128xi32, #tpu.memory_space<vmem>>, vector<1x128xi32>,
      %convert_element_type3A_250 = arith.fptosi %select_n3A_237 : vector<1x128xf32> to vector<1x128xi32>
      %swap3A_251 = arith.constant 3 : index
      %swap3A_252 = arith.constant 0 : index
      %swap3A_253 = vector.load %arg11[%swap3A_251, %swap3A_252] : memref<8x128xi32, #tpu.memory_space<vmem>>, vector<1x128xi32>
      tpu.vector_store %arg11[%swap3A_251, %swap3A_252], %convert_element_type3A_250 {strides = array<i32>} : memref<8x128xi32, #tpu.memory_space<vmem>>, vector<1x128xi32>,
      %convert_element_type3A_254 = arith.fptosi %sub3A_109 : vector<1x128xf32> to vector<1x128xi32>
      %swap3A_255 = arith.constant 4 : index
      %swap3A_256 = arith.constant 0 : index
      %swap3A_257 = vector.load %arg11[%swap3A_255, %swap3A_256] : memref<8x128xi32, #tpu.memory_space<vmem>>, vector<1x128xi32>
      tpu.vector_store %arg11[%swap3A_255, %swap3A_256], %convert_element_type3A_254 {strides = array<i32>} : memref<8x128xi32, #tpu.memory_space<vmem>>, vector<1x128xi32>,
      %convert_element_type3A_258 = arith.fptosi %get3A_87 : vector<1x128xf32> to vector<1x128xi32>
      %swap3A_259 = arith.constant 5 : index
      %swap3A_260 = arith.constant 0 : index
      %swap3A_261 = vector.load %arg11[%swap3A_259, %swap3A_260] : memref<8x128xi32, #tpu.memory_space<vmem>>, vector<1x128xi32>
      tpu.vector_store %arg11[%swap3A_259, %swap3A_260], %convert_element_type3A_258 {strides = array<i32>} : memref<8x128xi32, #tpu.memory_space<vmem>>, vector<1x128xi32>,
      %broadcast_in_dim3A_262 = arith.constant 0 : i32
      %broadcast_in_dim3A_263 = vector.broadcast %broadcast_in_dim3A_262 : i32 to vector<2x128xi32>
      %swap3A_264 = arith.constant 6 : index
      %swap3A_265 = arith.constant 0 : index
      %swap3A_266 = vector.load %arg11[%swap3A_264, %swap3A_265] : memref<8x128xi32, #tpu.memory_space<vmem>>, vector<2x128xi32>
      tpu.vector_store %arg11[%swap3A_264, %swap3A_265], %broadcast_in_dim3A_263 {strides = array<i32>} : memref<8x128xi32, #tpu.memory_space<vmem>>, vector<2x128xi32>,
      %div3A_267 = arith.constant 4.096000e+03 : f32
      %div3A_268 = vector.broadcast %div3A_267 : f32 to vector<1x128xf32>
      %div3A_269 = arith.divf %get3A_87, %div3A_268 : vector<1x128xf32>
      %div3A_270 = arith.constant 4.096000e+03 : f32
      %div3A_271 = vector.broadcast %div3A_270 : f32 to vector<1x128xf32>
      %div3A_272 = arith.divf %get3A_90, %div3A_271 : vector<1x128xf32>
      %mul3A_273 = arith.mulf %div3A_272, %div3A_269 : vector<1x128xf32>
      %reduce_sum3A_274 = vector.shape_cast %mul3A_273 : vector<1x128xf32> to vector<1x1x128xf32>
      %reduce_sum3A_275 = arith.constant dense<0.000000e+00> : vector<1xf32>
      %reduce_sum3A_276 = vector.multi_reduction <add>, %reduce_sum3A_274, %reduce_sum3A_275 [1, 2] : vector<1x1x128xf32> to vector<1xf32>
      %reduce_sum3A_277 = vector.shape_cast %reduce_sum3A_276 : vector<1xf32> to vector<1x1x1xf32>
      %reduce_sum3A_278 = vector.extract %reduce_sum3A_277[0, 0, 0] : f32 from vector<1x1x1xf32>
      %mul3A_279 = arith.constant 8.000000e+00 : f32
      %mul3A_280 = arith.mulf %mul3A_279, %reduce_sum3A_278 : f32
      %broadcast_in_dim3A_281 = vector.broadcast %mul3A_280 : f32 to vector<1x128xf32>
      %swap3A_282 = arith.constant 0 : index
      %swap3A_283 = arith.constant 0 : index
      %swap3A_284 = vector.load %arg12[%swap3A_282, %swap3A_283] : memref<1x128xf32, #tpu.memory_space<vmem>>, vector<1x128xf32>
      tpu.vector_store %arg12[%swap3A_282, %swap3A_283], %broadcast_in_dim3A_281 {strides = array<i32>} : memref<1x128xf32, #tpu.memory_space<vmem>>, vector<1x128xf32>,
    } else {
    }
    return
  }
  func.func @transform_0(%arg0: i32) -> (i32, i32) {
    %c0_i32 = arith.constant 0 : i32
    %c0_i32_0 = arith.constant 0 : i32
    return %arg0, %c0_i32 : i32, i32
  }
  func.func @transform_1(%arg0: i32) -> (i32, i32) {
    %c0_i32 = arith.constant 0 : i32
    %c0_i32_0 = arith.constant 0 : i32
    %c0_i32_1 = arith.constant 0 : i32
    return %c0_i32, %c0_i32_0 : i32, i32
  }
  func.func @transform_2(%arg0: i32) -> (i32, i32) {
    %c0_i32 = arith.constant 0 : i32
    %c0_i32_0 = arith.constant 0 : i32
    %c0_i32_1 = arith.constant 0 : i32
    return %c0_i32, %c0_i32_0 : i32, i32
  }
  func.func @transform_3(%arg0: i32) -> (i32, i32) {
    %c0_i32 = arith.constant 0 : i32
    %c0_i32_0 = arith.constant 0 : i32
    %c0_i32_1 = arith.constant 0 : i32
    return %c0_i32, %c0_i32_0 : i32, i32
  }
  func.func @transform_4(%arg0: i32) -> (i32, i32) {
    %c0_i32 = arith.constant 0 : i32
    %c0_i32_0 = arith.constant 0 : i32
    %c0_i32_1 = arith.constant 0 : i32
    return %c0_i32, %c0_i32_0 : i32, i32
  }
  func.func @transform_5(%arg0: i32) -> (i32, i32) {
    %c0_i32 = arith.constant 0 : i32
    %c0_i32_0 = arith.constant 0 : i32
    %c0_i32_1 = arith.constant 0 : i32
    return %c0_i32, %c0_i32_0 : i32, i32
  }
  func.func @transform_6(%arg0: i32) -> (i32, i32) {
    %c0_i32 = arith.constant 0 : i32
    %c0_i32_0 = arith.constant 0 : i32
    %c0_i32_1 = arith.constant 0 : i32
    return %c0_i32, %c0_i32_0 : i32, i32
  }
  func.func @transform_7(%arg0: i32) -> i32 {
    %c0_i32 = arith.constant 0 : i32
    return %arg0 : i32
  }
  func.func @transform_8(%arg0: i32) -> i32 {
    %c0_i32 = arith.constant 0 : i32
    return %arg0 : i32
  }
  func.func @transform_9(%arg0: i32) -> (i32, i32) {
    %c0_i32 = arith.constant 0 : i32
    %c0_i32_0 = arith.constant 0 : i32
    return %arg0, %c0_i32 : i32, i32
  }
  func.func @transform_10(%arg0: i32) -> (i32, i32) {
    %c0_i32 = arith.constant 0 : i32
    %c0_i32_0 = arith.constant 0 : i32
    %c0_i32_1 = arith.constant 0 : i32
    return %c0_i32, %c0_i32_0 : i32, i32
  }
  func.func @transform_11(%arg0: i32) -> (i32, i32) {
    %c0_i32 = arith.constant 0 : i32
    %c0_i32_0 = arith.constant 0 : i32
    %c0_i32_1 = arith.constant 0 : i32
    return %c0_i32, %c0_i32_0 : i32, i32
  }
}

</mosaic_0001>

<sc_bundles>
// kernel: kernel.6.cloned.1.call-start
scs
__scs_entry_jumppad:
0x0: {  	(pc) =	sbr.rel $0x88, $3  }
0x1: {  	(tag) =	ssettag $0x0;
	lr =	simm.s32 $0x1  }
0x2: {  	[smem:$0x3F9D] =	sst lr;
	_ =	strace $0xD0000000  }
0x3: {  	_ = 	snop  }
0x4: {  	_ = 	snop  }
0x5: {  	_ = 	snop  }
0x6: {  	_ = 	snop  }
0x7: {  	_ = 	snop  }
__scs_overlays_trampoline_lowered:
0x8: {  	[smem:$0x3FAC] =	sst s0  }
0x9: {  	[smem:$0x3FAD] =	sst s1  }
0xa: {  	[smem:$0x3FAE] =	sst s2  }
0xb: {  	[smem:$0x3FAF] =	sst s3  }
0xc: {  	[smem:$0x3FB0] =	sst s4  }
0xd: {  	[smem:$0x3FB1] =	sst s5  }
0xe: {  	[smem:$0x3FB2] =	sst s6  }
0xf: {  	[smem:$0x3FB3] =	sst s7  }
0x10: {  	[smem:$0x3FB4] =	sst s8  }
0x11: {  	[smem:$0x3FB5] =	sst s9;
	s0 =	simm.s32 @!p0 $0x0  }
0x12: {  	s1 =	sld [smem:$0x3F9B];
	s0 =	simm.s32 @p0 $0x1  }
0x13: {  	[smem:$0x3FB6] =	sst s0;
	s0 =	simm.s32 @!p1 $0x0  }
0x14: {  	s2 =	sld [smem:$0x3F9A];
	s0 =	simm.s32 @p1 $0x1  }
0x15: {  	[smem:$0x3FB7] =	sst s0;
	s0 =	simm.s32 @!p2 $0x0  }
0x16: {  	s3 =	sld [smem:$0x3FDB];
	s0 =	simm.s32 @p2 $0x1  }
0x17: {  	s4 =	simm.s32 $0x1BF5;
	[smem:$0x3FB9] =	sst s0  }
0x18: {  	s0 =	sld [smem:$0x3F9C];
	_ =	swait.ge [sflag:s4], $0x0  }
0x19: {  	s7 =	sld [smem:$0x3F9D]  }
0x1a: {  	s8 =	sadd.s32 $0xFFFFE003, lr  }
0x1b: {  	s9 =	sadd.s32 $0xFFFFFEF7, lr;
	s5 =	simm.s32 $0xFFFFFFFF;
	p2 =	slt.u32 s8, $0xFFFFF086  }
0x1c: {  	p1 =	slt.u32 s9, $0xF7A;
	s5 =	simm.s32 @!p2 $0x0  }
0x1d: {  	s5 =	simm.s32 @p1 $0x1;
	p0 =	seq.s32 s7, s2  }
0x1e: {  	s7 =	smul.u32 @!p0 $0xF7A, s2;
	p2 =	seq.s32 @!p0 s5, $0x0  }
0x1f: {  	s9 =	smul.u32 $0xF7A, s1;
	s8 =	simm.s32 @!p0 $0x1BF5;
	p2 =	por !p2, p0  }
0x20: {  	[sflag:s8] =	ssyncset.s32 @!p0 $0xFFFFF086;
	s6 =	sadd.s32 @!p0 s3, s7;
	s7 =	simm.s32 @!p0 $0x108  }
0x21: {  	s3 =	sadd.s32 s3, s9;
	s6 =	sadd.s32 @!p0 $0x88, s6;
	s7 =	simm.s32 @p2 $0x1082  }
0x22: {  	[simem:s7], [sflag:s8] =	dma.local @!p0 [hbm:s6], $0xF7A  }
0x23: {  	s9 =	sor.u32 $0xD0000000, s2;
	s6 =	simm.s32 $0x108;
	_ =	swait.ge @!p0 [sflag:s8], $0x0  }
0x24: {  	s3 =	sadd.s32 $0x88, s3;
	s6 =	simm.s32 @!p1 $0x1082;
	[sflag:s4] =	ssyncset.s32 $0xFFFFF086  }
0x25: {  	[simem:s6], [sflag:s4] =	dma.local [hbm:s3], $0xF7A  }
0x26: {  	[smem:$0x3F9D] =	sst s1;
	(tag) =	ssettag s2;
	_ =	strace s9  }
0x27: {  	s1 =	sld [smem:$0x3FAD]  }
0x28: {  	s2 =	sld [smem:$0x3FAE]  }
0x29: {  	s4 =	sld [smem:$0x3FB0]  }
0x2a: {  	p0 =	seq.s32 s5, $0x0;
	s5 =	sld [smem:$0x3FB1]  }
0x2b: {  	s6 =	sld [smem:$0x3FB2]  }
0x2c: {  	s7 =	sld [smem:$0x3FB3]  }
0x2d: {  	s3 =	simm.s32 $0x108;
	s8 =	sld [smem:$0x3FB4]  }
0x2e: {  	s3 =	simm.s32 @!p0 $0x1082;
	s9 =	sld [smem:$0x3FB5]  }
0x2f: {  	lr =	sadd.s32 s0, s3;
	s0 =	sld [smem:$0x3FAC]  }
0x30: {  	s3 =	sld [smem:$0x3FAF]  }
0x31: {  	[smem:$0x3FB8] =	sst s10  }
0x32: {  	s10 =	sld [smem:$0x3FB6];
	_ =	sdelay $0x3  }
0x33: {  	p0 =	seq.s32 s10, $0x1;
	s10 =	sld [smem:$0x3FB8];
	_ =	sdelay $0x3  }
0x34: {  	[smem:$0x3FB8] =	sst s10  }
0x35: {  	s10 =	sld [smem:$0x3FB7];
	_ =	sdelay $0x3  }
0x36: {  	p1 =	seq.s32 s10, $0x1;
	s10 =	sld [smem:$0x3FB8];
	_ =	sdelay $0x3  }
0x37: {  	[smem:$0x3FB8] =	sst s10  }
0x38: {  	s10 =	sld [smem:$0x3FB9]  }
0x39: {  	_ = 	snop;
	(pc) =	sbr.ind lr, $3  }
0x3a: {  	_ = 	snop  }
0x3b: {  	_ = 	snop  }
0x3c: {  	p2 =	seq.s32 s10, $0x1;
	s10 =	sld [smem:$0x3FB8]  }
0x3d: {  	_ =	shalt  }
0x3e: {  	_ =	shalt  }
0x3f: {  	_ =	shalt  }
0x40: {  	_ =	shalt  }
0x41: {  	_ =	shalt  }
0x42: {  	_ =	shalt  }
0x43: {  	_ =	shalt  }
0x44: {  	_ =	shalt  }
0x45: {  	_ =	shalt  }
0x46: {  	_ =	shalt  }
0x47: {  	_ =	shalt  }
0x48: {  	_ =	shalt  }
0x49: {  	_ =	shalt  }
0x4a: {  	_ =	shalt  }
0x4b: {  	_ =	shalt  }
0x4c: {  	_ =	shalt  }
0x4d: {  	_ =	shalt  }
0x4e: {  	_ =	shalt  }
0x4f: {  	_ =	shalt  }
0x50: {  	_ =	shalt  }
0x51: {  	_ =	shalt  }
0x52: {  	_ =	shalt  }
0x53: {  	_ =	shalt  }
0x54: {  	_ =	shalt  }
0x55: {  	_ =	shalt  }
0x56: {  	_ =	shalt  }
0x57: {  	_ =	shalt  }
0x58: {  	_ =	shalt  }
0x59: {  	_ =	shalt  }
0x5a: {  	_ =	shalt  }
0x5b: {  	_ =	shalt  }
0x5c: {  	_ =	shalt  }
0x5d: {  	_ =	shalt  }
0x5e: {  	_ =	shalt  }
0x5f: {  	_ =	shalt  }
0x60: {  	_ =	shalt  }
0x61: {  	_ =	shalt  }
0x62: {  	_ =	shalt  }
0x63: {  	_ =	shalt  }
0x64: {  	_ =	shalt  }
0x65: {  	_ =	shalt  }
0x66: {  	_ =	shalt  }
0x67: {  	_ =	shalt  }
0x68: {  	_ =	shalt  }
0x69: {  	_ =	shalt  }
0x6a: {  	_ =	shalt  }
0x6b: {  	_ =	shalt  }
0x6c: {  	_ =	shalt  }
0x6d: {  	_ =	shalt  }
0x6e: {  	_ =	shalt  }
0x6f: {  	_ =	shalt  }
0x70: {  	_ =	shalt  }
0x71: {  	_ =	shalt  }
0x72: {  	_ =	shalt  }
0x73: {  	_ =	shalt  }
0x74: {  	_ =	shalt  }
0x75: {  	_ =	shalt  }
0x76: {  	_ =	shalt  }
0x77: {  	_ =	shalt  }
0x78: {  	_ =	shalt  }
0x79: {  	_ =	shalt  }
0x7a: {  	_ =	shalt  }
0x7b: {  	_ =	shalt  }
0x7c: {  	_ =	shalt  }
0x7d: {  	_ =	shalt  }
0x7e: {  	_ =	shalt  }
0x7f: {  	_ =	shalt  }
0x80: {  	_ =	shalt  }
0x81: {  	_ =	shalt  }
0x82: {  	_ =	shalt  }
0x83: {  	_ =	shalt  }
0x84: {  	_ =	shalt  }
0x85: {  	_ =	shalt  }
0x86: {  	_ =	shalt  }
0x87: {  	_ =	shalt  }
.Lfunc_end0:
.L_simem_size_0:
called_computation_lowered:
.L_overlay_start_0:
0x88: {  	s2 =	sld [smem:$0x3FD9]  }
0x89: {  	s3 =	sld [smem:$0x3FFE];
	_ =	sdelay $0x1  }
0x8a: {  	s1 =	srdreg.scid  }
0x8b: {  	s0 =	sand.u32 $0x1, s1  }
0x8c: {  	s14 =	sshll.u32 s0, $0xA;
	s2 =	sadd.s32 s3, s2  }
0x8d: {  	s2 =	sadd.s32 s2, s14  }
0x8e: {  	[smem:$0x3FC4] =	sst s2  }
0x8f: {  	_ = 	snop  }
0x90: {  	s2 =	sld [smem:$0x3FD0];
	_ =	sdelay $0x2  }
0x91: {  	s4 =	simm.s32 $0xA;
	s5 =	simm.s32 $0x10;
	s15 =	sld [smem:$0x3FC9]  }
0x92: {  	[smem:s5], [sflag:s4] =	dma.local [hbm:s2], $0x1  }
0x93: {  	_ =	swait.eq [sflag:s4], $0x1  }
0x94: {  	[sflag:s4] =	ssyncset.done $0x0  }
0x95: {  	[sflag:s4] =	ssyncadd.s32 $0xFFFFFFFF  }
0x96: {  	s16 =	sld [smem:$0x10];
	(tm) =	ssettm $0x1  }
0x97: {  	s17 =	sld [smem:$0x3FFB];
	_ =	sdelay $0x3  }
0x98: {  	_ =	strace s17  }
0x99: {  	s4 =	sld [smem:$0x3FFC];
	_ =	sdelay $0x3  }
0x9a: {  	_ =	strace s4  }
0x9b: {  	s4 =	sld [smem:$0x3FFD];
	_ =	sdelay $0x3  }
0x9c: {  	_ =	strace s4  }
0x9d: {  	_ =	strace $0x8FFFFFFF  }
0x9e: {  	s18 =	sld [smem:$0x3FDB];
	_ =	sdelay $0x1  }
0x9f: {  	s19 =	simm.s32 $_scs_section_size  }
0xa0: {  	s6 =	simm.s32 $_size__tile_overlayer_lowered;
	s7 =	simm.s32 $_tile_overlayer_lowered  }
0xa1: {  	s22 =	simm.s32 $0x1BFF;
	s21 =	sshll.u32 s7, $0x1;
	s4 =	sadd.s32 s19, s18  }
0xa2: {  	s8 =	simm.s32 $0x0;
	s20 =	sshll.u32 s6, $0x1;
	s6 =	sadd.s32 s21, s4  }
0xa3: {  	[timem:s8], [sflag:s22] =	dma.local [hbm:s6], s20  }
0xa4: {  	_ =	swait.ge [sflag:s22], s20  }
0xa5: {  	s5 =	ssub.s32 $0x0, s20;
	[sflag:s22] =	ssyncset.done $0x0  }
0xa6: {  	[sflag:s22] =	ssyncadd.s32 s5;
	_ =	sdelay $0x1  }
0xa7: {  	s23 =	simm.s32 $0x1B8B  }
0xa8: {  	_ =	swait.ge [sflag:s23], $0x1  }
0xa9: {  	[sflag:s23] =	ssyncset.done $0x0  }
0xaa: {  	s25 =	simm.s32 $0x1B8E;
	s24 =	sld [smem:$0x3FFE];
	[sflag:s23] =	ssyncadd.s32 $0xFFFFFFFF  }
0xab: {  	s26 =	simm.s32 $execute0_lowered;
	[smem:$0x3FD2] =	sst s25  }
0xac: {  	s6 =	sshll.u32 s26, $0x1;
	_ =	strace $0x80000046;
	[dreg:$0x1] =	wrdreg $0xFFFFFFFF  }
0xad: {  	s28 =	simm.s32 $_size_execute0_lowered;
	s4 =	sadd.s32 s4, s6;
	[dreg:$0x0] =	wrdreg $0x0  }
0xae: {  	s6 =	sshll.u32 s28, $0x1;
	[dreg:$0x2] =	wrdreg s4  }
0xaf: {  	[dreg:$0x3] =	wrdreg s6  }
0xb0: {  	[dreg:$0x4] =	wrdreg $0xC0  }
0xb1: {  	_ =	task [dreg:s8], $0x5FFFF  }
0xb2: {  	[dreg:$0x1] =	wrdreg $0xFFFFFFFF  }
0xb3: {  	[dreg:$0x0] =	wrdreg $0x60  }
0xb4: {  	[dreg:$0x2] =	wrdreg s24  }
0xb5: {  	[dreg:$0x3] =	wrdreg s15  }
0xb6: {  	[dreg:$0x4] =	wrdreg s16  }
0xb7: {  	[dreg:$0x5] =	wrdreg $0x9  }
0xb8: {  	_ =	task.clear_ibuf [dreg:s8], $0x6FFFF;
	_ =	strace $0x90000046  }
0xb9: {  	s29 =	simm.s32 $0x9;
	_ =	strace $0x80000048  }
0xba: {  	_ =	swait.ge [sflag:s29], $0x1  }
0xbb: {  	[sflag:s29] =	ssyncadd.s32 $0xFFFFFFFF  }
0xbc: {  	_ =	strace $0x90000048  }
0xbd: {  	_ =	sfence  }
0xbe: {  	s30 =	sld [smem:$0x0];
	_ =	sdelay $0x2  }
0xbf: {  	s31 =	sshll.u32 s1, $0xD;
	s1 =	sshrl.u32 s1, $0x2  }
0xc0: {  	s3 =	sand.u32 $0x4000, s31;
	s1 =	sadd.s32 s1, s30  }
0xc1: {  	s0 =	sor.u32 s3, s0;
	s1 =	sshll.u32 s1, $0x11  }
0xc2: {  	s0 =	sor.u32 s1, s0  }
0xc3: {  	s0 =	sadd.s32 $0x8F2B, s0  }
0xc4: {  	[sflag:s0] =	ssyncadd.remote.s32 $0x1  }
0xc5: {  	_ =	sfence.sel $0xFFFF  }
0xc6: {  	[dreg:$0x0] =	wrdreg $0xFFFFFFFF;
	(pc) =	sbr.abs _section_cstart, $3  }
0xc7: {  	[dreg:$0x1] =	wrdreg $0xFFFFFFFF  }
0xc8: {  	_ =	task.clear_ibuf [dreg:s8], $0x2FFFF;
	_ =	strace $0x9FFFFFFF  }
0xc9: {  	(tm) =	ssettm $0x7FFFFFFF  }
tec
execute0_lowered:
.L_overlay_start_1:
0x0: {  	(tag) =	ssettag $0x1  }
0x1: {  	s0 =	rddreg [dreg:$0x0]  }
0x2: {  	s1 =	srdreg.scid;
	s7 =	rddreg [dreg:$0x1]  }
0x3: {  	s3 =	stileid.u32;
	s2 =	rddreg [dreg:$0x2];
	s22 =	simm.s32 $0x80  }
0x4: {  	s23 =	simm.s32 $0x180;
	s24 =	simm.s32 $0x200;
	s25 =	simm.s32 $0x280  }
0x5: {  	s28 =	simm.s32 $0xB80;
	s4 =	sshll.u32 s3, $0x8;
	s3 =	simm.s32 $0x0  }
0x6: {  	s29 =	simm.s32 $0x1380;
	s6 =	sadd.s32 $0x12000, s0;
	[smem:$0x7FF] =	sst s3  }
0x7: {  	s30 =	simm.s32 $0x1B80;
	_ =	strace $0x80000047;
	[dreg:$0x4] =	wrdreg s6  }
0x8: {  	s31 =	simm.s32 $0x2380;
	s1 =	sand.u32 $0x1, s1;
	[dreg:$0xf] =	wrdreg s22  }
0x9: {  	s9 =	sadd.s32 $0x1C00, s0;
	s5 =	sshll.u32 s1, $0x7;
	[dreg:$0x10] =	wrdreg s23  }
0xa: {  	s1 =	ssub.s32 $0x2, s1;
	s4 =	sor.u32 s5, s4;
	[dreg:$0x11] =	wrdreg s24  }
0xb: {  	s15 =	sshrl.u32 s1, $0x1;
	s5 =	sadd.s32 $0x100, s2;
	[dreg:$0x12] =	wrdreg s25  }
0xc: {  	s22 =	simm.s32 $0x6B80;
	s23 =	simm.s32 $0x7380;
	s24 =	simm.s32 $0x7B80  }
0xd: {  	s8 =	sshrl.u32 s4, $0x3;
	s11 =	sshll.u32 s4, $0x7;
	s4 =	sshll.u32 s4, $0x4  }
0xe: {  	s1 =	ssub.s32 s1, s15;
	s26 =	sadd.s32 s8, s0;
	s6 =	sadd.s32 s7, s11  }
0xf: {  	s10 =	sor.u32 $0x4, s8;
	s4 =	sadd.s32 s9, s4;
	s0 =	sadd.s32 $0x12200, s0  }
0x10: {  	s17 =	sor.u32 $0x8, s8;
	s8 =	sor.u32 $0xC, s8;
	[dreg:$0x5] =	wrdreg s6  }
0x11: {  	s12 =	sshll.u32 s10, $0xA;
	[dreg:$0x6] =	wrdreg s4;
	s10 =	sshll.u32 s10, $0x7  }
0x12: {  	[dreg:$0x14] =	wrdreg s0;
	s14 =	sadd.s32 $0x11C00, s26;
	s16 =	sadd.s32 $0x11E00, s26  }
0x13: {  	s18 =	sshll.u32 s17, $0xA;
	s0 =	sshll.u32 s17, $0x7;
	[dreg:$0x9] =	wrdreg s14  }
0x14: {  	s19 =	sshll.u32 s8, $0xA;
	s26 =	simm.s32 $0x300;
	[dreg:$0xa] =	wrdreg s16  }
0x15: {  	s8 =	sshll.u32 s8, $0x7;
	s6 =	sadd.s32 s7, s12;
	[dreg:$0x13] =	wrdreg s26  }
0x16: {  	s4 =	simm.s32 $0x20;
	s13 =	sadd.s32 s9, s10;
	[dreg:$0x7] =	wrdreg s6  }
0x17: {  	s10 =	sadd.s32 s7, s18;
	s0 =	sadd.s32 s9, s0;
	[dreg:$0x8] =	wrdreg s13  }
0x18: {  	s20 =	sadd.s32 s7, s19;
	s7 =	sadd.s32 $0x300, s2;
	[dreg:$0xb] =	wrdreg s10  }
0x19: {  	s21 =	sadd.s32 s9, s8;
	s8 =	smax.u32 s1, $0x1;
	[dreg:$0xc] =	wrdreg s0  }
0x1a: {  	v2 =	vlaneseq.u32;
	s18 =	simm.s32 $0x9;
	s14 =	simm.s32 $0x100;
	[dreg:$0xd] =	wrdreg s20  }
0x1b: {  	vm0 =	vmmov $0xffff;
	v1 =	vshrl.u32 v2, $0x3;
	s19 =	simm.s32 $0x3380;
	s6 =	sadd.s32 $0x200, s2;
	[dreg:$0xe] =	wrdreg s21  }
0x1c: {  	v0 =	vand.u32 $0x7, v2;
	v2 =	vor.u32 $0x8, v2;
	v1 =	vmul.u32 $0x8, v1;
	s20 =	simm.s32 $0x3B80;
	s21 =	simm.s32 $0x6380;
	s13 =	simm.s32 $0x6  }
.LBB2_1:
0x1d: {  	s25 =	rddreg [dreg:$0x5];
	s10 =	simm.s32 $0x380  }
0x1e: {  	[tilespmem:s10], [sflag:$0x1] =	stream.linear.gather [hbm4b:s25+s3], $0x8000, $0x38;
	[tilespmem:$0x12380] =	vst v63  }
0x1f: {  	s26 =	rddreg [dreg:$0x6];
	s0 =	simm.s32 $0x10380  }
0x20: {  	[tilespmem:s0], [sflag:$0x5] =	stream.linear.gather [hbm4b:s26+s3], $0x1000, $0x38;
	[tilespmem:$0x12380] =	vst v63  }
0x21: {  	s15 =	rddreg [dreg:$0x7];
	s17 =	simm.s32 $0x8380  }
0x22: {  	[tilespmem:s17], [sflag:$0x2] =	stream.linear.gather [hbm4b:s15+s3], $0x8000, $0x38;
	[tilespmem:$0x12380] =	vst v63  }
0x23: {  	s16 =	rddreg [dreg:$0x8];
	s9 =	simm.s32 $0x11380  }
0x24: {  	[tilespmem:s9], [sflag:$0x6] =	stream.linear.gather [hbm4b:s16+s3], $0x1000, $0x38;
	[tilespmem:$0x12380] =	vst v63  }
0x25: {  	s1 =	rddreg [dreg:$0x9]  }
0x26: {  	[tilespmem:s3], [sflag:$0x9] =	stream.linear.gather [hbm4b:s1+s3], $0x80, $0x38;
	[tilespmem:$0x12380] =	vst v63  }
0x27: {  	_ =	swait.ge [sflag:s18], $0x80  }
0x28: {  	s12 =	rddreg [dreg:$0xa];
	[sflag:s18] =	ssyncset.done $0x0  }
0x29: {  	s15 =	rddreg [dreg:$0xf];
	[sflag:s18] =	ssyncadd.s32 $0xFFFFFF80  }
0x2a: {  	[tilespmem:s15], [sflag:$0x9] =	stream.linear.gather [hbm4b:s12+s3], $0x80, $0x38;
	[tilespmem:$0x12380] =	vst v63  }
0x2b: {  	_ =	swait.ge [sflag:s18], $0x80  }
0x2c: {  	[sflag:s18] =	ssyncset.done $0x0  }
0x2d: {  	s16 =	rddreg [dreg:$0x4];
	[sflag:s18] =	ssyncadd.s32 $0xFFFFFF80  }
0x2e: {  	[tilespmem:s14], [sflag:$0x9] =	stream.linear.gather [hbm4b:s16+s3], $0x80, $0x38;
	[tilespmem:$0x12380] =	vst v63  }
0x2f: {  	_ =	swait.ge [sflag:s18], $0x80  }
0x30: {  	[sflag:s18] =	ssyncset.done $0x0  }
0x31: {  	[sflag:s18] =	ssyncadd.s32 $0xFFFFFF80  }
0x32: {  	v3 =	vld [tilespmem:$0x0];
	_ =	sdelay $0x5  }
0x33: {  	v4 =	vld [tilespmem:$0x10]  }
0x34: {  	v5 =	vld [tilespmem:$0x80]  }
0x35: {  	v3 =	vld.idx.msk [tilespmem:v3+s14+$0x0], $0xffff;
	_ =	sdelay $0x4  }
0x36: {  	v43 =	vld [tilespmem:$0x20];
	v3 =	vadd.s32 v3, v5  }
0x37: {  	v6 =	vld [tilespmem:$0x90];
	[tilespmem:$0x180] =	vst v3  }
0x38: {  	v4 =	vld.idx.msk [tilespmem:v4+s14+$0x0], $0xffff;
	_ =	sdelay $0x4  }
0x39: {  	v44 =	vld [tilespmem:$0x30];
	v4 =	vadd.s32 v4, v6  }
0x3a: {  	v45 =	vld [tilespmem:$0xA0];
	[tilespmem:$0x190] =	vst v4  }
0x3b: {  	v4 =	vld.idx.msk [tilespmem:v43+s14+$0x0], $0xffff;
	_ =	sdelay $0x4  }
0x3c: {  	v46 =	vld [tilespmem:$0x40];
	v4 =	vadd.s32 v4, v45  }
0x3d: {  	v47 =	vld [tilespmem:$0xB0];
	[tilespmem:$0x200] =	vst v4  }
0x3e: {  	v4 =	vld.idx.msk [tilespmem:v44+s14+$0x0], $0xffff;
	_ =	sdelay $0x4  }
0x3f: {  	v48 =	vld [tilespmem:$0x50];
	v4 =	vadd.s32 v4, v47  }
0x40: {  	v49 =	vld [tilespmem:$0xC0];
	[tilespmem:$0x210] =	vst v4  }
0x41: {  	v4 =	vld.idx.msk [tilespmem:v46+s14+$0x0], $0xffff;
	_ =	sdelay $0x4  }
0x42: {  	v50 =	vld [tilespmem:$0x60];
	v4 =	vadd.s32 v4, v49  }
0x43: {  	v51 =	vld [tilespmem:$0xD0];
	[tilespmem:$0x280] =	vst v4  }
0x44: {  	v4 =	vld.idx.msk [tilespmem:v48+s14+$0x0], $0xffff;
	_ =	sdelay $0x4  }
0x45: {  	v52 =	vld [tilespmem:$0x70];
	v4 =	vadd.s32 v4, v51  }
0x46: {  	v53 =	vld [tilespmem:$0xE0];
	[tilespmem:$0x290] =	vst v4  }
0x47: {  	v4 =	vld.idx.msk [tilespmem:v50+s14+$0x0], $0xffff;
	_ =	sdelay $0x4  }
0x48: {  	v4 =	vadd.s32 v4, v53  }
0x49: {  	v54 =	vld [tilespmem:$0xF0];
	[tilespmem:$0x300] =	vst v4  }
0x4a: {  	v4 =	vld.idx.msk [tilespmem:v52+s14+$0x0], $0xffff;
	_ =	sdelay $0x2  }
0x4b: {  	v55 =	vshll.u32 v3, $0x3  }
0x4c: {  	v3 =	vand.u32 $0x7, v3;
	v6 =	vand.u32 $0xFFFFFFC0, v55  }
0x4d: {  	v3 =	vor.u32 v3, v6;
	v4 =	vadd.s32 v4, v54  }
0x4e: {  	s16 =	simm.s32 $0x1;
	v56 =	vperm.xlane v3, v0;
	[tilespmem:$0x310] =	vst v4  }
0x4f: {  	_ =	swait.ge [sflag:s16], $0x8000  }
0x50: {  	v4 =	vadd.s32 v1, v56;
	[sflag:s16] =	ssyncset.done $0x0  }
0x51: {  	s0 =	simm.s32 $0x5;
	[sflag:s16] =	ssyncadd.s32 $0xFFFF8000  }
0x52: {  	_ =	swait.ge [sflag:s0], $0x1000  }
0x53: {  	[sflag:s0] =	ssyncset.done $0x0  }
0x54: {  	[sflag:s0] =	ssyncadd.s32 $0xFFFFF000  }
0x55: {  	[hbm4b:s2+s3] =	stream.indirect_vreg.scatter [tilespmem:s10], [sflag:$0x3], $0x80, v4, vm0, $0xb8;
	[tilespmem:$0x12380] =	vst v63  }
0x56: {  	v3 =	vperm.xlane v3, v2  }
0x57: {  	[hbm4b:s5+s3] =	stream.indirect_vreg.scatter [tilespmem:s28], [sflag:$0x3], $0x80, v4, vm0, $0xb8;
	[tilespmem:$0x12380] =	vst v63  }
0x58: {  	v3 =	vadd.s32 v1, v3  }
0x59: {  	[hbm4b:s6+s3] =	stream.indirect_vreg.scatter [tilespmem:s29], [sflag:$0x3], $0x80, v4, vm0, $0xb8;
	[tilespmem:$0x12380] =	vst v63  }
0x5a: {  	_ = 	snop  }
0x5b: {  	[hbm4b:s7+s3] =	stream.indirect_vreg.scatter [tilespmem:s30], [sflag:$0x3], $0x80, v4, vm0, $0xb8;
	[tilespmem:$0x12380] =	vst v63  }
0x5c: {  	_ = 	snop  }
0x5d: {  	[hbm4b:s2+s3] =	stream.indirect_vreg.scatter [tilespmem:s31], [sflag:$0x3], $0x80, v3, vm0, $0xb8;
	[tilespmem:$0x12380] =	vst v63  }
0x5e: {  	s1 =	simm.s32 $0x2B80  }
0x5f: {  	[hbm4b:s5+s3] =	stream.indirect_vreg.scatter [tilespmem:s1], [sflag:$0x3], $0x80, v3, vm0, $0xb8;
	[tilespmem:$0x12380] =	vst v63  }
0x60: {  	_ = 	snop  }
0x61: {  	[hbm4b:s6+s3] =	stream.indirect_vreg.scatter [tilespmem:s19], [sflag:$0x3], $0x80, v3, vm0, $0xb8;
	[tilespmem:$0x12380] =	vst v63  }
0x62: {  	_ = 	snop  }
0x63: {  	[hbm4b:s7+s3] =	stream.indirect_vreg.scatter [tilespmem:s20], [sflag:$0x3], $0x80, v3, vm0, $0xb8;
	[tilespmem:$0x12380] =	vst v63  }
0x64: {  	v3 =	vld [tilespmem:$0x190];
	_ =	sdelay $0x4  }
0x65: {  	v57 =	vshll.u32 v3, $0x3  }
0x66: {  	v3 =	vand.u32 $0x7, v3;
	v4 =	vand.u32 $0xFFFFFFC0, v57  }
0x67: {  	v3 =	vor.u32 v3, v4  }
0x68: {  	v4 =	vperm.xlane v3, v0;
	_ =	sdelay $0x1  }
0x69: {  	v4 =	vadd.s32 v1, v4;
	_ =	sdelay $0x3  }
0x6a: {  	s17 =	simm.s32 $0x4380  }
0x6b: {  	[hbm4b:s2+s3] =	stream.indirect_vreg.scatter [tilespmem:s17], [sflag:$0x3], $0x80, v4, vm0, $0xb8;
	[tilespmem:$0x12380] =	vst v63  }
0x6c: {  	s25 =	simm.s32 $0x4B80;
	v3 =	vperm.xlane v3, v2  }
0x6d: {  	[hbm4b:s5+s3] =	stream.indirect_vreg.scatter [tilespmem:s25], [sflag:$0x3], $0x80, v4, vm0, $0xb8;
	[tilespmem:$0x12380] =	vst v63  }
0x6e: {  	v3 =	vadd.s32 v1, v3;
	s17 =	simm.s32 $0x5380  }
0x6f: {  	[hbm4b:s6+s3] =	stream.indirect_vreg.scatter [tilespmem:s17], [sflag:$0x3], $0x80, v4, vm0, $0xb8;
	[tilespmem:$0x12380] =	vst v63  }
0x70: {  	s26 =	simm.s32 $0x5B80  }
0x71: {  	[hbm4b:s7+s3] =	stream.indirect_vreg.scatter [tilespmem:s26], [sflag:$0x3], $0x80, v4, vm0, $0xb8;
	[tilespmem:$0x12380] =	vst v63  }
0x72: {  	_ = 	snop  }
0x73: {  	[hbm4b:s2+s3] =	stream.indirect_vreg.scatter [tilespmem:s21], [sflag:$0x3], $0x80, v3, vm0, $0xb8;
	[tilespmem:$0x12380] =	vst v63  }
0x74: {  	_ = 	snop  }
0x75: {  	[hbm4b:s5+s3] =	stream.indirect_vreg.scatter [tilespmem:s22], [sflag:$0x3], $0x80, v3, vm0, $0xb8;
	[tilespmem:$0x12380] =	vst v63  }
0x76: {  	_ = 	snop  }
0x77: {  	[hbm4b:s6+s3] =	stream.indirect_vreg.scatter [tilespmem:s23], [sflag:$0x3], $0x80, v3, vm0, $0xb8;
	[tilespmem:$0x12380] =	vst v63  }
0x78: {  	s12 =	rddreg [dreg:$0x10]  }
0x79: {  	[hbm4b:s7+s3] =	stream.indirect_vreg.scatter [tilespmem:s24], [sflag:$0x3], $0x80, v3, vm0, $0xb8;
	[tilespmem:$0x12380] =	vst v63  }
0x7a: {  	s15 =	simm.s32 $0x10380;
	s1 =	rddreg [dreg:$0x14]  }
0x7b: {  	[hbm4b:s1+s4] =	stream.indirect.scatter [tilespmem:s15], [sflag:$0x7], $0x80, s12, s4, $0xb8;
	[tilespmem:$0x12380] =	vst v63  }
0x7c: {  	s12 =	simm.s32 $0x2  }
0x7d: {  	_ =	swait.ge [sflag:s12], $0x8000  }
0x7e: {  	[sflag:s12] =	ssyncset.done $0x0  }
0x7f: {  	[sflag:s12] =	ssyncadd.s32 $0xFFFF8000  }
0x80: {  	_ =	swait.ge [sflag:s13], $0x1000  }
0x81: {  	[sflag:s13] =	ssyncset.done $0x0  }
0x82: {  	[sflag:s13] =	ssyncadd.s32 $0xFFFFF000  }
0x83: {  	v3 =	vld [tilespmem:$0x200];
	_ =	sdelay $0x4  }
0x84: {  	v58 =	vshll.u32 v3, $0x3  }
0x85: {  	v3 =	vand.u32 $0x7, v3;
	v4 =	vand.u32 $0xFFFFFFC0, v58  }
0x86: {  	v3 =	vor.u32 v3, v4  }
0x87: {  	v4 =	vperm.xlane v3, v0;
	_ =	sdelay $0x1  }
0x88: {  	v4 =	vadd.s32 v1, v4;
	_ =	sdelay $0x3  }
0x89: {  	s11 =	simm.s32 $0x8380  }
0x8a: {  	[hbm4b:s2+s3] =	stream.indirect_vreg.scatter [tilespmem:s11], [sflag:$0x4], $0x80, v4, vm0, $0xb8;
	[tilespmem:$0x12380] =	vst v63  }
0x8b: {  	s26 =	simm.s32 $0x8B80;
	v3 =	vperm.xlane v3, v2  }
0x8c: {  	[hbm4b:s5+s3] =	stream.indirect_vreg.scatter [tilespmem:s26], [sflag:$0x4], $0x80, v4, vm0, $0xb8;
	[tilespmem:$0x12380] =	vst v63  }
0x8d: {  	s25 =	simm.s32 $0x9380;
	v3 =	vadd.s32 v1, v3  }
0x8e: {  	[hbm4b:s6+s3] =	stream.indirect_vreg.scatter [tilespmem:s25], [sflag:$0x4], $0x80, v4, vm0, $0xb8;
	[tilespmem:$0x12380] =	vst v63  }
0x8f: {  	s26 =	simm.s32 $0x9B80  }
0x90: {  	[hbm4b:s7+s3] =	stream.indirect_vreg.scatter [tilespmem:s26], [sflag:$0x4], $0x80, v4, vm0, $0xb8;
	[tilespmem:$0x12380] =	vst v63  }
0x91: {  	s25 =	simm.s32 $0xA380  }
0x92: {  	[hbm4b:s2+s3] =	stream.indirect_vreg.scatter [tilespmem:s25], [sflag:$0x4], $0x80, v3, vm0, $0xb8;
	[tilespmem:$0x12380] =	vst v63  }
0x93: {  	s26 =	simm.s32 $0xAB80  }
0x94: {  	[hbm4b:s5+s3] =	stream.indirect_vreg.scatter [tilespmem:s26], [sflag:$0x4], $0x80, v3, vm0, $0xb8;
	[tilespmem:$0x12380] =	vst v63  }
0x95: {  	s25 =	simm.s32 $0xB380  }
0x96: {  	[hbm4b:s6+s3] =	stream.indirect_vreg.scatter [tilespmem:s25], [sflag:$0x4], $0x80, v3, vm0, $0xb8;
	[tilespmem:$0x12380] =	vst v63  }
0x97: {  	s26 =	simm.s32 $0xBB80  }
0x98: {  	[hbm4b:s7+s3] =	stream.indirect_vreg.scatter [tilespmem:s26], [sflag:$0x4], $0x80, v3, vm0, $0xb8;
	[tilespmem:$0x12380] =	vst v63  }
0x99: {  	v3 =	vld [tilespmem:$0x210];
	_ =	sdelay $0x4  }
0x9a: {  	v59 =	vshll.u32 v3, $0x3  }
0x9b: {  	v3 =	vand.u32 $0x7, v3;
	v4 =	vand.u32 $0xFFFFFFC0, v59  }
0x9c: {  	v3 =	vor.u32 v3, v4  }
0x9d: {  	v4 =	vperm.xlane v3, v0;
	_ =	sdelay $0x1  }
0x9e: {  	v4 =	vadd.s32 v1, v4;
	_ =	sdelay $0x3  }
0x9f: {  	s25 =	simm.s32 $0xC380  }
0xa0: {  	[hbm4b:s2+s3] =	stream.indirect_vreg.scatter [tilespmem:s25], [sflag:$0x4], $0x80, v4, vm0, $0xb8;
	[tilespmem:$0x12380] =	vst v63  }
0xa1: {  	s26 =	simm.s32 $0xCB80;
	v3 =	vperm.xlane v3, v2  }
0xa2: {  	[hbm4b:s5+s3] =	stream.indirect_vreg.scatter [tilespmem:s26], [sflag:$0x4], $0x80, v4, vm0, $0xb8;
	[tilespmem:$0x12380] =	vst v63  }
0xa3: {  	v3 =	vadd.s32 v1, v3;
	s25 =	simm.s32 $0xD380  }
0xa4: {  	[hbm4b:s6+s3] =	stream.indirect_vreg.scatter [tilespmem:s25], [sflag:$0x4], $0x80, v4, vm0, $0xb8;
	[tilespmem:$0x12380] =	vst v63  }
0xa5: {  	s26 =	simm.s32 $0xDB80  }
0xa6: {  	[hbm4b:s7+s3] =	stream.indirect_vreg.scatter [tilespmem:s26], [sflag:$0x4], $0x80, v4, vm0, $0xb8;
	[tilespmem:$0x12380] =	vst v63  }
0xa7: {  	s25 =	simm.s32 $0xE380  }
0xa8: {  	[hbm4b:s2+s3] =	stream.indirect_vreg.scatter [tilespmem:s25], [sflag:$0x4], $0x80, v3, vm0, $0xb8;
	[tilespmem:$0x12380] =	vst v63  }
0xa9: {  	s26 =	simm.s32 $0xEB80  }
0xaa: {  	[hbm4b:s5+s3] =	stream.indirect_vreg.scatter [tilespmem:s26], [sflag:$0x4], $0x80, v3, vm0, $0xb8;
	[tilespmem:$0x12380] =	vst v63  }
0xab: {  	s25 =	simm.s32 $0xF380  }
0xac: {  	[hbm4b:s6+s3] =	stream.indirect_vreg.scatter [tilespmem:s25], [sflag:$0x4], $0x80, v3, vm0, $0xb8;
	[tilespmem:$0x12380] =	vst v63  }
0xad: {  	s26 =	simm.s32 $0xFB80  }
0xae: {  	[hbm4b:s7+s3] =	stream.indirect_vreg.scatter [tilespmem:s26], [sflag:$0x4], $0x80, v3, vm0, $0xb8;
	[tilespmem:$0x12380] =	vst v63  }
0xaf: {  	s9 =	simm.s32 $0x11380;
	s25 =	rddreg [dreg:$0x11]  }
0xb0: {  	[hbm4b:s1+s4] =	stream.indirect.scatter [tilespmem:s9], [sflag:$0x8], $0x80, s25, s4, $0xb8;
	[tilespmem:$0x12380] =	vst v63  }
0xb1: {  	s9 =	simm.s32 $0x3  }
0xb2: {  	_ =	swait.ge [sflag:s9], $0x8000  }
0xb3: {  	[sflag:s9] =	ssyncset.done $0x0  }
0xb4: {  	s11 =	simm.s32 $0x7;
	[sflag:s9] =	ssyncadd.s32 $0xFFFF8000  }
0xb5: {  	_ =	swait.ge [sflag:s11], $0x1000  }
0xb6: {  	[sflag:s11] =	ssyncset.done $0x0  }
0xb7: {  	s25 =	rddreg [dreg:$0xb];
	[sflag:s11] =	ssyncadd.s32 $0xFFFFF000  }
0xb8: {  	[tilespmem:s10], [sflag:$0x1] =	stream.linear.gather [hbm4b:s25+s3], $0x8000, $0x38;
	[tilespmem:$0x12380] =	vst v63  }
0xb9: {  	s26 =	rddreg [dreg:$0xc]  }
0xba: {  	[tilespmem:s15], [sflag:$0x5] =	stream.linear.gather [hbm4b:s26+s3], $0x1000, $0x38;
	[tilespmem:$0x12380] =	vst v63  }
0xbb: {  	_ =	swait.ge [sflag:s16], $0x8000  }
0xbc: {  	[sflag:s16] =	ssyncset.done $0x0  }
0xbd: {  	[sflag:s16] =	ssyncadd.s32 $0xFFFF8000  }
0xbe: {  	_ =	swait.ge [sflag:s0], $0x1000  }
0xbf: {  	[sflag:s0] =	ssyncset.done $0x0  }
0xc0: {  	[sflag:s0] =	ssyncadd.s32 $0xFFFFF000  }
0xc1: {  	v3 =	vld [tilespmem:$0x280];
	_ =	sdelay $0x4  }
0xc2: {  	v60 =	vshll.u32 v3, $0x3  }
0xc3: {  	v3 =	vand.u32 $0x7, v3;
	v4 =	vand.u32 $0xFFFFFFC0, v60  }
0xc4: {  	v3 =	vor.u32 v3, v4  }
0xc5: {  	v4 =	vperm.xlane v3, v0;
	_ =	sdelay $0x1  }
0xc6: {  	v4 =	vadd.s32 v1, v4;
	_ =	sdelay $0x4  }
0xc7: {  	[hbm4b:s2+s3] =	stream.indirect_vreg.scatter [tilespmem:s10], [sflag:$0x3], $0x80, v4, vm0, $0xb8;
	[tilespmem:$0x12380] =	vst v63  }
0xc8: {  	v3 =	vperm.xlane v3, v2  }
0xc9: {  	[hbm4b:s5+s3] =	stream.indirect_vreg.scatter [tilespmem:s28], [sflag:$0x3], $0x80, v4, vm0, $0xb8;
	[tilespmem:$0x12380] =	vst v63  }
0xca: {  	v3 =	vadd.s32 v1, v3  }
0xcb: {  	[hbm4b:s6+s3] =	stream.indirect_vreg.scatter [tilespmem:s29], [sflag:$0x3], $0x80, v4, vm0, $0xb8;
	[tilespmem:$0x12380] =	vst v63  }
0xcc: {  	_ = 	snop  }
0xcd: {  	[hbm4b:s7+s3] =	stream.indirect_vreg.scatter [tilespmem:s30], [sflag:$0x3], $0x80, v4, vm0, $0xb8;
	[tilespmem:$0x12380] =	vst v63  }
0xce: {  	_ = 	snop  }
0xcf: {  	[hbm4b:s2+s3] =	stream.indirect_vreg.scatter [tilespmem:s31], [sflag:$0x3], $0x80, v3, vm0, $0xb8;
	[tilespmem:$0x12380] =	vst v63  }
0xd0: {  	s10 =	simm.s32 $0x2B80  }
0xd1: {  	[hbm4b:s5+s3] =	stream.indirect_vreg.scatter [tilespmem:s10], [sflag:$0x3], $0x80, v3, vm0, $0xb8;
	[tilespmem:$0x12380] =	vst v63  }
0xd2: {  	_ = 	snop  }
0xd3: {  	[hbm4b:s6+s3] =	stream.indirect_vreg.scatter [tilespmem:s19], [sflag:$0x3], $0x80, v3, vm0, $0xb8;
	[tilespmem:$0x12380] =	vst v63  }
0xd4: {  	_ = 	snop  }
0xd5: {  	[hbm4b:s7+s3] =	stream.indirect_vreg.scatter [tilespmem:s20], [sflag:$0x3], $0x80, v3, vm0, $0xb8;
	[tilespmem:$0x12380] =	vst v63  }
0xd6: {  	v3 =	vld [tilespmem:$0x290];
	_ =	sdelay $0x4  }
0xd7: {  	v61 =	vshll.u32 v3, $0x3  }
0xd8: {  	v3 =	vand.u32 $0x7, v3;
	v4 =	vand.u32 $0xFFFFFFC0, v61  }
0xd9: {  	v3 =	vor.u32 v3, v4  }
0xda: {  	v4 =	vperm.xlane v3, v0;
	_ =	sdelay $0x1  }
0xdb: {  	v4 =	vadd.s32 v1, v4;
	_ =	sdelay $0x3  }
0xdc: {  	s16 =	simm.s32 $0x4380  }
0xdd: {  	[hbm4b:s2+s3] =	stream.indirect_vreg.scatter [tilespmem:s16], [sflag:$0x3], $0x80, v4, vm0, $0xb8;
	[tilespmem:$0x12380] =	vst v63  }
0xde: {  	s25 =	simm.s32 $0x4B80;
	v3 =	vperm.xlane v3, v2  }
0xdf: {  	[hbm4b:s5+s3] =	stream.indirect_vreg.scatter [tilespmem:s25], [sflag:$0x3], $0x80, v4, vm0, $0xb8;
	[tilespmem:$0x12380] =	vst v63  }
0xe0: {  	v3 =	vadd.s32 v1, v3  }
0xe1: {  	[hbm4b:s6+s3] =	stream.indirect_vreg.scatter [tilespmem:s17], [sflag:$0x3], $0x80, v4, vm0, $0xb8;
	[tilespmem:$0x12380] =	vst v63  }
0xe2: {  	s26 =	simm.s32 $0x5B80  }
0xe3: {  	[hbm4b:s7+s3] =	stream.indirect_vreg.scatter [tilespmem:s26], [sflag:$0x3], $0x80, v4, vm0, $0xb8;
	[tilespmem:$0x12380] =	vst v63  }
0xe4: {  	_ = 	snop  }
0xe5: {  	[hbm4b:s2+s3] =	stream.indirect_vreg.scatter [tilespmem:s21], [sflag:$0x3], $0x80, v3, vm0, $0xb8;
	[tilespmem:$0x12380] =	vst v63  }
0xe6: {  	_ = 	snop  }
0xe7: {  	[hbm4b:s5+s3] =	stream.indirect_vreg.scatter [tilespmem:s22], [sflag:$0x3], $0x80, v3, vm0, $0xb8;
	[tilespmem:$0x12380] =	vst v63  }
0xe8: {  	_ = 	snop  }
0xe9: {  	[hbm4b:s6+s3] =	stream.indirect_vreg.scatter [tilespmem:s23], [sflag:$0x3], $0x80, v3, vm0, $0xb8;
	[tilespmem:$0x12380] =	vst v63  }
0xea: {  	_ = 	snop  }
0xeb: {  	[hbm4b:s7+s3] =	stream.indirect_vreg.scatter [tilespmem:s24], [sflag:$0x3], $0x80, v3, vm0, $0xb8;
	[tilespmem:$0x12380] =	vst v63  }
0xec: {  	s15 =	simm.s32 $0x10380;
	s0 =	simm.s32 $0x4;
	s10 =	rddreg [dreg:$0x12]  }
0xed: {  	[hbm4b:s1+s4] =	stream.indirect.scatter [tilespmem:s15], [sflag:$0x7], $0x80, s10, s4, $0xb8;
	[tilespmem:$0x12380] =	vst v63  }
0xee: {  	_ =	swait.ge [sflag:s0], $0x8000  }
0xef: {  	[sflag:s0] =	ssyncset.done $0x0  }
0xf0: {  	s10 =	simm.s32 $0x8;
	[sflag:s0] =	ssyncadd.s32 $0xFFFF8000  }
0xf1: {  	_ =	swait.ge [sflag:s10], $0x1000  }
0xf2: {  	[sflag:s10] =	ssyncset.done $0x0  }
0xf3: {  	s15 =	simm.s32 $0x8380;
	s16 =	rddreg [dreg:$0xd];
	[sflag:s10] =	ssyncadd.s32 $0xFFFFF000  }
0xf4: {  	[tilespmem:s15], [sflag:$0x2] =	stream.linear.gather [hbm4b:s16+s3], $0x8000, $0x38;
	[tilespmem:$0x12380] =	vst v63  }
0xf5: {  	s17 =	rddreg [dreg:$0xe];
	s16 =	simm.s32 $0x11380  }
0xf6: {  	[tilespmem:s16], [sflag:$0x6] =	stream.linear.gather [hbm4b:s17+s3], $0x1000, $0x38;
	[tilespmem:$0x12380] =	vst v63  }
0xf7: {  	_ =	swait.ge [sflag:s12], $0x8000  }
0xf8: {  	[sflag:s12] =	ssyncset.done $0x0  }
0xf9: {  	[sflag:s12] =	ssyncadd.s32 $0xFFFF8000  }
0xfa: {  	_ =	swait.ge [sflag:s13], $0x1000  }
0xfb: {  	[sflag:s13] =	ssyncset.done $0x0  }
0xfc: {  	[sflag:s13] =	ssyncadd.s32 $0xFFFFF000  }
0xfd: {  	v3 =	vld [tilespmem:$0x300];
	_ =	sdelay $0x4  }
0xfe: {  	v62 =	vshll.u32 v3, $0x3  }
0xff: {  	v3 =	vand.u32 $0x7, v3;
	v4 =	vand.u32 $0xFFFFFFC0, v62  }
0x100: {  	v3 =	vor.u32 v3, v4  }
0x101: {  	v4 =	vperm.xlane v3, v0;
	_ =	sdelay $0x1  }
0x102: {  	v4 =	vadd.s32 v1, v4;
	_ =	sdelay $0x4  }
0x103: {  	[hbm4b:s2+s3] =	stream.indirect_vreg.scatter [tilespmem:s15], [sflag:$0x4], $0x80, v4, vm0, $0xb8;
	[tilespmem:$0x12380] =	vst v63  }
0x104: {  	s26 =	simm.s32 $0x8B80;
	v3 =	vperm.xlane v3, v2  }
0x105: {  	[hbm4b:s5+s3] =	stream.indirect_vreg.scatter [tilespmem:s26], [sflag:$0x4], $0x80, v4, vm0, $0xb8;
	[tilespmem:$0x12380] =	vst v63  }
0x106: {  	v3 =	vadd.s32 v1, v3;
	s15 =	simm.s32 $0x9380  }
0x107: {  	[hbm4b:s6+s3] =	stream.indirect_vreg.scatter [tilespmem:s15], [sflag:$0x4], $0x80, v4, vm0, $0xb8;
	[tilespmem:$0x12380] =	vst v63  }
0x108: {  	s17 =	simm.s32 $0x9B80  }
0x109: {  	[hbm4b:s7+s3] =	stream.indirect_vreg.scatter [tilespmem:s17], [sflag:$0x4], $0x80, v4, vm0, $0xb8;
	[tilespmem:$0x12380] =	vst v63  }
0x10a: {  	s25 =	simm.s32 $0xA380  }
0x10b: {  	[hbm4b:s2+s3] =	stream.indirect_vreg.scatter [tilespmem:s25], [sflag:$0x4], $0x80, v3, vm0, $0xb8;
	[tilespmem:$0x12380] =	vst v63  }
0x10c: {  	s26 =	simm.s32 $0xAB80  }
0x10d: {  	[hbm4b:s5+s3] =	stream.indirect_vreg.scatter [tilespmem:s26], [sflag:$0x4], $0x80, v3, vm0, $0xb8;
	[tilespmem:$0x12380] =	vst v63  }
0x10e: {  	s15 =	simm.s32 $0xB380  }
0x10f: {  	[hbm4b:s6+s3] =	stream.indirect_vreg.scatter [tilespmem:s15], [sflag:$0x4], $0x80, v3, vm0, $0xb8;
	[tilespmem:$0x12380] =	vst v63  }
0x110: {  	s17 =	simm.s32 $0xBB80  }
0x111: {  	[hbm4b:s7+s3] =	stream.indirect_vreg.scatter [tilespmem:s17], [sflag:$0x4], $0x80, v3, vm0, $0xb8;
	[tilespmem:$0x12380] =	vst v63  }
0x112: {  	v3 =	vld [tilespmem:$0x310];
	_ =	sdelay $0x4  }
0x113: {  	v63 =	vshll.u32 v3, $0x3  }
0x114: {  	v3 =	vand.u32 $0x7, v3;
	v4 =	vand.u32 $0xFFFFFFC0, v63  }
0x115: {  	v3 =	vor.u32 v3, v4  }
0x116: {  	v4 =	vperm.xlane v3, v0;
	_ =	sdelay $0x1  }
0x117: {  	v4 =	vadd.s32 v1, v4;
	_ =	sdelay $0x3  }
0x118: {  	s25 =	simm.s32 $0xC380  }
0x119: {  	[hbm4b:s2+s3] =	stream.indirect_vreg.scatter [tilespmem:s25], [sflag:$0x4], $0x80, v4, vm0, $0xb8;
	[tilespmem:$0x12380] =	vst v63  }
0x11a: {  	s26 =	simm.s32 $0xCB80;
	v3 =	vperm.xlane v3, v2  }
0x11b: {  	[hbm4b:s5+s3] =	stream.indirect_vreg.scatter [tilespmem:s26], [sflag:$0x4], $0x80, v4, vm0, $0xb8;
	[tilespmem:$0x12380] =	vst v63  }
0x11c: {  	s15 =	simm.s32 $0xD380;
	v3 =	vadd.s32 v1, v3  }
0x11d: {  	[hbm4b:s6+s3] =	stream.indirect_vreg.scatter [tilespmem:s15], [sflag:$0x4], $0x80, v4, vm0, $0xb8;
	[tilespmem:$0x12380] =	vst v63  }
0x11e: {  	s17 =	simm.s32 $0xDB80  }
0x11f: {  	[hbm4b:s7+s3] =	stream.indirect_vreg.scatter [tilespmem:s17], [sflag:$0x4], $0x80, v4, vm0, $0xb8;
	[tilespmem:$0x12380] =	vst v63  }
0x120: {  	s25 =	simm.s32 $0xE380  }
0x121: {  	[hbm4b:s2+s3] =	stream.indirect_vreg.scatter [tilespmem:s25], [sflag:$0x4], $0x80, v3, vm0, $0xb8;
	[tilespmem:$0x12380] =	vst v63  }
0x122: {  	s26 =	simm.s32 $0xEB80  }
0x123: {  	[hbm4b:s5+s3] =	stream.indirect_vreg.scatter [tilespmem:s26], [sflag:$0x4], $0x80, v3, vm0, $0xb8;
	[tilespmem:$0x12380] =	vst v63  }
0x124: {  	s15 =	simm.s32 $0xF380  }
0x125: {  	[hbm4b:s6+s3] =	stream.indirect_vreg.scatter [tilespmem:s15], [sflag:$0x4], $0x80, v3, vm0, $0xb8;
	[tilespmem:$0x12380] =	vst v63  }
0x126: {  	s26 =	simm.s32 $0xFB80  }
0x127: {  	[hbm4b:s7+s3] =	stream.indirect_vreg.scatter [tilespmem:s26], [sflag:$0x4], $0x80, v3, vm0, $0xb8;
	[tilespmem:$0x12380] =	vst v63  }
0x128: {  	s17 =	rddreg [dreg:$0x13]  }
0x129: {  	[hbm4b:s1+s4] =	stream.indirect.scatter [tilespmem:s16], [sflag:$0x8], $0x80, s17, s4, $0xb8;
	[tilespmem:$0x12380] =	vst v63  }
0x12a: {  	_ =	swait.ge [sflag:s9], $0x8000  }
0x12b: {  	[sflag:s9] =	ssyncset.done $0x0  }
0x12c: {  	[sflag:s9] =	ssyncadd.s32 $0xFFFF8000  }
0x12d: {  	_ =	swait.ge [sflag:s11], $0x1000  }
0x12e: {  	[sflag:s11] =	ssyncset.done $0x0  }
0x12f: {  	[sflag:s11] =	ssyncadd.s32 $0xFFFFF000  }
0x130: {  	p0 =	sne.s32 s8, $0x1;
	_ =	swait.ge [sflag:s0], $0x8000  }
.Ltmp0:
0x131: {  	[sflag:s0] =	ssyncset.done $0x0;
	(pc) =	sbr.rel @p0 .LBB2_1-.Ltmp0, $4  }
0x132: {  	[sflag:s0] =	ssyncadd.s32 $0xFFFF8000  }
0x133: {  	_ =	swait.ge [sflag:s10], $0x1000  }
0x134: {  	[sflag:s10] =	ssyncset.done $0x0  }
0x135: {  	s8 =	sadd.s32 $0xFFFFFFFF, s8;
	[sflag:s10] =	ssyncadd.s32 $0xFFFFF000  }
0x136: {  	_ =	sfence.sel $0x180000  }
0x137: {  	[bflag:$0x0] =	sbarrier.arrive $0xFFFF  }
0x138: {  	_ =	strace $0x90000047  }
0x139: {  	s0 =	stileid.u32;
	[bflag:$0x2] =	sbarrier.arrive $0xFFFF  }
0x13a: {  	p0 =	sne.s32 s0, $0x0;
	s0 =	rddreg [dreg:$0x3]  }
0x13b: {  	s0 =	sadd.s32 @!p0 $0x100000, s0  }
0x13c: {  	[sflag:s0] =	ssyncadd.tile.s32 @!p0 $0x1;
	_ =	shalt  }
.Lfunc_end2:
_tile_overlayer_lowered:
.L_overlay_start_2:
0x13d: {  	(tag) =	ssettag $0x2  }
0x13e: {  	s0 =	rddreg [dreg:$0x0];
	s2 =	stileid.u32  }
0x13f: {  	s1 =	rddreg [dreg:$0x1];
	p0 =	sne.s32 s2, $0x0  }
0x140: {  	s3 =	rddreg [dreg:$0x2];
	[bflag:$0x3] =	sbarrier.arrive $0xFFFF;
	s2 =	simm.s32 @!p0 $0x1C09  }
0x141: {  	[timem:s3], [sflag:s2] =	dma.local @!p0 [hbm:s0], s1  }
0x142: {  	s0 =	simm.s32 @!p0 $0x9  }
0x143: {  	_ =	swait.ge @!p0 [sflag:s0], s1  }
0x144: {  	s1 =	ssub.s32 @!p0 $0x0, s1;
	[sflag:s0] =	ssyncset.done @!p0 $0x0  }
0x145: {  	[sflag:s0] =	ssyncadd.s32 @!p0 s1  }
0x146: {  	[bflag:$0x3] =	sbarrier.arrive $0xFFFF  }
0x147: {  	_ =	shalt  }

// kernel: kernel.9.cloned.1.call-start
scs
__scs_entry_jumppad:
0x0: {  	(pc) =	sbr.rel $0x88, $3  }
0x1: {  	(tag) =	ssettag $0x0;
	lr =	simm.s32 $0x1  }
0x2: {  	[smem:$0x3F9D] =	sst lr;
	_ =	strace $0xD0000000  }
0x3: {  	_ = 	snop  }
0x4: {  	_ = 	snop  }
0x5: {  	_ = 	snop  }
0x6: {  	_ = 	snop  }
0x7: {  	_ = 	snop  }
__scs_overlays_trampoline_lowered:
0x8: {  	[smem:$0x3FAC] =	sst s0  }
0x9: {  	[smem:$0x3FAD] =	sst s1  }
0xa: {  	[smem:$0x3FAE] =	sst s2  }
0xb: {  	[smem:$0x3FAF] =	sst s3  }
0xc: {  	[smem:$0x3FB0] =	sst s4  }
0xd: {  	[smem:$0x3FB1] =	sst s5  }
0xe: {  	[smem:$0x3FB2] =	sst s6  }
0xf: {  	[smem:$0x3FB3] =	sst s7  }
0x10: {  	[smem:$0x3FB4] =	sst s8  }
0x11: {  	[smem:$0x3FB5] =	sst s9;
	s0 =	simm.s32 @!p0 $0x0  }
0x12: {  	s1 =	sld [smem:$0x3F9B];
	s0 =	simm.s32 @p0 $0x1  }
0x13: {  	[smem:$0x3FB6] =	sst s0;
	s0 =	simm.s32 @!p1 $0x0  }
0x14: {  	s2 =	sld [smem:$0x3F9A];
	s0 =	simm.s32 @p1 $0x1  }
0x15: {  	[smem:$0x3FB7] =	sst s0;
	s0 =	simm.s32 @!p2 $0x0  }
0x16: {  	s3 =	sld [smem:$0x3FDB];
	s0 =	simm.s32 @p2 $0x1  }
0x17: {  	s4 =	simm.s32 $0x1BF5;
	[smem:$0x3FB9] =	sst s0  }
0x18: {  	s0 =	sld [smem:$0x3F9C];
	_ =	swait.ge [sflag:s4], $0x0  }
0x19: {  	s7 =	sld [smem:$0x3F9D]  }
0x1a: {  	s8 =	sadd.s32 $0xFFFFE003, lr  }
0x1b: {  	s9 =	sadd.s32 $0xFFFFFEF7, lr;
	s5 =	simm.s32 $0xFFFFFFFF;
	p2 =	slt.u32 s8, $0xFFFFF086  }
0x1c: {  	p1 =	slt.u32 s9, $0xF7A;
	s5 =	simm.s32 @!p2 $0x0  }
0x1d: {  	s5 =	simm.s32 @p1 $0x1;
	p0 =	seq.s32 s7, s2  }
0x1e: {  	s7 =	smul.u32 @!p0 $0xF7A, s2;
	p2 =	seq.s32 @!p0 s5, $0x0  }
0x1f: {  	s9 =	smul.u32 $0xF7A, s1;
	s8 =	simm.s32 @!p0 $0x1BF5;
	p2 =	por !p2, p0  }
0x20: {  	[sflag:s8] =	ssyncset.s32 @!p0 $0xFFFFF086;
	s6 =	sadd.s32 @!p0 s3, s7;
	s7 =	simm.s32 @!p0 $0x108  }
0x21: {  	s3 =	sadd.s32 s3, s9;
	s6 =	sadd.s32 @!p0 $0x88, s6;
	s7 =	simm.s32 @p2 $0x1082  }
0x22: {  	[simem:s7], [sflag:s8] =	dma.local @!p0 [hbm:s6], $0xF7A  }
0x23: {  	s9 =	sor.u32 $0xD0000000, s2;
	s6 =	simm.s32 $0x108;
	_ =	swait.ge @!p0 [sflag:s8], $0x0  }
0x24: {  	s3 =	sadd.s32 $0x88, s3;
	s6 =	simm.s32 @!p1 $0x1082;
	[sflag:s4] =	ssyncset.s32 $0xFFFFF086  }
0x25: {  	[simem:s6], [sflag:s4] =	dma.local [hbm:s3], $0xF7A  }
0x26: {  	[smem:$0x3F9D] =	sst s1;
	(tag) =	ssettag s2;
	_ =	strace s9  }
0x27: {  	s1 =	sld [smem:$0x3FAD]  }
0x28: {  	s2 =	sld [smem:$0x3FAE]  }
0x29: {  	s4 =	sld [smem:$0x3FB0]  }
0x2a: {  	p0 =	seq.s32 s5, $0x0;
	s5 =	sld [smem:$0x3FB1]  }
0x2b: {  	s6 =	sld [smem:$0x3FB2]  }
0x2c: {  	s7 =	sld [smem:$0x3FB3]  }
0x2d: {  	s3 =	simm.s32 $0x108;
	s8 =	sld [smem:$0x3FB4]  }
0x2e: {  	s3 =	simm.s32 @!p0 $0x1082;
	s9 =	sld [smem:$0x3FB5]  }
0x2f: {  	lr =	sadd.s32 s0, s3;
	s0 =	sld [smem:$0x3FAC]  }
0x30: {  	s3 =	sld [smem:$0x3FAF]  }
0x31: {  	[smem:$0x3FB8] =	sst s10  }
0x32: {  	s10 =	sld [smem:$0x3FB6];
	_ =	sdelay $0x3  }
0x33: {  	p0 =	seq.s32 s10, $0x1;
	s10 =	sld [smem:$0x3FB8];
	_ =	sdelay $0x3  }
0x34: {  	[smem:$0x3FB8] =	sst s10  }
0x35: {  	s10 =	sld [smem:$0x3FB7];
	_ =	sdelay $0x3  }
0x36: {  	p1 =	seq.s32 s10, $0x1;
	s10 =	sld [smem:$0x3FB8];
	_ =	sdelay $0x3  }
0x37: {  	[smem:$0x3FB8] =	sst s10  }
0x38: {  	s10 =	sld [smem:$0x3FB9]  }
0x39: {  	_ = 	snop;
	(pc) =	sbr.ind lr, $3  }
0x3a: {  	_ = 	snop  }
0x3b: {  	_ = 	snop  }
0x3c: {  	p2 =	seq.s32 s10, $0x1;
	s10 =	sld [smem:$0x3FB8]  }
0x3d: {  	_ =	shalt  }
0x3e: {  	_ =	shalt  }
0x3f: {  	_ =	shalt  }
0x40: {  	_ =	shalt  }
0x41: {  	_ =	shalt  }
0x42: {  	_ =	shalt  }
0x43: {  	_ =	shalt  }
0x44: {  	_ =	shalt  }
0x45: {  	_ =	shalt  }
0x46: {  	_ =	shalt  }
0x47: {  	_ =	shalt  }
0x48: {  	_ =	shalt  }
0x49: {  	_ =	shalt  }
0x4a: {  	_ =	shalt  }
0x4b: {  	_ =	shalt  }
0x4c: {  	_ =	shalt  }
0x4d: {  	_ =	shalt  }
0x4e: {  	_ =	shalt  }
0x4f: {  	_ =	shalt  }
0x50: {  	_ =	shalt  }
0x51: {  	_ =	shalt  }
0x52: {  	_ =	shalt  }
0x53: {  	_ =	shalt  }
0x54: {  	_ =	shalt  }
0x55: {  	_ =	shalt  }
0x56: {  	_ =	shalt  }
0x57: {  	_ =	shalt  }
0x58: {  	_ =	shalt  }
0x59: {  	_ =	shalt  }
0x5a: {  	_ =	shalt  }
0x5b: {  	_ =	shalt  }
0x5c: {  	_ =	shalt  }
0x5d: {  	_ =	shalt  }
0x5e: {  	_ =	shalt  }
0x5f: {  	_ =	shalt  }
0x60: {  	_ =	shalt  }
0x61: {  	_ =	shalt  }
0x62: {  	_ =	shalt  }
0x63: {  	_ =	shalt  }
0x64: {  	_ =	shalt  }
0x65: {  	_ =	shalt  }
0x66: {  	_ =	shalt  }
0x67: {  	_ =	shalt  }
0x68: {  	_ =	shalt  }
0x69: {  	_ =	shalt  }
0x6a: {  	_ =	shalt  }
0x6b: {  	_ =	shalt  }
0x6c: {  	_ =	shalt  }
0x6d: {  	_ =	shalt  }
0x6e: {  	_ =	shalt  }
0x6f: {  	_ =	shalt  }
0x70: {  	_ =	shalt  }
0x71: {  	_ =	shalt  }
0x72: {  	_ =	shalt  }
0x73: {  	_ =	shalt  }
0x74: {  	_ =	shalt  }
0x75: {  	_ =	shalt  }
0x76: {  	_ =	shalt  }
0x77: {  	_ =	shalt  }
0x78: {  	_ =	shalt  }
0x79: {  	_ =	shalt  }
0x7a: {  	_ =	shalt  }
0x7b: {  	_ =	shalt  }
0x7c: {  	_ =	shalt  }
0x7d: {  	_ =	shalt  }
0x7e: {  	_ =	shalt  }
0x7f: {  	_ =	shalt  }
0x80: {  	_ =	shalt  }
0x81: {  	_ =	shalt  }
0x82: {  	_ =	shalt  }
0x83: {  	_ =	shalt  }
0x84: {  	_ =	shalt  }
0x85: {  	_ =	shalt  }
0x86: {  	_ =	shalt  }
0x87: {  	_ =	shalt  }
.Lfunc_end0:
.L_simem_size_0:
called_computation.1_lowered:
.L_overlay_start_0:
0x88: {  	s2 =	sld [smem:$0x3FD9]  }
0x89: {  	s3 =	sld [smem:$0x3FFE];
	_ =	sdelay $0x1  }
0x8a: {  	s1 =	srdreg.scid  }
0x8b: {  	s0 =	sand.u32 $0x1, s1  }
0x8c: {  	s14 =	sshll.u32 s0, $0xA;
	s2 =	sadd.s32 s3, s2  }
0x8d: {  	s2 =	sadd.s32 s2, s14  }
0x8e: {  	[smem:$0x3FC4] =	sst s2  }
0x8f: {  	_ = 	snop  }
0x90: {  	s2 =	sld [smem:$0x3FD0];
	_ =	sdelay $0x2  }
0x91: {  	s15 =	simm.s32 $0xA;
	s4 =	simm.s32 $0x10  }
0x92: {  	[smem:s4], [sflag:s15] =	dma.local [hbm:s2], $0x1  }
0x93: {  	_ =	swait.eq [sflag:s15], $0x1  }
0x94: {  	[sflag:s15] =	ssyncset.done $0x0  }
0x95: {  	[sflag:s15] =	ssyncadd.s32 $0xFFFFFFFF  }
0x96: {  	s16 =	sld [smem:$0x10];
	(tm) =	ssettm $0x1  }
0x97: {  	s17 =	sld [smem:$0x3FFB];
	_ =	sdelay $0x3  }
0x98: {  	_ =	strace s17  }
0x99: {  	s3 =	sld [smem:$0x3FFC];
	_ =	sdelay $0x3  }
0x9a: {  	_ =	strace s3  }
0x9b: {  	s3 =	sld [smem:$0x3FFD];
	_ =	sdelay $0x3  }
0x9c: {  	_ =	strace s3  }
0x9d: {  	_ =	strace $0x8FFFFFFF  }
0x9e: {  	s18 =	sld [smem:$0x3FDB];
	_ =	sdelay $0x1  }
0x9f: {  	s19 =	simm.s32 $_scs_section_size  }
0xa0: {  	s5 =	simm.s32 $_size__tile_overlayer_lowered;
	s6 =	simm.s32 $_tile_overlayer_lowered  }
0xa1: {  	s22 =	simm.s32 $0x1BFF;
	s21 =	sshll.u32 s6, $0x1;
	s3 =	sadd.s32 s19, s18  }
0xa2: {  	s7 =	simm.s32 $0x0;
	s20 =	sshll.u32 s5, $0x1;
	s5 =	sadd.s32 s21, s3  }
0xa3: {  	[timem:s7], [sflag:s22] =	dma.local [hbm:s5], s20  }
0xa4: {  	_ =	swait.ge [sflag:s22], s20  }
0xa5: {  	s4 =	ssub.s32 $0x0, s20;
	[sflag:s22] =	ssyncset.done $0x0  }
0xa6: {  	[sflag:s22] =	ssyncadd.s32 s4;
	_ =	sdelay $0x1  }
0xa7: {  	s23 =	simm.s32 $0x1B8B  }
0xa8: {  	_ =	swait.ge [sflag:s23], $0x1  }
0xa9: {  	[sflag:s23] =	ssyncset.done $0x0  }
0xaa: {  	s25 =	simm.s32 $0x1B8E;
	s24 =	sld [smem:$0x3FFE];
	[sflag:s23] =	ssyncadd.s32 $0xFFFFFFFF  }
0xab: {  	s26 =	simm.s32 $execute0_lowered;
	[smem:$0x3FD2] =	sst s25  }
0xac: {  	s5 =	sshll.u32 s26, $0x1;
	_ =	strace $0x80000049;
	[dreg:$0x1] =	wrdreg $0xFFFFFFFF  }
0xad: {  	s28 =	simm.s32 $_size_execute0_lowered;
	s3 =	sadd.s32 s3, s5;
	[dreg:$0x0] =	wrdreg $0x0  }
0xae: {  	s5 =	sshll.u32 s28, $0x1;
	[dreg:$0x2] =	wrdreg s3  }
0xaf: {  	[dreg:$0x3] =	wrdreg s5  }
0xb0: {  	[dreg:$0x4] =	wrdreg $0xC0  }
0xb1: {  	_ =	task [dreg:s7], $0x5FFFF  }
0xb2: {  	[dreg:$0x1] =	wrdreg $0xFFFFFFFF  }
0xb3: {  	[dreg:$0x0] =	wrdreg $0x60  }
0xb4: {  	[dreg:$0x2] =	wrdreg s24  }
0xb5: {  	[dreg:$0x3] =	wrdreg s16  }
0xb6: {  	[dreg:$0x4] =	wrdreg $0x9  }
0xb7: {  	_ =	task.clear_ibuf [dreg:s7], $0x5FFFF;
	_ =	strace $0x90000049  }
0xb8: {  	s29 =	simm.s32 $0x9;
	_ =	strace $0x8000004B  }
0xb9: {  	_ =	swait.ge [sflag:s29], $0x1  }
0xba: {  	[sflag:s29] =	ssyncadd.s32 $0xFFFFFFFF  }
0xbb: {  	_ =	strace $0x9000004B  }
0xbc: {  	_ =	sfence  }
0xbd: {  	s30 =	sld [smem:$0x0];
	_ =	sdelay $0x2  }
0xbe: {  	s31 =	sshll.u32 s1, $0xD;
	s1 =	sshrl.u32 s1, $0x2  }
0xbf: {  	s3 =	sand.u32 $0x4000, s31;
	s1 =	sadd.s32 s1, s30  }
0xc0: {  	s0 =	sor.u32 s3, s0;
	s1 =	sshll.u32 s1, $0x11  }
0xc1: {  	s0 =	sor.u32 s1, s0  }
0xc2: {  	s0 =	sadd.s32 $0x8F2B, s0  }
0xc3: {  	[sflag:s0] =	ssyncadd.remote.s32 $0x1  }
0xc4: {  	_ =	sfence.sel $0xFFFF  }
0xc5: {  	[dreg:$0x0] =	wrdreg $0xFFFFFFFF;
	(pc) =	sbr.abs _section_cstart, $3  }
0xc6: {  	[dreg:$0x1] =	wrdreg $0xFFFFFFFF  }
0xc7: {  	_ =	task.clear_ibuf [dreg:s7], $0x2FFFF;
	_ =	strace $0x9FFFFFFF  }
0xc8: {  	(tm) =	ssettm $0x7FFFFFFF  }
0xc9: {  	_ =	shalt  }
tec
execute0_lowered:
.L_overlay_start_1:
0x0: {  	(tag) =	ssettag $0x1  }
0x1: {  	s0 =	rddreg [dreg:$0x0]  }
0x2: {  	s1 =	rddreg [dreg:$0x1];
	s2 =	srdreg.scid  }
0x3: {  	s4 =	stileid.u32;
	s26 =	simm.s32 $0x80;
	s10 =	simm.s32 $0x100  }
0x4: {  	s28 =	simm.s32 $0x380;
	s29 =	simm.s32 $0x1380;
	s30 =	simm.s32 $0x1B80  }
0x5: {  	s31 =	simm.s32 $0x2380;
	s11 =	simm.s32 $0x2B80;
	s21 =	simm.s32 $0x3380  }
0x6: {  	s12 =	simm.s32 $0x3B80;
	s13 =	simm.s32 $0x4380;
	s14 =	simm.s32 $0x4B80  }
0x7: {  	s15 =	simm.s32 $0x5380;
	s16 =	simm.s32 $0x5B80;
	s17 =	simm.s32 $0x6380  }
0x8: {  	s18 =	simm.s32 $0x6B80;
	s19 =	simm.s32 $0x7380;
	s20 =	simm.s32 $0x7B80  }
0x9: {  	s9 =	simm.s32 $0x3;
	s3 =	sand.u32 $0x1, s2;
	s2 =	simm.s32 $0x0  }
0xa: {  	s4 =	sshll.u32 s4, $0x8;
	s6 =	sadd.s32 $0x12000, s0;
	s5 =	sshll.u32 s3, $0x7  }
0xb: {  	[smem:$0x7FF] =	sst s2;
	s7 =	ssub.s32 $0x2, s3;
	s3 =	sadd.s32 $0x12200, s0  }
0xc: {  	s4 =	sor.u32 s5, s4;
	_ =	strace $0x8000004A;
	[dreg:$0x3] =	wrdreg s6  }
0xd: {  	s22 =	sshrl.u32 s7, $0x1;
	s5 =	sshrl.u32 s4, $0x3;
	s4 =	sshll.u32 s4, $0x7  }
0xe: {  	[dreg:$0x9] =	wrdreg s26;
	s5 =	sadd.s32 s5, s0;
	s4 =	sadd.s32 s1, s4  }
0xf: {  	s6 =	sadd.s32 $0x12400, s0;
	s23 =	sadd.s32 $0x11C00, s5;
	[dreg:$0xa] =	wrdreg s4  }
0x10: {  	s8 =	ssub.s32 s7, s22;
	s5 =	sadd.s32 $0x11E00, s5;
	[dreg:$0x4] =	wrdreg s23  }
0x11: {  	s7 =	sadd.s32 $0x12500, s0;
	s1 =	sadd.s32 $0x1000, s4;
	[dreg:$0x5] =	wrdreg s5  }
0x12: {  	s22 =	simm.s32 $0x8380;
	s24 =	sadd.s32 $0x2000, s4;
	[dreg:$0x6] =	wrdreg s1  }
0x13: {  	v2 =	vlaneseq.u32;
	s8 =	smax.u32 s8, $0x1;
	s25 =	sadd.s32 $0x3000, s4;
	[dreg:$0x7] =	wrdreg s24  }
0x14: {  	vm0 =	vmmov $0xffff;
	v1 =	vshrl.u32 v2, $0x3;
	s5 =	sadd.s32 $0x12300, s0;
	[dreg:$0x8] =	wrdreg s25;
	s23 =	simm.s32 $0x5  }
0x15: {  	v0 =	vand.u32 $0x7, v2;
	v2 =	vor.u32 $0x8, v2;
	v1 =	vmul.u32 $0x8, v1;
	s24 =	simm.s32 $0xA380;
	s25 =	simm.s32 $0xAB80;
	s1 =	simm.s32 $0x2  }
.LBB2_1:
0x16: {  	s4 =	rddreg [dreg:$0x4]  }
0x17: {  	[tilespmem:s2], [sflag:$0x5] =	stream.linear.gather [hbm4b:s4+s2], $0x80, $0x38;
	[tilespmem:$0x10380] =	vst v63  }
0x18: {  	_ =	swait.ge [sflag:s23], $0x80  }
0x19: {  	s0 =	rddreg [dreg:$0x5];
	[sflag:s23] =	ssyncset.done $0x0  }
0x1a: {  	s26 =	rddreg [dreg:$0x9];
	[sflag:s23] =	ssyncadd.s32 $0xFFFFFF80  }
0x1b: {  	[tilespmem:s26], [sflag:$0x5] =	stream.linear.gather [hbm4b:s0+s2], $0x80, $0x38;
	[tilespmem:$0x10380] =	vst v63  }
0x1c: {  	_ =	swait.ge [sflag:s23], $0x80  }
0x1d: {  	[sflag:s23] =	ssyncset.done $0x0  }
0x1e: {  	s0 =	rddreg [dreg:$0x3];
	[sflag:s23] =	ssyncadd.s32 $0xFFFFFF80  }
0x1f: {  	[tilespmem:s10], [sflag:$0x5] =	stream.linear.gather [hbm4b:s0+s2], $0x80, $0x38;
	[tilespmem:$0x10380] =	vst v63  }
0x20: {  	_ =	swait.ge [sflag:s23], $0x80  }
0x21: {  	[sflag:s23] =	ssyncset.done $0x0  }
0x22: {  	[sflag:s23] =	ssyncadd.s32 $0xFFFFFF80  }
0x23: {  	v3 =	vld [tilespmem:$0x0];
	_ =	sdelay $0x5  }
0x24: {  	v4 =	vld [tilespmem:$0x10]  }
0x25: {  	v5 =	vld [tilespmem:$0x80]  }
0x26: {  	v3 =	vld.idx.msk [tilespmem:v3+s10+$0x0], $0xffff;
	_ =	sdelay $0x4  }
0x27: {  	v42 =	vld [tilespmem:$0x20];
	v3 =	vadd.s32 v3, v5  }
0x28: {  	v6 =	vld [tilespmem:$0x90];
	[tilespmem:$0x180] =	vst v3  }
0x29: {  	v4 =	vld.idx.msk [tilespmem:v4+s10+$0x0], $0xffff;
	_ =	sdelay $0x4  }
0x2a: {  	v43 =	vld [tilespmem:$0x30];
	v4 =	vadd.s32 v4, v6  }
0x2b: {  	v44 =	vld [tilespmem:$0xA0];
	[tilespmem:$0x190] =	vst v4  }
0x2c: {  	v4 =	vld.idx.msk [tilespmem:v42+s10+$0x0], $0xffff;
	_ =	sdelay $0x4  }
0x2d: {  	v45 =	vld [tilespmem:$0x40];
	v4 =	vadd.s32 v4, v44  }
0x2e: {  	v46 =	vld [tilespmem:$0xB0];
	[tilespmem:$0x200] =	vst v4  }
0x2f: {  	v4 =	vld.idx.msk [tilespmem:v43+s10+$0x0], $0xffff;
	_ =	sdelay $0x4  }
0x30: {  	v47 =	vld [tilespmem:$0x50];
	v4 =	vadd.s32 v4, v46  }
0x31: {  	v48 =	vld [tilespmem:$0xC0];
	[tilespmem:$0x210] =	vst v4  }
0x32: {  	v4 =	vld.idx.msk [tilespmem:v45+s10+$0x0], $0xffff;
	_ =	sdelay $0x4  }
0x33: {  	v49 =	vld [tilespmem:$0x60];
	v4 =	vadd.s32 v4, v48  }
0x34: {  	v50 =	vld [tilespmem:$0xD0];
	[tilespmem:$0x280] =	vst v4  }
0x35: {  	v4 =	vld.idx.msk [tilespmem:v47+s10+$0x0], $0xffff;
	_ =	sdelay $0x4  }
0x36: {  	v51 =	vld [tilespmem:$0x70];
	v4 =	vadd.s32 v4, v50  }
0x37: {  	v52 =	vld [tilespmem:$0xE0];
	[tilespmem:$0x290] =	vst v4  }
0x38: {  	v4 =	vld.idx.msk [tilespmem:v49+s10+$0x0], $0xffff;
	_ =	sdelay $0x3  }
0x39: {  	v53 =	vshll.u32 v3, $0x3  }
0x3a: {  	v3 =	vand.u32 $0x7, v3;
	v54 =	vand.u32 $0xFFFFFFC0, v53;
	v4 =	vadd.s32 v4, v52  }
0x3b: {  	v55 =	vld [tilespmem:$0xF0];
	v3 =	vor.u32 v3, v54;
	[tilespmem:$0x300] =	vst v4  }
0x3c: {  	v56 =	vperm.xlane v3, v0;
	v5 =	vld.idx.msk [tilespmem:v51+s10+$0x0], $0xffff;
	_ =	sdelay $0x1  }
0x3d: {  	v6 =	vadd.s32 v1, v56;
	_ =	sdelay $0x2  }
0x3e: {  	v4 =	vadd.s32 v5, v55  }
0x3f: {  	[tilespmem:$0x310] =	vst v4  }
0x40: {  	[tilespmem:s28], [sflag:$0x1] =	stream.indirect_vreg.gather [hbm4b:s3+s2], $0x80, v6, vm0, $0xb8;
	[tilespmem:$0x10380] =	vst v63  }
0x41: {  	s26 =	simm.s32 $0xB80;
	v3 =	vperm.xlane v3, v2  }
0x42: {  	[tilespmem:s26], [sflag:$0x1] =	stream.indirect_vreg.gather [hbm4b:s5+s2], $0x80, v6, vm0, $0xb8;
	[tilespmem:$0x10380] =	vst v63  }
0x43: {  	v3 =	vadd.s32 v1, v3  }
0x44: {  	[tilespmem:s29], [sflag:$0x1] =	stream.indirect_vreg.gather [hbm4b:s6+s2], $0x80, v6, vm0, $0xb8;
	[tilespmem:$0x10380] =	vst v63  }
0x45: {  	_ = 	snop  }
0x46: {  	[tilespmem:s30], [sflag:$0x1] =	stream.indirect_vreg.gather [hbm4b:s7+s2], $0x80, v6, vm0, $0xb8;
	[tilespmem:$0x10380] =	vst v63  }
0x47: {  	_ = 	snop  }
0x48: {  	[tilespmem:s31], [sflag:$0x1] =	stream.indirect_vreg.gather [hbm4b:s3+s2], $0x80, v3, vm0, $0xb8;
	[tilespmem:$0x10380] =	vst v63  }
0x49: {  	_ = 	snop  }
0x4a: {  	[tilespmem:s11], [sflag:$0x1] =	stream.indirect_vreg.gather [hbm4b:s5+s2], $0x80, v3, vm0, $0xb8;
	[tilespmem:$0x10380] =	vst v63  }
0x4b: {  	_ = 	snop  }
0x4c: {  	[tilespmem:s21], [sflag:$0x1] =	stream.indirect_vreg.gather [hbm4b:s6+s2], $0x80, v3, vm0, $0xb8;
	[tilespmem:$0x10380] =	vst v63  }
0x4d: {  	_ = 	snop  }
0x4e: {  	[tilespmem:s12], [sflag:$0x1] =	stream.indirect_vreg.gather [hbm4b:s7+s2], $0x80, v3, vm0, $0xb8;
	[tilespmem:$0x10380] =	vst v63  }
0x4f: {  	v3 =	vld [tilespmem:$0x190];
	_ =	sdelay $0x4  }
0x50: {  	v57 =	vshll.u32 v3, $0x3  }
0x51: {  	v3 =	vand.u32 $0x7, v3;
	v4 =	vand.u32 $0xFFFFFFC0, v57  }
0x52: {  	v3 =	vor.u32 v3, v4  }
0x53: {  	v4 =	vperm.xlane v3, v0;
	_ =	sdelay $0x1  }
0x54: {  	v4 =	vadd.s32 v1, v4;
	_ =	sdelay $0x4  }
0x55: {  	[tilespmem:s13], [sflag:$0x1] =	stream.indirect_vreg.gather [hbm4b:s3+s2], $0x80, v4, vm0, $0xb8;
	[tilespmem:$0x10380] =	vst v63  }
0x56: {  	v3 =	vperm.xlane v3, v2  }
0x57: {  	[tilespmem:s14], [sflag:$0x1] =	stream.indirect_vreg.gather [hbm4b:s5+s2], $0x80, v4, vm0, $0xb8;
	[tilespmem:$0x10380] =	vst v63  }
0x58: {  	v3 =	vadd.s32 v1, v3  }
0x59: {  	[tilespmem:s15], [sflag:$0x1] =	stream.indirect_vreg.gather [hbm4b:s6+s2], $0x80, v4, vm0, $0xb8;
	[tilespmem:$0x10380] =	vst v63  }
0x5a: {  	_ = 	snop  }
0x5b: {  	[tilespmem:s16], [sflag:$0x1] =	stream.indirect_vreg.gather [hbm4b:s7+s2], $0x80, v4, vm0, $0xb8;
	[tilespmem:$0x10380] =	vst v63  }
0x5c: {  	_ = 	snop  }
0x5d: {  	[tilespmem:s17], [sflag:$0x1] =	stream.indirect_vreg.gather [hbm4b:s3+s2], $0x80, v3, vm0, $0xb8;
	[tilespmem:$0x10380] =	vst v63  }
0x5e: {  	_ = 	snop  }
0x5f: {  	[tilespmem:s18], [sflag:$0x1] =	stream.indirect_vreg.gather [hbm4b:s5+s2], $0x80, v3, vm0, $0xb8;
	[tilespmem:$0x10380] =	vst v63  }
0x60: {  	_ = 	snop  }
0x61: {  	[tilespmem:s19], [sflag:$0x1] =	stream.indirect_vreg.gather [hbm4b:s6+s2], $0x80, v3, vm0, $0xb8;
	[tilespmem:$0x10380] =	vst v63  }
0x62: {  	_ = 	snop  }
0x63: {  	[tilespmem:s20], [sflag:$0x1] =	stream.indirect_vreg.gather [hbm4b:s7+s2], $0x80, v3, vm0, $0xb8;
	[tilespmem:$0x10380] =	vst v63  }
0x64: {  	v3 =	vld [tilespmem:$0x200];
	_ =	sdelay $0x4  }
0x65: {  	v58 =	vshll.u32 v3, $0x3  }
0x66: {  	v3 =	vand.u32 $0x7, v3;
	v4 =	vand.u32 $0xFFFFFFC0, v58  }
0x67: {  	v3 =	vor.u32 v3, v4  }
0x68: {  	v4 =	vperm.xlane v3, v0;
	_ =	sdelay $0x1  }
0x69: {  	v4 =	vadd.s32 v1, v4;
	_ =	sdelay $0x4  }
0x6a: {  	[tilespmem:s22], [sflag:$0x2] =	stream.indirect_vreg.gather [hbm4b:s3+s2], $0x80, v4, vm0, $0xb8;
	[tilespmem:$0x10380] =	vst v63  }
0x6b: {  	s0 =	simm.s32 $0x8B80;
	v3 =	vperm.xlane v3, v2  }
0x6c: {  	[tilespmem:s0], [sflag:$0x2] =	stream.indirect_vreg.gather [hbm4b:s5+s2], $0x80, v4, vm0, $0xb8;
	[tilespmem:$0x10380] =	vst v63  }
0x6d: {  	s4 =	simm.s32 $0x9380;
	v3 =	vadd.s32 v1, v3  }
0x6e: {  	[tilespmem:s4], [sflag:$0x2] =	stream.indirect_vreg.gather [hbm4b:s6+s2], $0x80, v4, vm0, $0xb8;
	[tilespmem:$0x10380] =	vst v63  }
0x6f: {  	s4 =	simm.s32 $0x9B80  }
0x70: {  	[tilespmem:s4], [sflag:$0x2] =	stream.indirect_vreg.gather [hbm4b:s7+s2], $0x80, v4, vm0, $0xb8;
	[tilespmem:$0x10380] =	vst v63  }
0x71: {  	_ = 	snop  }
0x72: {  	[tilespmem:s24], [sflag:$0x2] =	stream.indirect_vreg.gather [hbm4b:s3+s2], $0x80, v3, vm0, $0xb8;
	[tilespmem:$0x10380] =	vst v63  }
0x73: {  	_ = 	snop  }
0x74: {  	[tilespmem:s25], [sflag:$0x2] =	stream.indirect_vreg.gather [hbm4b:s5+s2], $0x80, v3, vm0, $0xb8;
	[tilespmem:$0x10380] =	vst v63  }
0x75: {  	s4 =	simm.s32 $0xB380  }
0x76: {  	[tilespmem:s4], [sflag:$0x2] =	stream.indirect_vreg.gather [hbm4b:s6+s2], $0x80, v3, vm0, $0xb8;
	[tilespmem:$0x10380] =	vst v63  }
0x77: {  	s4 =	simm.s32 $0xBB80  }
0x78: {  	[tilespmem:s4], [sflag:$0x2] =	stream.indirect_vreg.gather [hbm4b:s7+s2], $0x80, v3, vm0, $0xb8;
	[tilespmem:$0x10380] =	vst v63  }
0x79: {  	v3 =	vld [tilespmem:$0x210];
	_ =	sdelay $0x4  }
0x7a: {  	v59 =	vshll.u32 v3, $0x3  }
0x7b: {  	v3 =	vand.u32 $0x7, v3;
	v4 =	vand.u32 $0xFFFFFFC0, v59  }
0x7c: {  	v3 =	vor.u32 v3, v4  }
0x7d: {  	v4 =	vperm.xlane v3, v0;
	_ =	sdelay $0x1  }
0x7e: {  	v4 =	vadd.s32 v1, v4;
	_ =	sdelay $0x3  }
0x7f: {  	s4 =	simm.s32 $0xC380  }
0x80: {  	[tilespmem:s4], [sflag:$0x2] =	stream.indirect_vreg.gather [hbm4b:s3+s2], $0x80, v4, vm0, $0xb8;
	[tilespmem:$0x10380] =	vst v63  }
0x81: {  	v3 =	vperm.xlane v3, v2;
	s4 =	simm.s32 $0xCB80  }
0x82: {  	[tilespmem:s4], [sflag:$0x2] =	stream.indirect_vreg.gather [hbm4b:s5+s2], $0x80, v4, vm0, $0xb8;
	[tilespmem:$0x10380] =	vst v63  }
0x83: {  	v3 =	vadd.s32 v1, v3;
	s4 =	simm.s32 $0xD380  }
0x84: {  	[tilespmem:s4], [sflag:$0x2] =	stream.indirect_vreg.gather [hbm4b:s6+s2], $0x80, v4, vm0, $0xb8;
	[tilespmem:$0x10380] =	vst v63  }
0x85: {  	s4 =	simm.s32 $0xDB80  }
0x86: {  	[tilespmem:s4], [sflag:$0x2] =	stream.indirect_vreg.gather [hbm4b:s7+s2], $0x80, v4, vm0, $0xb8;
	[tilespmem:$0x10380] =	vst v63  }
0x87: {  	s4 =	simm.s32 $0xE380  }
0x88: {  	[tilespmem:s4], [sflag:$0x2] =	stream.indirect_vreg.gather [hbm4b:s3+s2], $0x80, v3, vm0, $0xb8;
	[tilespmem:$0x10380] =	vst v63  }
0x89: {  	s4 =	simm.s32 $0xEB80  }
0x8a: {  	[tilespmem:s4], [sflag:$0x2] =	stream.indirect_vreg.gather [hbm4b:s5+s2], $0x80, v3, vm0, $0xb8;
	[tilespmem:$0x10380] =	vst v63  }
0x8b: {  	s4 =	simm.s32 $0xF380  }
0x8c: {  	[tilespmem:s4], [sflag:$0x2] =	stream.indirect_vreg.gather [hbm4b:s6+s2], $0x80, v3, vm0, $0xb8;
	[tilespmem:$0x10380] =	vst v63  }
0x8d: {  	s0 =	simm.s32 $0x1;
	s4 =	simm.s32 $0xFB80  }
0x8e: {  	[tilespmem:s4], [sflag:$0x2] =	stream.indirect_vreg.gather [hbm4b:s7+s2], $0x80, v3, vm0, $0xb8;
	[tilespmem:$0x10380] =	vst v63  }
0x8f: {  	_ =	swait.ge [sflag:s0], $0x8000  }
0x90: {  	[sflag:s0] =	ssyncset.done $0x0  }
0x91: {  	s4 =	rddreg [dreg:$0xa];
	[sflag:s0] =	ssyncadd.s32 $0xFFFF8000  }
0x92: {  	[hbm4b:s4+s2] =	stream.linear.scatter [tilespmem:s28], [sflag:$0x3], $0x8000, $0x38;
	[tilespmem:$0x10380] =	vst v63  }
0x93: {  	_ =	swait.ge [sflag:s1], $0x8000  }
0x94: {  	[sflag:s1] =	ssyncset.done $0x0  }
0x95: {  	s4 =	rddreg [dreg:$0x6];
	[sflag:s1] =	ssyncadd.s32 $0xFFFF8000  }
0x96: {  	[hbm4b:s4+s2] =	stream.linear.scatter [tilespmem:s22], [sflag:$0x4], $0x8000, $0x38;
	[tilespmem:$0x10380] =	vst v63  }
0x97: {  	_ =	swait.ge [sflag:s9], $0x8000  }
0x98: {  	[sflag:s9] =	ssyncset.done $0x0  }
0x99: {  	[sflag:s9] =	ssyncadd.s32 $0xFFFF8000  }
0x9a: {  	v3 =	vld [tilespmem:$0x280];
	_ =	sdelay $0x4  }
0x9b: {  	v60 =	vshll.u32 v3, $0x3  }
0x9c: {  	v3 =	vand.u32 $0x7, v3;
	v4 =	vand.u32 $0xFFFFFFC0, v60  }
0x9d: {  	v3 =	vor.u32 v3, v4  }
0x9e: {  	v4 =	vperm.xlane v3, v0;
	_ =	sdelay $0x1  }
0x9f: {  	v4 =	vadd.s32 v1, v4;
	_ =	sdelay $0x4  }
0xa0: {  	[tilespmem:s28], [sflag:$0x1] =	stream.indirect_vreg.gather [hbm4b:s3+s2], $0x80, v4, vm0, $0xb8;
	[tilespmem:$0x10380] =	vst v63  }
0xa1: {  	v3 =	vperm.xlane v3, v2  }
0xa2: {  	[tilespmem:s26], [sflag:$0x1] =	stream.indirect_vreg.gather [hbm4b:s5+s2], $0x80, v4, vm0, $0xb8;
	[tilespmem:$0x10380] =	vst v63  }
0xa3: {  	v3 =	vadd.s32 v1, v3  }
0xa4: {  	[tilespmem:s29], [sflag:$0x1] =	stream.indirect_vreg.gather [hbm4b:s6+s2], $0x80, v4, vm0, $0xb8;
	[tilespmem:$0x10380] =	vst v63  }
0xa5: {  	_ = 	snop  }
0xa6: {  	[tilespmem:s30], [sflag:$0x1] =	stream.indirect_vreg.gather [hbm4b:s7+s2], $0x80, v4, vm0, $0xb8;
	[tilespmem:$0x10380] =	vst v63  }
0xa7: {  	_ = 	snop  }
0xa8: {  	[tilespmem:s31], [sflag:$0x1] =	stream.indirect_vreg.gather [hbm4b:s3+s2], $0x80, v3, vm0, $0xb8;
	[tilespmem:$0x10380] =	vst v63  }
0xa9: {  	_ = 	snop  }
0xaa: {  	[tilespmem:s11], [sflag:$0x1] =	stream.indirect_vreg.gather [hbm4b:s5+s2], $0x80, v3, vm0, $0xb8;
	[tilespmem:$0x10380] =	vst v63  }
0xab: {  	_ = 	snop  }
0xac: {  	[tilespmem:s21], [sflag:$0x1] =	stream.indirect_vreg.gather [hbm4b:s6+s2], $0x80, v3, vm0, $0xb8;
	[tilespmem:$0x10380] =	vst v63  }
0xad: {  	_ = 	snop  }
0xae: {  	[tilespmem:s12], [sflag:$0x1] =	stream.indirect_vreg.gather [hbm4b:s7+s2], $0x80, v3, vm0, $0xb8;
	[tilespmem:$0x10380] =	vst v63  }
0xaf: {  	v3 =	vld [tilespmem:$0x290];
	_ =	sdelay $0x4  }
0xb0: {  	v61 =	vshll.u32 v3, $0x3  }
0xb1: {  	v3 =	vand.u32 $0x7, v3;
	v4 =	vand.u32 $0xFFFFFFC0, v61  }
0xb2: {  	v3 =	vor.u32 v3, v4  }
0xb3: {  	v4 =	vperm.xlane v3, v0;
	_ =	sdelay $0x1  }
0xb4: {  	v4 =	vadd.s32 v1, v4;
	_ =	sdelay $0x4  }
0xb5: {  	[tilespmem:s13], [sflag:$0x1] =	stream.indirect_vreg.gather [hbm4b:s3+s2], $0x80, v4, vm0, $0xb8;
	[tilespmem:$0x10380] =	vst v63  }
0xb6: {  	v3 =	vperm.xlane v3, v2  }
0xb7: {  	[tilespmem:s14], [sflag:$0x1] =	stream.indirect_vreg.gather [hbm4b:s5+s2], $0x80, v4, vm0, $0xb8;
	[tilespmem:$0x10380] =	vst v63  }
0xb8: {  	v3 =	vadd.s32 v1, v3  }
0xb9: {  	[tilespmem:s15], [sflag:$0x1] =	stream.indirect_vreg.gather [hbm4b:s6+s2], $0x80, v4, vm0, $0xb8;
	[tilespmem:$0x10380] =	vst v63  }
0xba: {  	_ = 	snop  }
0xbb: {  	[tilespmem:s16], [sflag:$0x1] =	stream.indirect_vreg.gather [hbm4b:s7+s2], $0x80, v4, vm0, $0xb8;
	[tilespmem:$0x10380] =	vst v63  }
0xbc: {  	_ = 	snop  }
0xbd: {  	[tilespmem:s17], [sflag:$0x1] =	stream.indirect_vreg.gather [hbm4b:s3+s2], $0x80, v3, vm0, $0xb8;
	[tilespmem:$0x10380] =	vst v63  }
0xbe: {  	_ = 	snop  }
0xbf: {  	[tilespmem:s18], [sflag:$0x1] =	stream.indirect_vreg.gather [hbm4b:s5+s2], $0x80, v3, vm0, $0xb8;
	[tilespmem:$0x10380] =	vst v63  }
0xc0: {  	_ = 	snop  }
0xc1: {  	[tilespmem:s19], [sflag:$0x1] =	stream.indirect_vreg.gather [hbm4b:s6+s2], $0x80, v3, vm0, $0xb8;
	[tilespmem:$0x10380] =	vst v63  }
0xc2: {  	_ = 	snop  }
0xc3: {  	[tilespmem:s20], [sflag:$0x1] =	stream.indirect_vreg.gather [hbm4b:s7+s2], $0x80, v3, vm0, $0xb8;
	[tilespmem:$0x10380] =	vst v63  }
0xc4: {  	_ =	swait.ge [sflag:s0], $0x8000  }
0xc5: {  	[sflag:s0] =	ssyncset.done $0x0  }
0xc6: {  	s26 =	rddreg [dreg:$0x7];
	[sflag:s0] =	ssyncadd.s32 $0xFFFF8000;
	s0 =	simm.s32 $0x4  }
0xc7: {  	[hbm4b:s26+s2] =	stream.linear.scatter [tilespmem:s28], [sflag:$0x3], $0x8000, $0x38;
	[tilespmem:$0x10380] =	vst v63  }
0xc8: {  	_ =	swait.ge [sflag:s0], $0x8000  }
0xc9: {  	[sflag:s0] =	ssyncset.done $0x0  }
0xca: {  	[sflag:s0] =	ssyncadd.s32 $0xFFFF8000  }
0xcb: {  	v3 =	vld [tilespmem:$0x300];
	_ =	sdelay $0x4  }
0xcc: {  	v62 =	vshll.u32 v3, $0x3  }
0xcd: {  	v3 =	vand.u32 $0x7, v3;
	v4 =	vand.u32 $0xFFFFFFC0, v62  }
0xce: {  	v3 =	vor.u32 v3, v4  }
0xcf: {  	v4 =	vperm.xlane v3, v0;
	_ =	sdelay $0x1  }
0xd0: {  	v4 =	vadd.s32 v1, v4;
	_ =	sdelay $0x4  }
0xd1: {  	[tilespmem:s22], [sflag:$0x2] =	stream.indirect_vreg.gather [hbm4b:s3+s2], $0x80, v4, vm0, $0xb8;
	[tilespmem:$0x10380] =	vst v63  }
0xd2: {  	s26 =	simm.s32 $0x8B80;
	v3 =	vperm.xlane v3, v2  }
0xd3: {  	[tilespmem:s26], [sflag:$0x2] =	stream.indirect_vreg.gather [hbm4b:s5+s2], $0x80, v4, vm0, $0xb8;
	[tilespmem:$0x10380] =	vst v63  }
0xd4: {  	v3 =	vadd.s32 v1, v3;
	s26 =	simm.s32 $0x9380  }
0xd5: {  	[tilespmem:s26], [sflag:$0x2] =	stream.indirect_vreg.gather [hbm4b:s6+s2], $0x80, v4, vm0, $0xb8;
	[tilespmem:$0x10380] =	vst v63  }
0xd6: {  	s26 =	simm.s32 $0x9B80  }
0xd7: {  	[tilespmem:s26], [sflag:$0x2] =	stream.indirect_vreg.gather [hbm4b:s7+s2], $0x80, v4, vm0, $0xb8;
	[tilespmem:$0x10380] =	vst v63  }
0xd8: {  	_ = 	snop  }
0xd9: {  	[tilespmem:s24], [sflag:$0x2] =	stream.indirect_vreg.gather [hbm4b:s3+s2], $0x80, v3, vm0, $0xb8;
	[tilespmem:$0x10380] =	vst v63  }
0xda: {  	_ = 	snop  }
0xdb: {  	[tilespmem:s25], [sflag:$0x2] =	stream.indirect_vreg.gather [hbm4b:s5+s2], $0x80, v3, vm0, $0xb8;
	[tilespmem:$0x10380] =	vst v63  }
0xdc: {  	s26 =	simm.s32 $0xB380  }
0xdd: {  	[tilespmem:s26], [sflag:$0x2] =	stream.indirect_vreg.gather [hbm4b:s6+s2], $0x80, v3, vm0, $0xb8;
	[tilespmem:$0x10380] =	vst v63  }
0xde: {  	s26 =	simm.s32 $0xBB80  }
0xdf: {  	[tilespmem:s26], [sflag:$0x2] =	stream.indirect_vreg.gather [hbm4b:s7+s2], $0x80, v3, vm0, $0xb8;
	[tilespmem:$0x10380] =	vst v63  }
0xe0: {  	v3 =	vld [tilespmem:$0x310];
	_ =	sdelay $0x4  }
0xe1: {  	v63 =	vshll.u32 v3, $0x3  }
0xe2: {  	v3 =	vand.u32 $0x7, v3;
	v4 =	vand.u32 $0xFFFFFFC0, v63  }
0xe3: {  	v3 =	vor.u32 v3, v4  }
0xe4: {  	v4 =	vperm.xlane v3, v0;
	_ =	sdelay $0x1  }
0xe5: {  	v4 =	vadd.s32 v1, v4;
	_ =	sdelay $0x3  }
0xe6: {  	s26 =	simm.s32 $0xC380  }
0xe7: {  	[tilespmem:s26], [sflag:$0x2] =	stream.indirect_vreg.gather [hbm4b:s3+s2], $0x80, v4, vm0, $0xb8;
	[tilespmem:$0x10380] =	vst v63  }
0xe8: {  	v3 =	vperm.xlane v3, v2;
	s26 =	simm.s32 $0xCB80  }
0xe9: {  	[tilespmem:s26], [sflag:$0x2] =	stream.indirect_vreg.gather [hbm4b:s5+s2], $0x80, v4, vm0, $0xb8;
	[tilespmem:$0x10380] =	vst v63  }
0xea: {  	v3 =	vadd.s32 v1, v3;
	s26 =	simm.s32 $0xD380  }
0xeb: {  	[tilespmem:s26], [sflag:$0x2] =	stream.indirect_vreg.gather [hbm4b:s6+s2], $0x80, v4, vm0, $0xb8;
	[tilespmem:$0x10380] =	vst v63  }
0xec: {  	s26 =	simm.s32 $0xDB80  }
0xed: {  	[tilespmem:s26], [sflag:$0x2] =	stream.indirect_vreg.gather [hbm4b:s7+s2], $0x80, v4, vm0, $0xb8;
	[tilespmem:$0x10380] =	vst v63  }
0xee: {  	s26 =	simm.s32 $0xE380  }
0xef: {  	[tilespmem:s26], [sflag:$0x2] =	stream.indirect_vreg.gather [hbm4b:s3+s2], $0x80, v3, vm0, $0xb8;
	[tilespmem:$0x10380] =	vst v63  }
0xf0: {  	s26 =	simm.s32 $0xEB80  }
0xf1: {  	[tilespmem:s26], [sflag:$0x2] =	stream.indirect_vreg.gather [hbm4b:s5+s2], $0x80, v3, vm0, $0xb8;
	[tilespmem:$0x10380] =	vst v63  }
0xf2: {  	s26 =	simm.s32 $0xF380  }
0xf3: {  	[tilespmem:s26], [sflag:$0x2] =	stream.indirect_vreg.gather [hbm4b:s6+s2], $0x80, v3, vm0, $0xb8;
	[tilespmem:$0x10380] =	vst v63  }
0xf4: {  	s26 =	simm.s32 $0xFB80  }
0xf5: {  	[tilespmem:s26], [sflag:$0x2] =	stream.indirect_vreg.gather [hbm4b:s7+s2], $0x80, v3, vm0, $0xb8;
	[tilespmem:$0x10380] =	vst v63  }
0xf6: {  	_ =	swait.ge [sflag:s1], $0x8000  }
0xf7: {  	[sflag:s1] =	ssyncset.done $0x0  }
0xf8: {  	s26 =	rddreg [dreg:$0x8];
	[sflag:s1] =	ssyncadd.s32 $0xFFFF8000  }
0xf9: {  	[hbm4b:s26+s2] =	stream.linear.scatter [tilespmem:s22], [sflag:$0x4], $0x8000, $0x38;
	[tilespmem:$0x10380] =	vst v63  }
0xfa: {  	p0 =	sne.s32 s8, $0x1;
	_ =	swait.ge [sflag:s9], $0x8000  }
.Ltmp0:
0xfb: {  	[sflag:s9] =	ssyncset.done $0x0;
	(pc) =	sbr.rel @p0 .LBB2_1-.Ltmp0, $4  }
0xfc: {  	[sflag:s9] =	ssyncadd.s32 $0xFFFF8000  }
0xfd: {  	_ =	swait.ge [sflag:s0], $0x8000  }
0xfe: {  	[sflag:s0] =	ssyncset.done $0x0  }
0xff: {  	s8 =	sadd.s32 $0xFFFFFFFF, s8;
	[sflag:s0] =	ssyncadd.s32 $0xFFFF8000  }
0x100: {  	_ =	sfence.sel $0x180000  }
0x101: {  	[bflag:$0x0] =	sbarrier.arrive $0xFFFF  }
0x102: {  	_ =	strace $0x9000004A  }
0x103: {  	s0 =	stileid.u32;
	[bflag:$0x2] =	sbarrier.arrive $0xFFFF  }
0x104: {  	p0 =	sne.s32 s0, $0x0;
	s0 =	rddreg [dreg:$0x2]  }
0x105: {  	s0 =	sadd.s32 @!p0 $0x100000, s0  }
0x106: {  	[sflag:s0] =	ssyncadd.tile.s32 @!p0 $0x1;
	_ =	shalt  }
.Lfunc_end2:
_tile_overlayer_lowered:
.L_overlay_start_2:
0x107: {  	(tag) =	ssettag $0x2  }
0x108: {  	s0 =	rddreg [dreg:$0x0];
	s2 =	stileid.u32  }
0x109: {  	s1 =	rddreg [dreg:$0x1];
	p0 =	sne.s32 s2, $0x0  }
0x10a: {  	s3 =	rddreg [dreg:$0x2];
	[bflag:$0x3] =	sbarrier.arrive $0xFFFF;
	s2 =	simm.s32 @!p0 $0x1C05  }
0x10b: {  	[timem:s3], [sflag:s2] =	dma.local @!p0 [hbm:s0], s1  }
0x10c: {  	s0 =	simm.s32 @!p0 $0x5  }
0x10d: {  	_ =	swait.ge @!p0 [sflag:s0], s1  }
0x10e: {  	s1 =	ssub.s32 @!p0 $0x0, s1;
	[sflag:s0] =	ssyncset.done @!p0 $0x0  }
0x10f: {  	[sflag:s0] =	ssyncadd.s32 @!p0 s1  }
0x110: {  	[bflag:$0x3] =	sbarrier.arrive $0xFFFF  }
0x111: {  	_ =	shalt  }

</sc_bundles>
